<compile_context>
chip_gen: v7x
topology: tpu7x:2x2x1
jax: 0.10.2.dev20260603
libtpu: 0.0.44.dev20260713+nightly
codegen_flags: <defaults>
</compile_context>

<pallas_src>
import functools

import jax
import jax.numpy as jnp
from jax import lax
from jax.experimental import pallas as pl
from jax.experimental.pallas import tpu as pltpu
from jax.experimental.pallas import tpu_sc as plsc

B, N, E, P = 4, 256, 8192, 512
NODE_F, EDGE_F, MSG = 256, 16, 128
H = 128

_NC, _NS = 2, 16
_NW = _NC * _NS
_PAIRS = B * P
_PPW = _PAIRS // _NW
_TPB = _NW // B
_ROWS = B * N * N // 8


def _sc_gather_body(pp_hbm, iff_hbm, s_hbm,
                    i0_v, i1_v, idxa_v, idxb_v, ga_v, gb_v, sum_v, sema, semb):
    c = lax.axis_index("c")
    s = lax.axis_index("s")
    wid = s * _NC + c
    base = wid * _PPW
    pltpu.sync_copy(pp_hbm.at[pl.ds(base, _PPW)], i0_v)
    pltpu.sync_copy(pp_hbm.at[pl.ds(_PAIRS + base, _PPW)], i1_v)
    bbase = (wid // _TPB) * N * 4096
    lane = lax.broadcasted_iota(jnp.int32, (16,), 0)
    for k in range(_PPW // 16):
        a = i0_v[pl.ds(k * 16, 16)]
        b = i1_v[pl.ds(k * 16, 16)]
        c0a = bbase + a * 4096 + (b >> 7) * 1024 + (b & 127)
        c0b = bbase + b * 4096 + (a >> 7) * 1024 + (a & 127)
        for f in range(EDGE_F):
            foff = (f // 8) * 2048 + (f % 8) * 128
            pos = lane * EDGE_F + (k * 256 + f)
            plsc.store_scatter(idxa_v, [pos], c0a + foff)
            plsc.store_scatter(idxb_v, [pos], c0b + foff)
    ca = pltpu.async_copy(iff_hbm.at[idxa_v], ga_v, sema)
    cb = pltpu.async_copy(iff_hbm.at[idxb_v], gb_v, semb)
    ca.wait()
    cb.wait()
    for q in range(_PPW * EDGE_F // 16):
        sum_v[q // 8, pl.ds((q % 8) * 16, 16)] = (
            ga_v[pl.ds(q * 16, 16)] + gb_v[pl.ds(q * 16, 16)])
    pltpu.sync_copy(sum_v, s_hbm.at[pl.ds(wid * 8, 8)])


@functools.lru_cache(maxsize=1)
def _sc_gather_kernel():
    return pl.kernel(
        _sc_gather_body,
        out_type=jax.ShapeDtypeStruct((_PAIRS * EDGE_F // 128, 128),
                                      jnp.float32),
        mesh=plsc.VectorSubcoreMesh(core_axis_name="c", subcore_axis_name="s"),
        scratch_types=[
            pltpu.VMEM((_PPW,), jnp.int32),
            pltpu.VMEM((_PPW,), jnp.int32),
            pltpu.VMEM((_PPW * EDGE_F,), jnp.int32),
            pltpu.VMEM((_PPW * EDGE_F,), jnp.int32),
            pltpu.VMEM((_PPW * EDGE_F,), jnp.float32),
            pltpu.VMEM((_PPW * EDGE_F,), jnp.float32),
            pltpu.VMEM((8, 128), jnp.float32),
            pltpu.SemaphoreType.DMA,
            pltpu.SemaphoreType.DMA,
        ],
        compiler_params=pltpu.CompilerParams(needs_layout_passes=False),
    )


def _tc1_body(cnf_ref, ei_ref, wn_ref, bn_ref,
              wg1_ref, bg1_ref, wg2_ref, bg2_ref, half_ref):
    f32 = jnp.float32
    x = cnf_ref[0]
    src = ei_ref[0, 0, :]
    dst = ei_ref[0, 1, :]
    cols = lax.broadcasted_iota(jnp.int32, (E, N), 1)
    s_oh = (src[:, None] == cols).astype(jnp.bfloat16)
    d_oh = (dst[:, None] == cols).astype(jnp.bfloat16)
    adj = lax.dot_general(d_oh, s_oh, (((0,), (0,)), ((), ())),
                          preferred_element_type=f32)
    inv_deg = 1.0 / (jnp.sum(adj, axis=1, keepdims=True) + 1.0)

    def gcn(h, w_ref, b_ref):
        y = jnp.dot(h, w_ref[...], preferred_element_type=f32)
        z = (jnp.dot(adj, y, preferred_element_type=f32) + y) * inv_deg
        return jax.nn.relu(z + b_ref[...])

    h1 = gcn(x, wg1_ref, bg1_ref)
    node_emb = gcn(h1, wg2_ref, bg2_ref)
    obj_ft = jnp.dot(x, wn_ref[...], preferred_element_type=f32) + bn_ref[...]
    half_ref[0] = 0.5 * (node_emb + obj_ft)


def _tc2_body(pairs_ref, s_ref, half_ref, we_ref, be_ref,
              wlr1_ref, blr1_ref, wlr2_ref, blr2_ref,
              wcr1_ref, bcr1_ref, wcr2_ref, bcr2_ref,
              wmr1_ref, bmr1_ref, wmr2_ref, bmr2_ref,
              lr_ref, cr_ref, mr_ref):
    f32 = jnp.float32
    half = half_ref[0]
    i0 = pairs_ref[0, :, 0]
    i1 = pairs_ref[0, :, 1]
    pcols = lax.broadcasted_iota(jnp.int32, (P, N), 1)
    p0 = (i0[:, None] == pcols).astype(f32)
    p1 = (i1[:, None] == pcols).astype(f32)
    t0 = jnp.dot(p0, half, preferred_element_type=f32)
    t1 = jnp.dot(p1, half, preferred_element_type=f32)

    spk = s_ref[...]
    ge = 0.5 * jnp.concatenate(
        [spk[:, k * EDGE_F:(k + 1) * EDGE_F] for k in range(8)], axis=0)
    te = jnp.dot(ge, we_ref[...], preferred_element_type=f32) + be_ref[...]

    def head(w1_ref, b1_ref, w2_ref, b2_ref, o_ref):
        w1 = w1_ref[...]
        hid = (jnp.dot(t0, w1[0:MSG, :], preferred_element_type=f32)
               + jnp.dot(t1, w1[MSG:2 * MSG, :], preferred_element_type=f32)
               + jnp.dot(te, w1[2 * MSG:3 * MSG, :], preferred_element_type=f32)
               + b1_ref[...])
        o_ref[0] = jnp.dot(jax.nn.relu(hid), w2_ref[...],
                           preferred_element_type=f32) + b2_ref[...]

    head(wlr1_ref, blr1_ref, wlr2_ref, blr2_ref, lr_ref)
    head(wcr1_ref, bcr1_ref, wcr2_ref, bcr2_ref, cr_ref)
    head(wmr1_ref, bmr1_ref, wmr2_ref, bmr2_ref, mr_ref)


@functools.lru_cache(maxsize=1)
def _tc1():
    full = lambda shp: pl.BlockSpec(shp, lambda b: (0,) * len(shp))
    grid_spec = pl.GridSpec(
        grid=(B,),
        in_specs=[
            pl.BlockSpec((1, N, NODE_F), lambda b: (b, 0, 0)),
            pl.BlockSpec((1, 2, E), lambda b: (b, 0, 0)),
            full((NODE_F, MSG)), full((MSG,)),
            full((NODE_F, MSG)), full((MSG,)),
            full((MSG, MSG)), full((MSG,)),
        ],
        out_specs=pl.BlockSpec((1, N, MSG), lambda b: (b, 0, 0)),
    )
    return pl.pallas_call(
        _tc1_body,
        grid_spec=grid_spec,
        out_shape=jax.ShapeDtypeStruct((B, N, MSG), jnp.float32),
    )


@functools.lru_cache(maxsize=1)
def _tc2():
    full = lambda shp: pl.BlockSpec(shp, lambda b: (0,) * len(shp))
    grid_spec = pl.GridSpec(
        grid=(B,),
        in_specs=[
            pl.BlockSpec((1, P, 2), lambda b: (b, 0, 0)),
            pl.BlockSpec((P * EDGE_F // 128, 128), lambda b: (b, 0)),
            pl.BlockSpec((1, N, MSG), lambda b: (b, 0, 0)),
            full((EDGE_F, MSG)), full((MSG,)),
            full((3 * MSG, H)), full((H,)), full((H, 7)), full((7,)),
            full((3 * MSG, H)), full((H,)), full((H, 5)), full((5,)),
            full((3 * MSG, H)), full((H,)), full((H, 3)), full((3,)),
        ],
        out_specs=[
            pl.BlockSpec((1, P, 7), lambda b: (b, 0, 0)),
            pl.BlockSpec((1, P, 5), lambda b: (b, 0, 0)),
            pl.BlockSpec((1, P, 3), lambda b: (b, 0, 0)),
        ],
    )
    return pl.pallas_call(
        _tc2_body,
        grid_spec=grid_spec,
        out_shape=[
            jax.ShapeDtypeStruct((B, P, 7), jnp.float32),
            jax.ShapeDtypeStruct((B, P, 5), jnp.float32),
            jax.ShapeDtypeStruct((B, P, 3), jnp.float32),
        ],
    )


def kernel(concatenated_node_features, interaction_feature, edge_index,
           object_pairs, W_node, b_node, W_edge, b_edge, W_g1, b_g1,
           W_g2, b_g2, W_lr1, b_lr1, W_lr2, b_lr2, W_cr1, b_cr1,
           W_cr2, b_cr2, W_mr1, b_mr1, W_mr2, b_mr2):
    iff1d = (interaction_feature
             .transpose(0, 1, 3, 2)
             .reshape(B, N, 2, 8, 2, 128)
             .transpose(0, 1, 2, 4, 3, 5)
             .reshape(B * N * N * EDGE_F))
    pp = (object_pairs.reshape(B, 8, 64, 2).transpose(0, 2, 1, 3)
          .reshape(B * P, 2))
    pairs_pack = jnp.concatenate([pp[:, 0], pp[:, 1]])
    s_pack = _sc_gather_kernel()(pairs_pack, iff1d)
    half = _tc1()(concatenated_node_features, edge_index,
                  W_node, b_node, W_g1, b_g1, W_g2, b_g2)
    lr, cr, mr = _tc2()(
        object_pairs, s_pack, half, W_edge, b_edge,
        W_lr1, b_lr1, W_lr2, b_lr2, W_cr1, b_cr1, W_cr2, b_cr2,
        W_mr1, b_mr1, W_mr2, b_mr2)
    return (lr, cr, mr)

# --- scband reference (transcript-rebuilt; emitter-appended) ---
"""Pipeline reference for scband-ooi-net-36180804502188 (READ-ONLY COPY).

The authoritative reference and input builder live on the scoring server;
editing this copy changes nothing except your own understanding.
"""

import jax, jax.numpy as jnp
import numpy as np

B, N, E, P = 4, 256, 8192, 512
NODE_F, EDGE_F, MSG = 256, 16, 128
LR_OUT, CR_OUT, MR_OUT = 7, 5, 3
H = 128
CLS_IN = 3 * MSG

def _init(key, shape, fan_in):
    return jax.random.normal(key, shape, jnp.float32) * (1.0 / np.sqrt(fan_in))

def setup_inputs(seed: int = 0):
    key = jax.random.key(seed)
    ks = jax.random.split(key, 20)
    inp = {}
    inp['concatenated_node_features'] = jax.random.normal(ks[0], (B, N, NODE_F), jnp.float32)
    inp['interaction_feature'] = jax.random.normal(ks[1], (B, N, N, EDGE_F), jnp.float32)
    inp['edge_index'] = jax.random.randint(ks[2], (B, 2, E), 0, N, dtype=jnp.int32)
    inp['object_pairs'] = jax.random.randint(ks[3], (B, P, 2), 0, N, dtype=jnp.int32)
    inp['W_node'] = _init(ks[4], (NODE_F, MSG), NODE_F)
    inp['b_node'] = jnp.zeros((MSG,), jnp.float32)
    inp['W_edge'] = _init(ks[5], (EDGE_F, MSG), EDGE_F)
    inp['b_edge'] = jnp.zeros((MSG,), jnp.float32)
    inp['W_g1'] = _init(ks[6], (NODE_F, MSG), NODE_F)
    inp['b_g1'] = jnp.zeros((MSG,), jnp.float32)
    inp['W_g2'] = _init(ks[7], (MSG, MSG), MSG)
    inp['b_g2'] = jnp.zeros((MSG,), jnp.float32)
    inp['W_lr1'] = _init(ks[8], (CLS_IN, H), CLS_IN)
    inp['b_lr1'] = jnp.zeros((H,), jnp.float32)
    inp['W_lr2'] = _init(ks[9], (H, LR_OUT), H)
    inp['b_lr2'] = jnp.zeros((LR_OUT,), jnp.float32)
    inp['W_cr1'] = _init(ks[10], (CLS_IN, H), CLS_IN)
    inp['b_cr1'] = jnp.zeros((H,), jnp.float32)
    inp['W_cr2'] = _init(ks[11], (H, CR_OUT), H)
    inp['b_cr2'] = jnp.zeros((CR_OUT,), jnp.float32)
    inp['W_mr1'] = _init(ks[12], (CLS_IN, H), CLS_IN)
    inp['b_mr1'] = jnp.zeros((H,), jnp.float32)
    inp['W_mr2'] = _init(ks[13], (H, MR_OUT), H)
    inp['b_mr2'] = jnp.zeros((MR_OUT,), jnp.float32)
    return inp

def reference(concatenated_node_features, interaction_feature, edge_index, object_pairs,
              W_node, b_node, W_edge, b_edge, W_g1, b_g1, W_g2, b_g2,
              W_lr1, b_lr1, W_lr2, b_lr2, W_cr1, b_cr1, W_cr2, b_cr2,
              W_mr1, b_mr1, W_mr2, b_mr2):
    # node/edge feature resize (Linear layers)
    obj_ft = concatenated_node_features @ W_node + b_node          # [B,N,MSG]
    edge_ft = interaction_feature @ W_edge + b_edge                # [B,N,N,MSG]
    # collate_node_features / collate_edge_indices (equal-size graphs)
    x = concatenated_node_features.reshape(B * N, NODE_F)
    offsets = (jnp.arange(B, dtype=edge_index.dtype) * N)[:, None, None]
    ei = (edge_index + offsets).transpose(1, 0, 2).reshape(2, B * E)
    src, dst = ei[0], ei[1]
    def gcn_layer(h, W, b):
        agg = jax.ops.segment_sum(h[src], dst, num_segments=B * N)
        deg = jax.ops.segment_sum(jnp.ones((B * E,), jnp.float32), dst, num_segments=B * N)
        agg = (agg + h) / (deg[:, None] + 1.0)
        return jax.nn.relu(agg @ W + b)
    h = gcn_layer(x, W_g1, b_g1)
    h = gcn_layer(h, W_g2, b_g2)
    node_emb = h.reshape(B, N, MSG)                                # decollate
    # make_classifier_inputs (vectorized gathers)
    bidx = jnp.arange(B)[:, None]
    i0 = object_pairs[:, :, 0]
    i1 = object_pairs[:, :, 1]
    temp_e = 0.5 * (edge_ft[bidx, i0, i1] + edge_ft[bidx, i1, i0])
    n1 = jnp.concatenate([node_emb[bidx, i0], node_emb[bidx, i1]], axis=-1)
    n2 = jnp.concatenate([obj_ft[bidx, i0], obj_ft[bidx, i1]], axis=-1)
    temp_n = 0.5 * (n1 + n2)
    cls_in = jnp.concatenate([temp_n, temp_e], axis=-1)            # [B,P,3*MSG]
    def mlp(z, W1, b1, W2, b2):
        return jax.nn.relu(z @ W1 + b1) @ W2 + b2
    lr = mlp(cls_in, W_lr1, b_lr1, W_lr2, b_lr2)
    cr = mlp(cls_in, W_cr1, b_cr1, W_cr2, b_cr2)
    mr = mlp(cls_in, W_mr1, b_mr1, W_mr2, b_mr2)
    return (lr, cr, mr)

if __name__ == "__main__":
    import jax
    _d = setup_inputs()
    print(jax.jit(kernel)(*tuple(_d.values())))

</pallas_src>

<mosaic_0001>
#map = affine_map<(d0, d1) -> (0)>
#map1 = affine_map<(d0, d1) -> (0, 0)>
module attributes {stable_mosaic.version = 14 : i64} {
  func.func @_sc_gather_body(%arg0: i32, %arg1: i32, %arg2: memref<4096xi32, #tpu.memory_space<hbm>>, %arg3: memref<4194304xf32, #tpu.memory_space<hbm>>, %arg4: memref<256x128xf32, #tpu.memory_space<hbm>>, %arg5: memref<64xi32, #tpu.memory_space<vmem>>, %arg6: memref<64xi32, #tpu.memory_space<vmem>>, %arg7: memref<1024xi32, #tpu.memory_space<vmem>>, %arg8: memref<1024xi32, #tpu.memory_space<vmem>>, %arg9: memref<1024xf32, #tpu.memory_space<vmem>>, %arg10: memref<1024xf32, #tpu.memory_space<vmem>>, %arg11: memref<8x128xf32, #tpu.memory_space<vmem>>, %arg12: memref<!tpu.dma_semaphore, #tpu.memory_space<semaphore_mem>>, %arg13: memref<!tpu.dma_semaphore, #tpu.memory_space<semaphore_mem>>) attributes {dimension_semantics = [#tpu.dimension_semantics<core_parallel>, #tpu.dimension_semantics<subcore_parallel>], iteration_bounds = array<i64: 2, 16>, scalar_prefetch = 0 : i64, scratch_operands = 9 : i64, tpu.core_type = #tpu.core_type<sc_vector_subcore>, window_params = [{transform_indices = #map}, {transform_indices = #map}, {transform_indices = #map1}]} {
    %mul3A = arith.constant 2 : i32
    %mul3A_0 = arith.muli %arg1, %mul3A : i32
    %add3A = arith.addi %mul3A_0, %arg0 : i32
    %mul3A_1 = arith.constant 64 : i32
    %mul3A_2 = arith.muli %add3A, %mul3A_1 : i32
    "tpu.region"() ({
      %run_scoped3A = tpu.sem_alloc : memref<!tpu.dma_semaphore, #tpu.memory_space<semaphore_mem>>
      %dma_start3A_1518 = tpu.memref_slice %arg2[%mul3A_2] : memref<4096xi32, #tpu.memory_space<hbm>> -> memref<64xi32, #tpu.memory_space<hbm>>
      %dma_start3A_1519 = tpu.memref_slice %arg2[%mul3A_2] : memref<4096xi32, #tpu.memory_space<hbm>> -> memref<64xi32, #tpu.memory_space<hbm>>
      tpu.enqueue_dma source(%dma_start3A_1519 : memref<64xi32, #tpu.memory_space<hbm>>) target(%arg5 : memref<64xi32, #tpu.memory_space<vmem>>) target_semaphore(%run_scoped3A : memref<!tpu.dma_semaphore, #tpu.memory_space<semaphore_mem>>)
      %dma_wait3A_1520 = tpu.memref_slice %arg2[%mul3A_2] : memref<4096xi32, #tpu.memory_space<hbm>> -> memref<64xi32, #tpu.memory_space<hbm>>
      %dma_wait3A_1521 = tpu.memref_slice %arg2[%mul3A_2] : memref<4096xi32, #tpu.memory_space<hbm>> -> memref<64xi32, #tpu.memory_space<hbm>>
      tpu.wait_dma2 semaphore(%run_scoped3A : memref<!tpu.dma_semaphore, #tpu.memory_space<semaphore_mem>>) src(%dma_wait3A_1521 : memref<64xi32, #tpu.memory_space<hbm>>) dst(%arg5 : memref<64xi32, #tpu.memory_space<vmem>>)
      tpu.yield
    }) : () -> ()
    %add3A_3 = arith.constant 2048 : i32
    %add3A_4 = arith.addi %add3A_3, %mul3A_2 : i32
    "tpu.region"() ({
      %run_scoped3A = tpu.sem_alloc : memref<!tpu.dma_semaphore, #tpu.memory_space<semaphore_mem>>
      %dma_start3A_1518 = tpu.memref_slice %arg2[%add3A_4] : memref<4096xi32, #tpu.memory_space<hbm>> -> memref<64xi32, #tpu.memory_space<hbm>>
      %dma_start3A_1519 = tpu.memref_slice %arg2[%add3A_4] : memref<4096xi32, #tpu.memory_space<hbm>> -> memref<64xi32, #tpu.memory_space<hbm>>
      tpu.enqueue_dma source(%dma_start3A_1519 : memref<64xi32, #tpu.memory_space<hbm>>) target(%arg6 : memref<64xi32, #tpu.memory_space<vmem>>) target_semaphore(%run_scoped3A : memref<!tpu.dma_semaphore, #tpu.memory_space<semaphore_mem>>)
      %dma_wait3A_1520 = tpu.memref_slice %arg2[%add3A_4] : memref<4096xi32, #tpu.memory_space<hbm>> -> memref<64xi32, #tpu.memory_space<hbm>>
      %dma_wait3A_1521 = tpu.memref_slice %arg2[%add3A_4] : memref<4096xi32, #tpu.memory_space<hbm>> -> memref<64xi32, #tpu.memory_space<hbm>>
      tpu.wait_dma2 semaphore(%run_scoped3A : memref<!tpu.dma_semaphore, #tpu.memory_space<semaphore_mem>>) src(%dma_wait3A_1521 : memref<64xi32, #tpu.memory_space<hbm>>) dst(%arg6 : memref<64xi32, #tpu.memory_space<vmem>>)
      tpu.yield
    }) : () -> ()
    %jit3A = arith.constant 8 : i32
    %div3A = arith.divsi %add3A, %jit3A : i32
    %sign3A = arith.constant 0 : i32
    %sign3A_5 = arith.cmpi sgt, %add3A, %sign3A : i32
    %sign3A_6 = arith.extui %sign3A_5 : i1 to i32
    %sign3A_7 = arith.constant 0 : i32
    %sign3A_8 = arith.cmpi slt, %add3A, %sign3A_7 : i32
    %sign3A_9 = arith.extui %sign3A_8 : i1 to i32
    %sign3A_10 = arith.subi %sign3A_6, %sign3A_9 : i32
    %sign3A_11 = arith.constant 0 : i32
    %sign3A_12 = arith.cmpi sgt, %jit3A, %sign3A_11 : i32
    %sign3A_13 = arith.extui %sign3A_12 : i1 to i32
    %sign3A_14 = arith.constant 0 : i32
    %sign3A_15 = arith.cmpi slt, %jit3A, %sign3A_14 : i32
    %sign3A_16 = arith.extui %sign3A_15 : i1 to i32
    %sign3A_17 = arith.subi %sign3A_13, %sign3A_16 : i32
    %ne3A = arith.cmpi ne, %sign3A_10, %sign3A_17 : i32
    %rem3A = arith.remsi %add3A, %jit3A : i32
    %ne3A_18 = arith.constant 0 : i32
    %ne3A_19 = arith.cmpi ne, %rem3A, %ne3A_18 : i32
    %and3A = arith.andi %ne3A, %ne3A_19 : i1
    %sub3A = arith.constant 1 : i32
    %sub3A_20 = arith.subi %div3A, %sub3A : i32
    %select_n3A = arith.select %and3A, %sub3A_20, %div3A : i32
    %mul3A_21 = arith.constant 256 : i32
    %mul3A_22 = arith.muli %select_n3A, %mul3A_21 : i32
    %mul3A_23 = arith.constant 4096 : i32
    %mul3A_24 = arith.muli %mul3A_22, %mul3A_23 : i32
    %iota3A = tpu.iota {dimensions = array<i32: 0>} : vector<16xi32>
    %get3A = arith.constant 0 : index
    %get3A_25 = tpu.vector_load %arg5[%get3A] {strides = array<i32>} : memref<64xi32, #tpu.memory_space<vmem>>, vector<16xi32>,
    %get3A_26 = arith.constant 0 : index
    %get3A_27 = tpu.vector_load %arg6[%get3A_26] {strides = array<i32>} : memref<64xi32, #tpu.memory_space<vmem>>, vector<16xi32>,
    %mul3A_28 = arith.constant 4096 : i32
    %mul3A_29 = vector.broadcast %mul3A_28 : i32 to vector<16xi32>
    %mul3A_30 = arith.muli %get3A_25, %mul3A_29 : vector<16xi32>
    %add3A_31 = vector.broadcast %mul3A_24 : i32 to vector<16xi32>
    %add3A_32 = arith.addi %add3A_31, %mul3A_30 : vector<16xi32>
    %shift_right_arithmetic3A = arith.constant 7 : i32
    %shift_right_arithmetic3A_33 = vector.broadcast %shift_right_arithmetic3A : i32 to vector<16xi32>
    %shift_right_arithmetic3A_34 = arith.shrsi %get3A_27, %shift_right_arithmetic3A_33 : vector<16xi32>
    %mul3A_35 = arith.constant 1024 : i32
    %mul3A_36 = vector.broadcast %mul3A_35 : i32 to vector<16xi32>
    %mul3A_37 = arith.muli %shift_right_arithmetic3A_34, %mul3A_36 : vector<16xi32>
    %add3A_38 = arith.addi %add3A_32, %mul3A_37 : vector<16xi32>
    %and3A_39 = arith.constant 127 : i32
    %and3A_40 = vector.broadcast %and3A_39 : i32 to vector<16xi32>
    %and3A_41 = arith.andi %get3A_27, %and3A_40 : vector<16xi32>
    %add3A_42 = arith.addi %add3A_38, %and3A_41 : vector<16xi32>
    %mul3A_43 = arith.constant 4096 : i32
    %mul3A_44 = vector.broadcast %mul3A_43 : i32 to vector<16xi32>
    %mul3A_45 = arith.muli %get3A_27, %mul3A_44 : vector<16xi32>
    %add3A_46 = vector.broadcast %mul3A_24 : i32 to vector<16xi32>
    %add3A_47 = arith.addi %add3A_46, %mul3A_45 : vector<16xi32>
    %shift_right_arithmetic3A_48 = arith.constant 7 : i32
    %shift_right_arithmetic3A_49 = vector.broadcast %shift_right_arithmetic3A_48 : i32 to vector<16xi32>
    %shift_right_arithmetic3A_50 = arith.shrsi %get3A_25, %shift_right_arithmetic3A_49 : vector<16xi32>
    %mul3A_51 = arith.constant 1024 : i32
    %mul3A_52 = vector.broadcast %mul3A_51 : i32 to vector<16xi32>
    %mul3A_53 = arith.muli %shift_right_arithmetic3A_50, %mul3A_52 : vector<16xi32>
    %add3A_54 = arith.addi %add3A_47, %mul3A_53 : vector<16xi32>
    %and3A_55 = arith.constant 127 : i32
    %and3A_56 = vector.broadcast %and3A_55 : i32 to vector<16xi32>
    %and3A_57 = arith.andi %get3A_25, %and3A_56 : vector<16xi32>
    %add3A_58 = arith.addi %add3A_54, %and3A_57 : vector<16xi32>
    %mul3A_59 = arith.constant 16 : i32
    %mul3A_60 = vector.broadcast %mul3A_59 : i32 to vector<16xi32>
    %mul3A_61 = arith.muli %iota3A, %mul3A_60 : vector<16xi32>
    %add3A_62 = arith.constant 0 : i32
    %add3A_63 = vector.broadcast %add3A_62 : i32 to vector<16xi32>
    %add3A_64 = arith.addi %mul3A_61, %add3A_63 : vector<16xi32>
    %add3A_65 = arith.constant 0 : i32
    %add3A_66 = vector.broadcast %add3A_65 : i32 to vector<16xi32>
    %add3A_67 = arith.addi %add3A_42, %add3A_66 : vector<16xi32>
    tpu.vector_store_idx %arg7[%add3A_64], %add3A_67 : memref<1024xi32, #tpu.memory_space<vmem>>[vector<16xi32>], vector<16xi32>,
    %add3A_68 = arith.constant 0 : i32
    %add3A_69 = vector.broadcast %add3A_68 : i32 to vector<16xi32>
    %add3A_70 = arith.addi %add3A_58, %add3A_69 : vector<16xi32>
    tpu.vector_store_idx %arg8[%add3A_64], %add3A_70 : memref<1024xi32, #tpu.memory_space<vmem>>[vector<16xi32>], vector<16xi32>,
    %mul3A_71 = arith.constant 16 : i32
    %mul3A_72 = vector.broadcast %mul3A_71 : i32 to vector<16xi32>
    %mul3A_73 = arith.muli %iota3A, %mul3A_72 : vector<16xi32>
    %add3A_74 = arith.constant 1 : i32
    %add3A_75 = vector.broadcast %add3A_74 : i32 to vector<16xi32>
    %add3A_76 = arith.addi %mul3A_73, %add3A_75 : vector<16xi32>
    %add3A_77 = arith.constant 128 : i32
    %add3A_78 = vector.broadcast %add3A_77 : i32 to vector<16xi32>
    %add3A_79 = arith.addi %add3A_42, %add3A_78 : vector<16xi32>
    tpu.vector_store_idx %arg7[%add3A_76], %add3A_79 : memref<1024xi32, #tpu.memory_space<vmem>>[vector<16xi32>], vector<16xi32>,
    %add3A_80 = arith.constant 128 : i32
    %add3A_81 = vector.broadcast %add3A_80 : i32 to vector<16xi32>
    %add3A_82 = arith.addi %add3A_58, %add3A_81 : vector<16xi32>
    tpu.vector_store_idx %arg8[%add3A_76], %add3A_82 : memref<1024xi32, #tpu.memory_space<vmem>>[vector<16xi32>], vector<16xi32>,
    %mul3A_83 = arith.constant 16 : i32
    %mul3A_84 = vector.broadcast %mul3A_83 : i32 to vector<16xi32>
    %mul3A_85 = arith.muli %iota3A, %mul3A_84 : vector<16xi32>
    %add3A_86 = arith.constant 2 : i32
    %add3A_87 = vector.broadcast %add3A_86 : i32 to vector<16xi32>
    %add3A_88 = arith.addi %mul3A_85, %add3A_87 : vector<16xi32>
    %add3A_89 = arith.constant 256 : i32
    %add3A_90 = vector.broadcast %add3A_89 : i32 to vector<16xi32>
    %add3A_91 = arith.addi %add3A_42, %add3A_90 : vector<16xi32>
    tpu.vector_store_idx %arg7[%add3A_88], %add3A_91 : memref<1024xi32, #tpu.memory_space<vmem>>[vector<16xi32>], vector<16xi32>,
    %add3A_92 = arith.constant 256 : i32
    %add3A_93 = vector.broadcast %add3A_92 : i32 to vector<16xi32>
    %add3A_94 = arith.addi %add3A_58, %add3A_93 : vector<16xi32>
    tpu.vector_store_idx %arg8[%add3A_88], %add3A_94 : memref<1024xi32, #tpu.memory_space<vmem>>[vector<16xi32>], vector<16xi32>,
    %mul3A_95 = arith.constant 16 : i32
    %mul3A_96 = vector.broadcast %mul3A_95 : i32 to vector<16xi32>
    %mul3A_97 = arith.muli %iota3A, %mul3A_96 : vector<16xi32>
    %add3A_98 = arith.constant 3 : i32
    %add3A_99 = vector.broadcast %add3A_98 : i32 to vector<16xi32>
    %add3A_100 = arith.addi %mul3A_97, %add3A_99 : vector<16xi32>
    %add3A_101 = arith.constant 384 : i32
    %add3A_102 = vector.broadcast %add3A_101 : i32 to vector<16xi32>
    %add3A_103 = arith.addi %add3A_42, %add3A_102 : vector<16xi32>
    tpu.vector_store_idx %arg7[%add3A_100], %add3A_103 : memref<1024xi32, #tpu.memory_space<vmem>>[vector<16xi32>], vector<16xi32>,
    %add3A_104 = arith.constant 384 : i32
    %add3A_105 = vector.broadcast %add3A_104 : i32 to vector<16xi32>
    %add3A_106 = arith.addi %add3A_58, %add3A_105 : vector<16xi32>
    tpu.vector_store_idx %arg8[%add3A_100], %add3A_106 : memref<1024xi32, #tpu.memory_space<vmem>>[vector<16xi32>], vector<16xi32>,
    %mul3A_107 = arith.constant 16 : i32
    %mul3A_108 = vector.broadcast %mul3A_107 : i32 to vector<16xi32>
    %mul3A_109 = arith.muli %iota3A, %mul3A_108 : vector<16xi32>
    %add3A_110 = arith.constant 4 : i32
    %add3A_111 = vector.broadcast %add3A_110 : i32 to vector<16xi32>
    %add3A_112 = arith.addi %mul3A_109, %add3A_111 : vector<16xi32>
    %add3A_113 = arith.constant 512 : i32
    %add3A_114 = vector.broadcast %add3A_113 : i32 to vector<16xi32>
    %add3A_115 = arith.addi %add3A_42, %add3A_114 : vector<16xi32>
    tpu.vector_store_idx %arg7[%add3A_112], %add3A_115 : memref<1024xi32, #tpu.memory_space<vmem>>[vector<16xi32>], vector<16xi32>,
    %add3A_116 = arith.constant 512 : i32
    %add3A_117 = vector.broadcast %add3A_116 : i32 to vector<16xi32>
    %add3A_118 = arith.addi %add3A_58, %add3A_117 : vector<16xi32>
    tpu.vector_store_idx %arg8[%add3A_112], %add3A_118 : memref<1024xi32, #tpu.memory_space<vmem>>[vector<16xi32>], vector<16xi32>,
    %mul3A_119 = arith.constant 16 : i32
    %mul3A_120 = vector.broadcast %mul3A_119 : i32 to vector<16xi32>
    %mul3A_121 = arith.muli %iota3A, %mul3A_120 : vector<16xi32>
    %add3A_122 = arith.constant 5 : i32
    %add3A_123 = vector.broadcast %add3A_122 : i32 to vector<16xi32>
    %add3A_124 = arith.addi %mul3A_121, %add3A_123 : vector<16xi32>
    %add3A_125 = arith.constant 640 : i32
    %add3A_126 = vector.broadcast %add3A_125 : i32 to vector<16xi32>
    %add3A_127 = arith.addi %add3A_42, %add3A_126 : vector<16xi32>
    tpu.vector_store_idx %arg7[%add3A_124], %add3A_127 : memref<1024xi32, #tpu.memory_space<vmem>>[vector<16xi32>], vector<16xi32>,
    %add3A_128 = arith.constant 640 : i32
    %add3A_129 = vector.broadcast %add3A_128 : i32 to vector<16xi32>
    %add3A_130 = arith.addi %add3A_58, %add3A_129 : vector<16xi32>
    tpu.vector_store_idx %arg8[%add3A_124], %add3A_130 : memref<1024xi32, #tpu.memory_space<vmem>>[vector<16xi32>], vector<16xi32>,
    %mul3A_131 = arith.constant 16 : i32
    %mul3A_132 = vector.broadcast %mul3A_131 : i32 to vector<16xi32>
    %mul3A_133 = arith.muli %iota3A, %mul3A_132 : vector<16xi32>
    %add3A_134 = arith.constant 6 : i32
    %add3A_135 = vector.broadcast %add3A_134 : i32 to vector<16xi32>
    %add3A_136 = arith.addi %mul3A_133, %add3A_135 : vector<16xi32>
    %add3A_137 = arith.constant 768 : i32
    %add3A_138 = vector.broadcast %add3A_137 : i32 to vector<16xi32>
    %add3A_139 = arith.addi %add3A_42, %add3A_138 : vector<16xi32>
    tpu.vector_store_idx %arg7[%add3A_136], %add3A_139 : memref<1024xi32, #tpu.memory_space<vmem>>[vector<16xi32>], vector<16xi32>,
    %add3A_140 = arith.constant 768 : i32
    %add3A_141 = vector.broadcast %add3A_140 : i32 to vector<16xi32>
    %add3A_142 = arith.addi %add3A_58, %add3A_141 : vector<16xi32>
    tpu.vector_store_idx %arg8[%add3A_136], %add3A_142 : memref<1024xi32, #tpu.memory_space<vmem>>[vector<16xi32>], vector<16xi32>,
    %mul3A_143 = arith.constant 16 : i32
    %mul3A_144 = vector.broadcast %mul3A_143 : i32 to vector<16xi32>
    %mul3A_145 = arith.muli %iota3A, %mul3A_144 : vector<16xi32>
    %add3A_146 = arith.constant 7 : i32
    %add3A_147 = vector.broadcast %add3A_146 : i32 to vector<16xi32>
    %add3A_148 = arith.addi %mul3A_145, %add3A_147 : vector<16xi32>
    %add3A_149 = arith.constant 896 : i32
    %add3A_150 = vector.broadcast %add3A_149 : i32 to vector<16xi32>
    %add3A_151 = arith.addi %add3A_42, %add3A_150 : vector<16xi32>
    tpu.vector_store_idx %arg7[%add3A_148], %add3A_151 : memref<1024xi32, #tpu.memory_space<vmem>>[vector<16xi32>], vector<16xi32>,
    %add3A_152 = arith.constant 896 : i32
    %add3A_153 = vector.broadcast %add3A_152 : i32 to vector<16xi32>
    %add3A_154 = arith.addi %add3A_58, %add3A_153 : vector<16xi32>
    tpu.vector_store_idx %arg8[%add3A_148], %add3A_154 : memref<1024xi32, #tpu.memory_space<vmem>>[vector<16xi32>], vector<16xi32>,
    %mul3A_155 = arith.constant 16 : i32
    %mul3A_156 = vector.broadcast %mul3A_155 : i32 to vector<16xi32>
    %mul3A_157 = arith.muli %iota3A, %mul3A_156 : vector<16xi32>
    %add3A_158 = arith.constant 8 : i32
    %add3A_159 = vector.broadcast %add3A_158 : i32 to vector<16xi32>
    %add3A_160 = arith.addi %mul3A_157, %add3A_159 : vector<16xi32>
    %add3A_161 = arith.constant 2048 : i32
    %add3A_162 = vector.broadcast %add3A_161 : i32 to vector<16xi32>
    %add3A_163 = arith.addi %add3A_42, %add3A_162 : vector<16xi32>
    tpu.vector_store_idx %arg7[%add3A_160], %add3A_163 : memref<1024xi32, #tpu.memory_space<vmem>>[vector<16xi32>], vector<16xi32>,
    %add3A_164 = arith.constant 2048 : i32
    %add3A_165 = vector.broadcast %add3A_164 : i32 to vector<16xi32>
    %add3A_166 = arith.addi %add3A_58, %add3A_165 : vector<16xi32>
    tpu.vector_store_idx %arg8[%add3A_160], %add3A_166 : memref<1024xi32, #tpu.memory_space<vmem>>[vector<16xi32>], vector<16xi32>,
    %mul3A_167 = arith.constant 16 : i32
    %mul3A_168 = vector.broadcast %mul3A_167 : i32 to vector<16xi32>
    %mul3A_169 = arith.muli %iota3A, %mul3A_168 : vector<16xi32>
    %add3A_170 = arith.constant 9 : i32
    %add3A_171 = vector.broadcast %add3A_170 : i32 to vector<16xi32>
    %add3A_172 = arith.addi %mul3A_169, %add3A_171 : vector<16xi32>
    %add3A_173 = arith.constant 2176 : i32
    %add3A_174 = vector.broadcast %add3A_173 : i32 to vector<16xi32>
    %add3A_175 = arith.addi %add3A_42, %add3A_174 : vector<16xi32>
    tpu.vector_store_idx %arg7[%add3A_172], %add3A_175 : memref<1024xi32, #tpu.memory_space<vmem>>[vector<16xi32>], vector<16xi32>,
    %add3A_176 = arith.constant 2176 : i32
    %add3A_177 = vector.broadcast %add3A_176 : i32 to vector<16xi32>
    %add3A_178 = arith.addi %add3A_58, %add3A_177 : vector<16xi32>
    tpu.vector_store_idx %arg8[%add3A_172], %add3A_178 : memref<1024xi32, #tpu.memory_space<vmem>>[vector<16xi32>], vector<16xi32>,
    %mul3A_179 = arith.constant 16 : i32
    %mul3A_180 = vector.broadcast %mul3A_179 : i32 to vector<16xi32>
    %mul3A_181 = arith.muli %iota3A, %mul3A_180 : vector<16xi32>
    %add3A_182 = arith.constant 10 : i32
    %add3A_183 = vector.broadcast %add3A_182 : i32 to vector<16xi32>
    %add3A_184 = arith.addi %mul3A_181, %add3A_183 : vector<16xi32>
    %add3A_185 = arith.constant 2304 : i32
    %add3A_186 = vector.broadcast %add3A_185 : i32 to vector<16xi32>
    %add3A_187 = arith.addi %add3A_42, %add3A_186 : vector<16xi32>
    tpu.vector_store_idx %arg7[%add3A_184], %add3A_187 : memref<1024xi32, #tpu.memory_space<vmem>>[vector<16xi32>], vector<16xi32>,
    %add3A_188 = arith.constant 2304 : i32
    %add3A_189 = vector.broadcast %add3A_188 : i32 to vector<16xi32>
    %add3A_190 = arith.addi %add3A_58, %add3A_189 : vector<16xi32>
    tpu.vector_store_idx %arg8[%add3A_184], %add3A_190 : memref<1024xi32, #tpu.memory_space<vmem>>[vector<16xi32>], vector<16xi32>,
    %mul3A_191 = arith.constant 16 : i32
    %mul3A_192 = vector.broadcast %mul3A_191 : i32 to vector<16xi32>
    %mul3A_193 = arith.muli %iota3A, %mul3A_192 : vector<16xi32>
    %add3A_194 = arith.constant 11 : i32
    %add3A_195 = vector.broadcast %add3A_194 : i32 to vector<16xi32>
    %add3A_196 = arith.addi %mul3A_193, %add3A_195 : vector<16xi32>
    %add3A_197 = arith.constant 2432 : i32
    %add3A_198 = vector.broadcast %add3A_197 : i32 to vector<16xi32>
    %add3A_199 = arith.addi %add3A_42, %add3A_198 : vector<16xi32>
    tpu.vector_store_idx %arg7[%add3A_196], %add3A_199 : memref<1024xi32, #tpu.memory_space<vmem>>[vector<16xi32>], vector<16xi32>,
    %add3A_200 = arith.constant 2432 : i32
    %add3A_201 = vector.broadcast %add3A_200 : i32 to vector<16xi32>
    %add3A_202 = arith.addi %add3A_58, %add3A_201 : vector<16xi32>
    tpu.vector_store_idx %arg8[%add3A_196], %add3A_202 : memref<1024xi32, #tpu.memory_space<vmem>>[vector<16xi32>], vector<16xi32>,
    %mul3A_203 = arith.constant 16 : i32
    %mul3A_204 = vector.broadcast %mul3A_203 : i32 to vector<16xi32>
    %mul3A_205 = arith.muli %iota3A, %mul3A_204 : vector<16xi32>
    %add3A_206 = arith.constant 12 : i32
    %add3A_207 = vector.broadcast %add3A_206 : i32 to vector<16xi32>
    %add3A_208 = arith.addi %mul3A_205, %add3A_207 : vector<16xi32>
    %add3A_209 = arith.constant 2560 : i32
    %add3A_210 = vector.broadcast %add3A_209 : i32 to vector<16xi32>
    %add3A_211 = arith.addi %add3A_42, %add3A_210 : vector<16xi32>
    tpu.vector_store_idx %arg7[%add3A_208], %add3A_211 : memref<1024xi32, #tpu.memory_space<vmem>>[vector<16xi32>], vector<16xi32>,
    %add3A_212 = arith.constant 2560 : i32
    %add3A_213 = vector.broadcast %add3A_212 : i32 to vector<16xi32>
    %add3A_214 = arith.addi %add3A_58, %add3A_213 : vector<16xi32>
    tpu.vector_store_idx %arg8[%add3A_208], %add3A_214 : memref<1024xi32, #tpu.memory_space<vmem>>[vector<16xi32>], vector<16xi32>,
    %mul3A_215 = arith.constant 16 : i32
    %mul3A_216 = vector.broadcast %mul3A_215 : i32 to vector<16xi32>
    %mul3A_217 = arith.muli %iota3A, %mul3A_216 : vector<16xi32>
    %add3A_218 = arith.constant 13 : i32
    %add3A_219 = vector.broadcast %add3A_218 : i32 to vector<16xi32>
    %add3A_220 = arith.addi %mul3A_217, %add3A_219 : vector<16xi32>
    %add3A_221 = arith.constant 2688 : i32
    %add3A_222 = vector.broadcast %add3A_221 : i32 to vector<16xi32>
    %add3A_223 = arith.addi %add3A_42, %add3A_222 : vector<16xi32>
    tpu.vector_store_idx %arg7[%add3A_220], %add3A_223 : memref<1024xi32, #tpu.memory_space<vmem>>[vector<16xi32>], vector<16xi32>,
    %add3A_224 = arith.constant 2688 : i32
    %add3A_225 = vector.broadcast %add3A_224 : i32 to vector<16xi32>
    %add3A_226 = arith.addi %add3A_58, %add3A_225 : vector<16xi32>
    tpu.vector_store_idx %arg8[%add3A_220], %add3A_226 : memref<1024xi32, #tpu.memory_space<vmem>>[vector<16xi32>], vector<16xi32>,
    %mul3A_227 = arith.constant 16 : i32
    %mul3A_228 = vector.broadcast %mul3A_227 : i32 to vector<16xi32>
    %mul3A_229 = arith.muli %iota3A, %mul3A_228 : vector<16xi32>
    %add3A_230 = arith.constant 14 : i32
    %add3A_231 = vector.broadcast %add3A_230 : i32 to vector<16xi32>
    %add3A_232 = arith.addi %mul3A_229, %add3A_231 : vector<16xi32>
    %add3A_233 = arith.constant 2816 : i32
    %add3A_234 = vector.broadcast %add3A_233 : i32 to vector<16xi32>
    %add3A_235 = arith.addi %add3A_42, %add3A_234 : vector<16xi32>
    tpu.vector_store_idx %arg7[%add3A_232], %add3A_235 : memref<1024xi32, #tpu.memory_space<vmem>>[vector<16xi32>], vector<16xi32>,
    %add3A_236 = arith.constant 2816 : i32
    %add3A_237 = vector.broadcast %add3A_236 : i32 to vector<16xi32>
    %add3A_238 = arith.addi %add3A_58, %add3A_237 : vector<16xi32>
    tpu.vector_store_idx %arg8[%add3A_232], %add3A_238 : memref<1024xi32, #tpu.memory_space<vmem>>[vector<16xi32>], vector<16xi32>,
    %mul3A_239 = arith.constant 16 : i32
    %mul3A_240 = vector.broadcast %mul3A_239 : i32 to vector<16xi32>
    %mul3A_241 = arith.muli %iota3A, %mul3A_240 : vector<16xi32>
    %add3A_242 = arith.constant 15 : i32
    %add3A_243 = vector.broadcast %add3A_242 : i32 to vector<16xi32>
    %add3A_244 = arith.addi %mul3A_241, %add3A_243 : vector<16xi32>
    %add3A_245 = arith.constant 2944 : i32
    %add3A_246 = vector.broadcast %add3A_245 : i32 to vector<16xi32>
    %add3A_247 = arith.addi %add3A_42, %add3A_246 : vector<16xi32>
    tpu.vector_store_idx %arg7[%add3A_244], %add3A_247 : memref<1024xi32, #tpu.memory_space<vmem>>[vector<16xi32>], vector<16xi32>,
    %add3A_248 = arith.constant 2944 : i32
    %add3A_249 = vector.broadcast %add3A_248 : i32 to vector<16xi32>
    %add3A_250 = arith.addi %add3A_58, %add3A_249 : vector<16xi32>
    tpu.vector_store_idx %arg8[%add3A_244], %add3A_250 : memref<1024xi32, #tpu.memory_space<vmem>>[vector<16xi32>], vector<16xi32>,
    %get3A_251 = arith.constant 16 : index
    %get3A_252 = tpu.vector_load %arg5[%get3A_251] {strides = array<i32>} : memref<64xi32, #tpu.memory_space<vmem>>, vector<16xi32>,
    %get3A_253 = arith.constant 16 : index
    %get3A_254 = tpu.vector_load %arg6[%get3A_253] {strides = array<i32>} : memref<64xi32, #tpu.memory_space<vmem>>, vector<16xi32>,
    %mul3A_255 = arith.constant 4096 : i32
    %mul3A_256 = vector.broadcast %mul3A_255 : i32 to vector<16xi32>
    %mul3A_257 = arith.muli %get3A_252, %mul3A_256 : vector<16xi32>
    %add3A_258 = vector.broadcast %mul3A_24 : i32 to vector<16xi32>
    %add3A_259 = arith.addi %add3A_258, %mul3A_257 : vector<16xi32>
    %shift_right_arithmetic3A_260 = arith.constant 7 : i32
    %shift_right_arithmetic3A_261 = vector.broadcast %shift_right_arithmetic3A_260 : i32 to vector<16xi32>
    %shift_right_arithmetic3A_262 = arith.shrsi %get3A_254, %shift_right_arithmetic3A_261 : vector<16xi32>
    %mul3A_263 = arith.constant 1024 : i32
    %mul3A_264 = vector.broadcast %mul3A_263 : i32 to vector<16xi32>
    %mul3A_265 = arith.muli %shift_right_arithmetic3A_262, %mul3A_264 : vector<16xi32>
    %add3A_266 = arith.addi %add3A_259, %mul3A_265 : vector<16xi32>
    %and3A_267 = arith.constant 127 : i32
    %and3A_268 = vector.broadcast %and3A_267 : i32 to vector<16xi32>
    %and3A_269 = arith.andi %get3A_254, %and3A_268 : vector<16xi32>
    %add3A_270 = arith.addi %add3A_266, %and3A_269 : vector<16xi32>
    %mul3A_271 = arith.constant 4096 : i32
    %mul3A_272 = vector.broadcast %mul3A_271 : i32 to vector<16xi32>
    %mul3A_273 = arith.muli %get3A_254, %mul3A_272 : vector<16xi32>
    %add3A_274 = vector.broadcast %mul3A_24 : i32 to vector<16xi32>
    %add3A_275 = arith.addi %add3A_274, %mul3A_273 : vector<16xi32>
    %shift_right_arithmetic3A_276 = arith.constant 7 : i32
    %shift_right_arithmetic3A_277 = vector.broadcast %shift_right_arithmetic3A_276 : i32 to vector<16xi32>
    %shift_right_arithmetic3A_278 = arith.shrsi %get3A_252, %shift_right_arithmetic3A_277 : vector<16xi32>
    %mul3A_279 = arith.constant 1024 : i32
    %mul3A_280 = vector.broadcast %mul3A_279 : i32 to vector<16xi32>
    %mul3A_281 = arith.muli %shift_right_arithmetic3A_278, %mul3A_280 : vector<16xi32>
    %add3A_282 = arith.addi %add3A_275, %mul3A_281 : vector<16xi32>
    %and3A_283 = arith.constant 127 : i32
    %and3A_284 = vector.broadcast %and3A_283 : i32 to vector<16xi32>
    %and3A_285 = arith.andi %get3A_252, %and3A_284 : vector<16xi32>
    %add3A_286 = arith.addi %add3A_282, %and3A_285 : vector<16xi32>
    %mul3A_287 = arith.constant 16 : i32
    %mul3A_288 = vector.broadcast %mul3A_287 : i32 to vector<16xi32>
    %mul3A_289 = arith.muli %iota3A, %mul3A_288 : vector<16xi32>
    %add3A_290 = arith.constant 256 : i32
    %add3A_291 = vector.broadcast %add3A_290 : i32 to vector<16xi32>
    %add3A_292 = arith.addi %mul3A_289, %add3A_291 : vector<16xi32>
    %add3A_293 = arith.constant 0 : i32
    %add3A_294 = vector.broadcast %add3A_293 : i32 to vector<16xi32>
    %add3A_295 = arith.addi %add3A_270, %add3A_294 : vector<16xi32>
    tpu.vector_store_idx %arg7[%add3A_292], %add3A_295 : memref<1024xi32, #tpu.memory_space<vmem>>[vector<16xi32>], vector<16xi32>,
    %add3A_296 = arith.constant 0 : i32
    %add3A_297 = vector.broadcast %add3A_296 : i32 to vector<16xi32>
    %add3A_298 = arith.addi %add3A_286, %add3A_297 : vector<16xi32>
    tpu.vector_store_idx %arg8[%add3A_292], %add3A_298 : memref<1024xi32, #tpu.memory_space<vmem>>[vector<16xi32>], vector<16xi32>,
    %mul3A_299 = arith.constant 16 : i32
    %mul3A_300 = vector.broadcast %mul3A_299 : i32 to vector<16xi32>
    %mul3A_301 = arith.muli %iota3A, %mul3A_300 : vector<16xi32>
    %add3A_302 = arith.constant 257 : i32
    %add3A_303 = vector.broadcast %add3A_302 : i32 to vector<16xi32>
    %add3A_304 = arith.addi %mul3A_301, %add3A_303 : vector<16xi32>
    %add3A_305 = arith.constant 128 : i32
    %add3A_306 = vector.broadcast %add3A_305 : i32 to vector<16xi32>
    %add3A_307 = arith.addi %add3A_270, %add3A_306 : vector<16xi32>
    tpu.vector_store_idx %arg7[%add3A_304], %add3A_307 : memref<1024xi32, #tpu.memory_space<vmem>>[vector<16xi32>], vector<16xi32>,
    %add3A_308 = arith.constant 128 : i32
    %add3A_309 = vector.broadcast %add3A_308 : i32 to vector<16xi32>
    %add3A_310 = arith.addi %add3A_286, %add3A_309 : vector<16xi32>
    tpu.vector_store_idx %arg8[%add3A_304], %add3A_310 : memref<1024xi32, #tpu.memory_space<vmem>>[vector<16xi32>], vector<16xi32>,
    %mul3A_311 = arith.constant 16 : i32
    %mul3A_312 = vector.broadcast %mul3A_311 : i32 to vector<16xi32>
    %mul3A_313 = arith.muli %iota3A, %mul3A_312 : vector<16xi32>
    %add3A_314 = arith.constant 258 : i32
    %add3A_315 = vector.broadcast %add3A_314 : i32 to vector<16xi32>
    %add3A_316 = arith.addi %mul3A_313, %add3A_315 : vector<16xi32>
    %add3A_317 = arith.constant 256 : i32
    %add3A_318 = vector.broadcast %add3A_317 : i32 to vector<16xi32>
    %add3A_319 = arith.addi %add3A_270, %add3A_318 : vector<16xi32>
    tpu.vector_store_idx %arg7[%add3A_316], %add3A_319 : memref<1024xi32, #tpu.memory_space<vmem>>[vector<16xi32>], vector<16xi32>,
    %add3A_320 = arith.constant 256 : i32
    %add3A_321 = vector.broadcast %add3A_320 : i32 to vector<16xi32>
    %add3A_322 = arith.addi %add3A_286, %add3A_321 : vector<16xi32>
    tpu.vector_store_idx %arg8[%add3A_316], %add3A_322 : memref<1024xi32, #tpu.memory_space<vmem>>[vector<16xi32>], vector<16xi32>,
    %mul3A_323 = arith.constant 16 : i32
    %mul3A_324 = vector.broadcast %mul3A_323 : i32 to vector<16xi32>
    %mul3A_325 = arith.muli %iota3A, %mul3A_324 : vector<16xi32>
    %add3A_326 = arith.constant 259 : i32
    %add3A_327 = vector.broadcast %add3A_326 : i32 to vector<16xi32>
    %add3A_328 = arith.addi %mul3A_325, %add3A_327 : vector<16xi32>
    %add3A_329 = arith.constant 384 : i32
    %add3A_330 = vector.broadcast %add3A_329 : i32 to vector<16xi32>
    %add3A_331 = arith.addi %add3A_270, %add3A_330 : vector<16xi32>
    tpu.vector_store_idx %arg7[%add3A_328], %add3A_331 : memref<1024xi32, #tpu.memory_space<vmem>>[vector<16xi32>], vector<16xi32>,
    %add3A_332 = arith.constant 384 : i32
    %add3A_333 = vector.broadcast %add3A_332 : i32 to vector<16xi32>
    %add3A_334 = arith.addi %add3A_286, %add3A_333 : vector<16xi32>
    tpu.vector_store_idx %arg8[%add3A_328], %add3A_334 : memref<1024xi32, #tpu.memory_space<vmem>>[vector<16xi32>], vector<16xi32>,
    %mul3A_335 = arith.constant 16 : i32
    %mul3A_336 = vector.broadcast %mul3A_335 : i32 to vector<16xi32>
    %mul3A_337 = arith.muli %iota3A, %mul3A_336 : vector<16xi32>
    %add3A_338 = arith.constant 260 : i32
    %add3A_339 = vector.broadcast %add3A_338 : i32 to vector<16xi32>
    %add3A_340 = arith.addi %mul3A_337, %add3A_339 : vector<16xi32>
    %add3A_341 = arith.constant 512 : i32
    %add3A_342 = vector.broadcast %add3A_341 : i32 to vector<16xi32>
    %add3A_343 = arith.addi %add3A_270, %add3A_342 : vector<16xi32>
    tpu.vector_store_idx %arg7[%add3A_340], %add3A_343 : memref<1024xi32, #tpu.memory_space<vmem>>[vector<16xi32>], vector<16xi32>,
    %add3A_344 = arith.constant 512 : i32
    %add3A_345 = vector.broadcast %add3A_344 : i32 to vector<16xi32>
    %add3A_346 = arith.addi %add3A_286, %add3A_345 : vector<16xi32>
    tpu.vector_store_idx %arg8[%add3A_340], %add3A_346 : memref<1024xi32, #tpu.memory_space<vmem>>[vector<16xi32>], vector<16xi32>,
    %mul3A_347 = arith.constant 16 : i32
    %mul3A_348 = vector.broadcast %mul3A_347 : i32 to vector<16xi32>
    %mul3A_349 = arith.muli %iota3A, %mul3A_348 : vector<16xi32>
    %add3A_350 = arith.constant 261 : i32
    %add3A_351 = vector.broadcast %add3A_350 : i32 to vector<16xi32>
    %add3A_352 = arith.addi %mul3A_349, %add3A_351 : vector<16xi32>
    %add3A_353 = arith.constant 640 : i32
    %add3A_354 = vector.broadcast %add3A_353 : i32 to vector<16xi32>
    %add3A_355 = arith.addi %add3A_270, %add3A_354 : vector<16xi32>
    tpu.vector_store_idx %arg7[%add3A_352], %add3A_355 : memref<1024xi32, #tpu.memory_space<vmem>>[vector<16xi32>], vector<16xi32>,
    %add3A_356 = arith.constant 640 : i32
    %add3A_357 = vector.broadcast %add3A_356 : i32 to vector<16xi32>
    %add3A_358 = arith.addi %add3A_286, %add3A_357 : vector<16xi32>
    tpu.vector_store_idx %arg8[%add3A_352], %add3A_358 : memref<1024xi32, #tpu.memory_space<vmem>>[vector<16xi32>], vector<16xi32>,
    %mul3A_359 = arith.constant 16 : i32
    %mul3A_360 = vector.broadcast %mul3A_359 : i32 to vector<16xi32>
    %mul3A_361 = arith.muli %iota3A, %mul3A_360 : vector<16xi32>
    %add3A_362 = arith.constant 262 : i32
    %add3A_363 = vector.broadcast %add3A_362 : i32 to vector<16xi32>
    %add3A_364 = arith.addi %mul3A_361, %add3A_363 : vector<16xi32>
    %add3A_365 = arith.constant 768 : i32
    %add3A_366 = vector.broadcast %add3A_365 : i32 to vector<16xi32>
    %add3A_367 = arith.addi %add3A_270, %add3A_366 : vector<16xi32>
    tpu.vector_store_idx %arg7[%add3A_364], %add3A_367 : memref<1024xi32, #tpu.memory_space<vmem>>[vector<16xi32>], vector<16xi32>,
    %add3A_368 = arith.constant 768 : i32
    %add3A_369 = vector.broadcast %add3A_368 : i32 to vector<16xi32>
    %add3A_370 = arith.addi %add3A_286, %add3A_369 : vector<16xi32>
    tpu.vector_store_idx %arg8[%add3A_364], %add3A_370 : memref<1024xi32, #tpu.memory_space<vmem>>[vector<16xi32>], vector<16xi32>,
    %mul3A_371 = arith.constant 16 : i32
    %mul3A_372 = vector.broadcast %mul3A_371 : i32 to vector<16xi32>
    %mul3A_373 = arith.muli %iota3A, %mul3A_372 : vector<16xi32>
    %add3A_374 = arith.constant 263 : i32
    %add3A_375 = vector.broadcast %add3A_374 : i32 to vector<16xi32>
    %add3A_376 = arith.addi %mul3A_373, %add3A_375 : vector<16xi32>
    %add3A_377 = arith.constant 896 : i32
    %add3A_378 = vector.broadcast %add3A_377 : i32 to vector<16xi32>
    %add3A_379 = arith.addi %add3A_270, %add3A_378 : vector<16xi32>
    tpu.vector_store_idx %arg7[%add3A_376], %add3A_379 : memref<1024xi32, #tpu.memory_space<vmem>>[vector<16xi32>], vector<16xi32>,
    %add3A_380 = arith.constant 896 : i32
    %add3A_381 = vector.broadcast %add3A_380 : i32 to vector<16xi32>
    %add3A_382 = arith.addi %add3A_286, %add3A_381 : vector<16xi32>
    tpu.vector_store_idx %arg8[%add3A_376], %add3A_382 : memref<1024xi32, #tpu.memory_space<vmem>>[vector<16xi32>], vector<16xi32>,
    %mul3A_383 = arith.constant 16 : i32
    %mul3A_384 = vector.broadcast %mul3A_383 : i32 to vector<16xi32>
    %mul3A_385 = arith.muli %iota3A, %mul3A_384 : vector<16xi32>
    %add3A_386 = arith.constant 264 : i32
    %add3A_387 = vector.broadcast %add3A_386 : i32 to vector<16xi32>
    %add3A_388 = arith.addi %mul3A_385, %add3A_387 : vector<16xi32>
    %add3A_389 = arith.constant 2048 : i32
    %add3A_390 = vector.broadcast %add3A_389 : i32 to vector<16xi32>
    %add3A_391 = arith.addi %add3A_270, %add3A_390 : vector<16xi32>
    tpu.vector_store_idx %arg7[%add3A_388], %add3A_391 : memref<1024xi32, #tpu.memory_space<vmem>>[vector<16xi32>], vector<16xi32>,
    %add3A_392 = arith.constant 2048 : i32
    %add3A_393 = vector.broadcast %add3A_392 : i32 to vector<16xi32>
    %add3A_394 = arith.addi %add3A_286, %add3A_393 : vector<16xi32>
    tpu.vector_store_idx %arg8[%add3A_388], %add3A_394 : memref<1024xi32, #tpu.memory_space<vmem>>[vector<16xi32>], vector<16xi32>,
    %mul3A_395 = arith.constant 16 : i32
    %mul3A_396 = vector.broadcast %mul3A_395 : i32 to vector<16xi32>
    %mul3A_397 = arith.muli %iota3A, %mul3A_396 : vector<16xi32>
    %add3A_398 = arith.constant 265 : i32
    %add3A_399 = vector.broadcast %add3A_398 : i32 to vector<16xi32>
    %add3A_400 = arith.addi %mul3A_397, %add3A_399 : vector<16xi32>
    %add3A_401 = arith.constant 2176 : i32
    %add3A_402 = vector.broadcast %add3A_401 : i32 to vector<16xi32>
    %add3A_403 = arith.addi %add3A_270, %add3A_402 : vector<16xi32>
    tpu.vector_store_idx %arg7[%add3A_400], %add3A_403 : memref<1024xi32, #tpu.memory_space<vmem>>[vector<16xi32>], vector<16xi32>,
    %add3A_404 = arith.constant 2176 : i32
    %add3A_405 = vector.broadcast %add3A_404 : i32 to vector<16xi32>
    %add3A_406 = arith.addi %add3A_286, %add3A_405 : vector<16xi32>
    tpu.vector_store_idx %arg8[%add3A_400], %add3A_406 : memref<1024xi32, #tpu.memory_space<vmem>>[vector<16xi32>], vector<16xi32>,
    %mul3A_407 = arith.constant 16 : i32
    %mul3A_408 = vector.broadcast %mul3A_407 : i32 to vector<16xi32>
    %mul3A_409 = arith.muli %iota3A, %mul3A_408 : vector<16xi32>
    %add3A_410 = arith.constant 266 : i32
    %add3A_411 = vector.broadcast %add3A_410 : i32 to vector<16xi32>
    %add3A_412 = arith.addi %mul3A_409, %add3A_411 : vector<16xi32>
    %add3A_413 = arith.constant 2304 : i32
    %add3A_414 = vector.broadcast %add3A_413 : i32 to vector<16xi32>
    %add3A_415 = arith.addi %add3A_270, %add3A_414 : vector<16xi32>
    tpu.vector_store_idx %arg7[%add3A_412], %add3A_415 : memref<1024xi32, #tpu.memory_space<vmem>>[vector<16xi32>], vector<16xi32>,
    %add3A_416 = arith.constant 2304 : i32
    %add3A_417 = vector.broadcast %add3A_416 : i32 to vector<16xi32>
    %add3A_418 = arith.addi %add3A_286, %add3A_417 : vector<16xi32>
    tpu.vector_store_idx %arg8[%add3A_412], %add3A_418 : memref<1024xi32, #tpu.memory_space<vmem>>[vector<16xi32>], vector<16xi32>,
    %mul3A_419 = arith.constant 16 : i32
    %mul3A_420 = vector.broadcast %mul3A_419 : i32 to vector<16xi32>
    %mul3A_421 = arith.muli %iota3A, %mul3A_420 : vector<16xi32>
    %add3A_422 = arith.constant 267 : i32
    %add3A_423 = vector.broadcast %add3A_422 : i32 to vector<16xi32>
    %add3A_424 = arith.addi %mul3A_421, %add3A_423 : vector<16xi32>
    %add3A_425 = arith.constant 2432 : i32
    %add3A_426 = vector.broadcast %add3A_425 : i32 to vector<16xi32>
    %add3A_427 = arith.addi %add3A_270, %add3A_426 : vector<16xi32>
    tpu.vector_store_idx %arg7[%add3A_424], %add3A_427 : memref<1024xi32, #tpu.memory_space<vmem>>[vector<16xi32>], vector<16xi32>,
    %add3A_428 = arith.constant 2432 : i32
    %add3A_429 = vector.broadcast %add3A_428 : i32 to vector<16xi32>
    %add3A_430 = arith.addi %add3A_286, %add3A_429 : vector<16xi32>
    tpu.vector_store_idx %arg8[%add3A_424], %add3A_430 : memref<1024xi32, #tpu.memory_space<vmem>>[vector<16xi32>], vector<16xi32>,
    %mul3A_431 = arith.constant 16 : i32
    %mul3A_432 = vector.broadcast %mul3A_431 : i32 to vector<16xi32>
    %mul3A_433 = arith.muli %iota3A, %mul3A_432 : vector<16xi32>
    %add3A_434 = arith.constant 268 : i32
    %add3A_435 = vector.broadcast %add3A_434 : i32 to vector<16xi32>
    %add3A_436 = arith.addi %mul3A_433, %add3A_435 : vector<16xi32>
    %add3A_437 = arith.constant 2560 : i32
    %add3A_438 = vector.broadcast %add3A_437 : i32 to vector<16xi32>
    %add3A_439 = arith.addi %add3A_270, %add3A_438 : vector<16xi32>
    tpu.vector_store_idx %arg7[%add3A_436], %add3A_439 : memref<1024xi32, #tpu.memory_space<vmem>>[vector<16xi32>], vector<16xi32>,
    %add3A_440 = arith.constant 2560 : i32
    %add3A_441 = vector.broadcast %add3A_440 : i32 to vector<16xi32>
    %add3A_442 = arith.addi %add3A_286, %add3A_441 : vector<16xi32>
    tpu.vector_store_idx %arg8[%add3A_436], %add3A_442 : memref<1024xi32, #tpu.memory_space<vmem>>[vector<16xi32>], vector<16xi32>,
    %mul3A_443 = arith.constant 16 : i32
    %mul3A_444 = vector.broadcast %mul3A_443 : i32 to vector<16xi32>
    %mul3A_445 = arith.muli %iota3A, %mul3A_444 : vector<16xi32>
    %add3A_446 = arith.constant 269 : i32
    %add3A_447 = vector.broadcast %add3A_446 : i32 to vector<16xi32>
    %add3A_448 = arith.addi %mul3A_445, %add3A_447 : vector<16xi32>
    %add3A_449 = arith.constant 2688 : i32
    %add3A_450 = vector.broadcast %add3A_449 : i32 to vector<16xi32>
    %add3A_451 = arith.addi %add3A_270, %add3A_450 : vector<16xi32>
    tpu.vector_store_idx %arg7[%add3A_448], %add3A_451 : memref<1024xi32, #tpu.memory_space<vmem>>[vector<16xi32>], vector<16xi32>,
    %add3A_452 = arith.constant 2688 : i32
    %add3A_453 = vector.broadcast %add3A_452 : i32 to vector<16xi32>
    %add3A_454 = arith.addi %add3A_286, %add3A_453 : vector<16xi32>
    tpu.vector_store_idx %arg8[%add3A_448], %add3A_454 : memref<1024xi32, #tpu.memory_space<vmem>>[vector<16xi32>], vector<16xi32>,
    %mul3A_455 = arith.constant 16 : i32
    %mul3A_456 = vector.broadcast %mul3A_455 : i32 to vector<16xi32>
    %mul3A_457 = arith.muli %iota3A, %mul3A_456 : vector<16xi32>
    %add3A_458 = arith.constant 270 : i32
    %add3A_459 = vector.broadcast %add3A_458 : i32 to vector<16xi32>
    %add3A_460 = arith.addi %mul3A_457, %add3A_459 : vector<16xi32>
    %add3A_461 = arith.constant 2816 : i32
    %add3A_462 = vector.broadcast %add3A_461 : i32 to vector<16xi32>
    %add3A_463 = arith.addi %add3A_270, %add3A_462 : vector<16xi32>
    tpu.vector_store_idx %arg7[%add3A_460], %add3A_463 : memref<1024xi32, #tpu.memory_space<vmem>>[vector<16xi32>], vector<16xi32>,
    %add3A_464 = arith.constant 2816 : i32
    %add3A_465 = vector.broadcast %add3A_464 : i32 to vector<16xi32>
    %add3A_466 = arith.addi %add3A_286, %add3A_465 : vector<16xi32>
    tpu.vector_store_idx %arg8[%add3A_460], %add3A_466 : memref<1024xi32, #tpu.memory_space<vmem>>[vector<16xi32>], vector<16xi32>,
    %mul3A_467 = arith.constant 16 : i32
    %mul3A_468 = vector.broadcast %mul3A_467 : i32 to vector<16xi32>
    %mul3A_469 = arith.muli %iota3A, %mul3A_468 : vector<16xi32>
    %add3A_470 = arith.constant 271 : i32
    %add3A_471 = vector.broadcast %add3A_470 : i32 to vector<16xi32>
    %add3A_472 = arith.addi %mul3A_469, %add3A_471 : vector<16xi32>
    %add3A_473 = arith.constant 2944 : i32
    %add3A_474 = vector.broadcast %add3A_473 : i32 to vector<16xi32>
    %add3A_475 = arith.addi %add3A_270, %add3A_474 : vector<16xi32>
    tpu.vector_store_idx %arg7[%add3A_472], %add3A_475 : memref<1024xi32, #tpu.memory_space<vmem>>[vector<16xi32>], vector<16xi32>,
    %add3A_476 = arith.constant 2944 : i32
    %add3A_477 = vector.broadcast %add3A_476 : i32 to vector<16xi32>
    %add3A_478 = arith.addi %add3A_286, %add3A_477 : vector<16xi32>
    tpu.vector_store_idx %arg8[%add3A_472], %add3A_478 : memref<1024xi32, #tpu.memory_space<vmem>>[vector<16xi32>], vector<16xi32>,
    %get3A_479 = arith.constant 32 : index
    %get3A_480 = tpu.vector_load %arg5[%get3A_479] {strides = array<i32>} : memref<64xi32, #tpu.memory_space<vmem>>, vector<16xi32>,
    %get3A_481 = arith.constant 32 : index
    %get3A_482 = tpu.vector_load %arg6[%get3A_481] {strides = array<i32>} : memref<64xi32, #tpu.memory_space<vmem>>, vector<16xi32>,
    %mul3A_483 = arith.constant 4096 : i32
    %mul3A_484 = vector.broadcast %mul3A_483 : i32 to vector<16xi32>
    %mul3A_485 = arith.muli %get3A_480, %mul3A_484 : vector<16xi32>
    %add3A_486 = vector.broadcast %mul3A_24 : i32 to vector<16xi32>
    %add3A_487 = arith.addi %add3A_486, %mul3A_485 : vector<16xi32>
    %shift_right_arithmetic3A_488 = arith.constant 7 : i32
    %shift_right_arithmetic3A_489 = vector.broadcast %shift_right_arithmetic3A_488 : i32 to vector<16xi32>
    %shift_right_arithmetic3A_490 = arith.shrsi %get3A_482, %shift_right_arithmetic3A_489 : vector<16xi32>
    %mul3A_491 = arith.constant 1024 : i32
    %mul3A_492 = vector.broadcast %mul3A_491 : i32 to vector<16xi32>
    %mul3A_493 = arith.muli %shift_right_arithmetic3A_490, %mul3A_492 : vector<16xi32>
    %add3A_494 = arith.addi %add3A_487, %mul3A_493 : vector<16xi32>
    %and3A_495 = arith.constant 127 : i32
    %and3A_496 = vector.broadcast %and3A_495 : i32 to vector<16xi32>
    %and3A_497 = arith.andi %get3A_482, %and3A_496 : vector<16xi32>
    %add3A_498 = arith.addi %add3A_494, %and3A_497 : vector<16xi32>
    %mul3A_499 = arith.constant 4096 : i32
    %mul3A_500 = vector.broadcast %mul3A_499 : i32 to vector<16xi32>
    %mul3A_501 = arith.muli %get3A_482, %mul3A_500 : vector<16xi32>
    %add3A_502 = vector.broadcast %mul3A_24 : i32 to vector<16xi32>
    %add3A_503 = arith.addi %add3A_502, %mul3A_501 : vector<16xi32>
    %shift_right_arithmetic3A_504 = arith.constant 7 : i32
    %shift_right_arithmetic3A_505 = vector.broadcast %shift_right_arithmetic3A_504 : i32 to vector<16xi32>
    %shift_right_arithmetic3A_506 = arith.shrsi %get3A_480, %shift_right_arithmetic3A_505 : vector<16xi32>
    %mul3A_507 = arith.constant 1024 : i32
    %mul3A_508 = vector.broadcast %mul3A_507 : i32 to vector<16xi32>
    %mul3A_509 = arith.muli %shift_right_arithmetic3A_506, %mul3A_508 : vector<16xi32>
    %add3A_510 = arith.addi %add3A_503, %mul3A_509 : vector<16xi32>
    %and3A_511 = arith.constant 127 : i32
    %and3A_512 = vector.broadcast %and3A_511 : i32 to vector<16xi32>
    %and3A_513 = arith.andi %get3A_480, %and3A_512 : vector<16xi32>
    %add3A_514 = arith.addi %add3A_510, %and3A_513 : vector<16xi32>
    %mul3A_515 = arith.constant 16 : i32
    %mul3A_516 = vector.broadcast %mul3A_515 : i32 to vector<16xi32>
    %mul3A_517 = arith.muli %iota3A, %mul3A_516 : vector<16xi32>
    %add3A_518 = arith.constant 512 : i32
    %add3A_519 = vector.broadcast %add3A_518 : i32 to vector<16xi32>
    %add3A_520 = arith.addi %mul3A_517, %add3A_519 : vector<16xi32>
    %add3A_521 = arith.constant 0 : i32
    %add3A_522 = vector.broadcast %add3A_521 : i32 to vector<16xi32>
    %add3A_523 = arith.addi %add3A_498, %add3A_522 : vector<16xi32>
    tpu.vector_store_idx %arg7[%add3A_520], %add3A_523 : memref<1024xi32, #tpu.memory_space<vmem>>[vector<16xi32>], vector<16xi32>,
    %add3A_524 = arith.constant 0 : i32
    %add3A_525 = vector.broadcast %add3A_524 : i32 to vector<16xi32>
    %add3A_526 = arith.addi %add3A_514, %add3A_525 : vector<16xi32>
    tpu.vector_store_idx %arg8[%add3A_520], %add3A_526 : memref<1024xi32, #tpu.memory_space<vmem>>[vector<16xi32>], vector<16xi32>,
    %mul3A_527 = arith.constant 16 : i32
    %mul3A_528 = vector.broadcast %mul3A_527 : i32 to vector<16xi32>
    %mul3A_529 = arith.muli %iota3A, %mul3A_528 : vector<16xi32>
    %add3A_530 = arith.constant 513 : i32
    %add3A_531 = vector.broadcast %add3A_530 : i32 to vector<16xi32>
    %add3A_532 = arith.addi %mul3A_529, %add3A_531 : vector<16xi32>
    %add3A_533 = arith.constant 128 : i32
    %add3A_534 = vector.broadcast %add3A_533 : i32 to vector<16xi32>
    %add3A_535 = arith.addi %add3A_498, %add3A_534 : vector<16xi32>
    tpu.vector_store_idx %arg7[%add3A_532], %add3A_535 : memref<1024xi32, #tpu.memory_space<vmem>>[vector<16xi32>], vector<16xi32>,
    %add3A_536 = arith.constant 128 : i32
    %add3A_537 = vector.broadcast %add3A_536 : i32 to vector<16xi32>
    %add3A_538 = arith.addi %add3A_514, %add3A_537 : vector<16xi32>
    tpu.vector_store_idx %arg8[%add3A_532], %add3A_538 : memref<1024xi32, #tpu.memory_space<vmem>>[vector<16xi32>], vector<16xi32>,
    %mul3A_539 = arith.constant 16 : i32
    %mul3A_540 = vector.broadcast %mul3A_539 : i32 to vector<16xi32>
    %mul3A_541 = arith.muli %iota3A, %mul3A_540 : vector<16xi32>
    %add3A_542 = arith.constant 514 : i32
    %add3A_543 = vector.broadcast %add3A_542 : i32 to vector<16xi32>
    %add3A_544 = arith.addi %mul3A_541, %add3A_543 : vector<16xi32>
    %add3A_545 = arith.constant 256 : i32
    %add3A_546 = vector.broadcast %add3A_545 : i32 to vector<16xi32>
    %add3A_547 = arith.addi %add3A_498, %add3A_546 : vector<16xi32>
    tpu.vector_store_idx %arg7[%add3A_544], %add3A_547 : memref<1024xi32, #tpu.memory_space<vmem>>[vector<16xi32>], vector<16xi32>,
    %add3A_548 = arith.constant 256 : i32
    %add3A_549 = vector.broadcast %add3A_548 : i32 to vector<16xi32>
    %add3A_550 = arith.addi %add3A_514, %add3A_549 : vector<16xi32>
    tpu.vector_store_idx %arg8[%add3A_544], %add3A_550 : memref<1024xi32, #tpu.memory_space<vmem>>[vector<16xi32>], vector<16xi32>,
    %mul3A_551 = arith.constant 16 : i32
    %mul3A_552 = vector.broadcast %mul3A_551 : i32 to vector<16xi32>
    %mul3A_553 = arith.muli %iota3A, %mul3A_552 : vector<16xi32>
    %add3A_554 = arith.constant 515 : i32
    %add3A_555 = vector.broadcast %add3A_554 : i32 to vector<16xi32>
    %add3A_556 = arith.addi %mul3A_553, %add3A_555 : vector<16xi32>
    %add3A_557 = arith.constant 384 : i32
    %add3A_558 = vector.broadcast %add3A_557 : i32 to vector<16xi32>
    %add3A_559 = arith.addi %add3A_498, %add3A_558 : vector<16xi32>
    tpu.vector_store_idx %arg7[%add3A_556], %add3A_559 : memref<1024xi32, #tpu.memory_space<vmem>>[vector<16xi32>], vector<16xi32>,
    %add3A_560 = arith.constant 384 : i32
    %add3A_561 = vector.broadcast %add3A_560 : i32 to vector<16xi32>
    %add3A_562 = arith.addi %add3A_514, %add3A_561 : vector<16xi32>
    tpu.vector_store_idx %arg8[%add3A_556], %add3A_562 : memref<1024xi32, #tpu.memory_space<vmem>>[vector<16xi32>], vector<16xi32>,
    %mul3A_563 = arith.constant 16 : i32
    %mul3A_564 = vector.broadcast %mul3A_563 : i32 to vector<16xi32>
    %mul3A_565 = arith.muli %iota3A, %mul3A_564 : vector<16xi32>
    %add3A_566 = arith.constant 516 : i32
    %add3A_567 = vector.broadcast %add3A_566 : i32 to vector<16xi32>
    %add3A_568 = arith.addi %mul3A_565, %add3A_567 : vector<16xi32>
    %add3A_569 = arith.constant 512 : i32
    %add3A_570 = vector.broadcast %add3A_569 : i32 to vector<16xi32>
    %add3A_571 = arith.addi %add3A_498, %add3A_570 : vector<16xi32>
    tpu.vector_store_idx %arg7[%add3A_568], %add3A_571 : memref<1024xi32, #tpu.memory_space<vmem>>[vector<16xi32>], vector<16xi32>,
    %add3A_572 = arith.constant 512 : i32
    %add3A_573 = vector.broadcast %add3A_572 : i32 to vector<16xi32>
    %add3A_574 = arith.addi %add3A_514, %add3A_573 : vector<16xi32>
    tpu.vector_store_idx %arg8[%add3A_568], %add3A_574 : memref<1024xi32, #tpu.memory_space<vmem>>[vector<16xi32>], vector<16xi32>,
    %mul3A_575 = arith.constant 16 : i32
    %mul3A_576 = vector.broadcast %mul3A_575 : i32 to vector<16xi32>
    %mul3A_577 = arith.muli %iota3A, %mul3A_576 : vector<16xi32>
    %add3A_578 = arith.constant 517 : i32
    %add3A_579 = vector.broadcast %add3A_578 : i32 to vector<16xi32>
    %add3A_580 = arith.addi %mul3A_577, %add3A_579 : vector<16xi32>
    %add3A_581 = arith.constant 640 : i32
    %add3A_582 = vector.broadcast %add3A_581 : i32 to vector<16xi32>
    %add3A_583 = arith.addi %add3A_498, %add3A_582 : vector<16xi32>
    tpu.vector_store_idx %arg7[%add3A_580], %add3A_583 : memref<1024xi32, #tpu.memory_space<vmem>>[vector<16xi32>], vector<16xi32>,
    %add3A_584 = arith.constant 640 : i32
    %add3A_585 = vector.broadcast %add3A_584 : i32 to vector<16xi32>
    %add3A_586 = arith.addi %add3A_514, %add3A_585 : vector<16xi32>
    tpu.vector_store_idx %arg8[%add3A_580], %add3A_586 : memref<1024xi32, #tpu.memory_space<vmem>>[vector<16xi32>], vector<16xi32>,
    %mul3A_587 = arith.constant 16 : i32
    %mul3A_588 = vector.broadcast %mul3A_587 : i32 to vector<16xi32>
    %mul3A_589 = arith.muli %iota3A, %mul3A_588 : vector<16xi32>
    %add3A_590 = arith.constant 518 : i32
    %add3A_591 = vector.broadcast %add3A_590 : i32 to vector<16xi32>
    %add3A_592 = arith.addi %mul3A_589, %add3A_591 : vector<16xi32>
    %add3A_593 = arith.constant 768 : i32
    %add3A_594 = vector.broadcast %add3A_593 : i32 to vector<16xi32>
    %add3A_595 = arith.addi %add3A_498, %add3A_594 : vector<16xi32>
    tpu.vector_store_idx %arg7[%add3A_592], %add3A_595 : memref<1024xi32, #tpu.memory_space<vmem>>[vector<16xi32>], vector<16xi32>,
    %add3A_596 = arith.constant 768 : i32
    %add3A_597 = vector.broadcast %add3A_596 : i32 to vector<16xi32>
    %add3A_598 = arith.addi %add3A_514, %add3A_597 : vector<16xi32>
    tpu.vector_store_idx %arg8[%add3A_592], %add3A_598 : memref<1024xi32, #tpu.memory_space<vmem>>[vector<16xi32>], vector<16xi32>,
    %mul3A_599 = arith.constant 16 : i32
    %mul3A_600 = vector.broadcast %mul3A_599 : i32 to vector<16xi32>
    %mul3A_601 = arith.muli %iota3A, %mul3A_600 : vector<16xi32>
    %add3A_602 = arith.constant 519 : i32
    %add3A_603 = vector.broadcast %add3A_602 : i32 to vector<16xi32>
    %add3A_604 = arith.addi %mul3A_601, %add3A_603 : vector<16xi32>
    %add3A_605 = arith.constant 896 : i32
    %add3A_606 = vector.broadcast %add3A_605 : i32 to vector<16xi32>
    %add3A_607 = arith.addi %add3A_498, %add3A_606 : vector<16xi32>
    tpu.vector_store_idx %arg7[%add3A_604], %add3A_607 : memref<1024xi32, #tpu.memory_space<vmem>>[vector<16xi32>], vector<16xi32>,
    %add3A_608 = arith.constant 896 : i32
    %add3A_609 = vector.broadcast %add3A_608 : i32 to vector<16xi32>
    %add3A_610 = arith.addi %add3A_514, %add3A_609 : vector<16xi32>
    tpu.vector_store_idx %arg8[%add3A_604], %add3A_610 : memref<1024xi32, #tpu.memory_space<vmem>>[vector<16xi32>], vector<16xi32>,
    %mul3A_611 = arith.constant 16 : i32
    %mul3A_612 = vector.broadcast %mul3A_611 : i32 to vector<16xi32>
    %mul3A_613 = arith.muli %iota3A, %mul3A_612 : vector<16xi32>
    %add3A_614 = arith.constant 520 : i32
    %add3A_615 = vector.broadcast %add3A_614 : i32 to vector<16xi32>
    %add3A_616 = arith.addi %mul3A_613, %add3A_615 : vector<16xi32>
    %add3A_617 = arith.constant 2048 : i32
    %add3A_618 = vector.broadcast %add3A_617 : i32 to vector<16xi32>
    %add3A_619 = arith.addi %add3A_498, %add3A_618 : vector<16xi32>
    tpu.vector_store_idx %arg7[%add3A_616], %add3A_619 : memref<1024xi32, #tpu.memory_space<vmem>>[vector<16xi32>], vector<16xi32>,
    %add3A_620 = arith.constant 2048 : i32
    %add3A_621 = vector.broadcast %add3A_620 : i32 to vector<16xi32>
    %add3A_622 = arith.addi %add3A_514, %add3A_621 : vector<16xi32>
    tpu.vector_store_idx %arg8[%add3A_616], %add3A_622 : memref<1024xi32, #tpu.memory_space<vmem>>[vector<16xi32>], vector<16xi32>,
    %mul3A_623 = arith.constant 16 : i32
    %mul3A_624 = vector.broadcast %mul3A_623 : i32 to vector<16xi32>
    %mul3A_625 = arith.muli %iota3A, %mul3A_624 : vector<16xi32>
    %add3A_626 = arith.constant 521 : i32
    %add3A_627 = vector.broadcast %add3A_626 : i32 to vector<16xi32>
    %add3A_628 = arith.addi %mul3A_625, %add3A_627 : vector<16xi32>
    %add3A_629 = arith.constant 2176 : i32
    %add3A_630 = vector.broadcast %add3A_629 : i32 to vector<16xi32>
    %add3A_631 = arith.addi %add3A_498, %add3A_630 : vector<16xi32>
    tpu.vector_store_idx %arg7[%add3A_628], %add3A_631 : memref<1024xi32, #tpu.memory_space<vmem>>[vector<16xi32>], vector<16xi32>,
    %add3A_632 = arith.constant 2176 : i32
    %add3A_633 = vector.broadcast %add3A_632 : i32 to vector<16xi32>
    %add3A_634 = arith.addi %add3A_514, %add3A_633 : vector<16xi32>
    tpu.vector_store_idx %arg8[%add3A_628], %add3A_634 : memref<1024xi32, #tpu.memory_space<vmem>>[vector<16xi32>], vector<16xi32>,
    %mul3A_635 = arith.constant 16 : i32
    %mul3A_636 = vector.broadcast %mul3A_635 : i32 to vector<16xi32>
    %mul3A_637 = arith.muli %iota3A, %mul3A_636 : vector<16xi32>
    %add3A_638 = arith.constant 522 : i32
    %add3A_639 = vector.broadcast %add3A_638 : i32 to vector<16xi32>
    %add3A_640 = arith.addi %mul3A_637, %add3A_639 : vector<16xi32>
    %add3A_641 = arith.constant 2304 : i32
    %add3A_642 = vector.broadcast %add3A_641 : i32 to vector<16xi32>
    %add3A_643 = arith.addi %add3A_498, %add3A_642 : vector<16xi32>
    tpu.vector_store_idx %arg7[%add3A_640], %add3A_643 : memref<1024xi32, #tpu.memory_space<vmem>>[vector<16xi32>], vector<16xi32>,
    %add3A_644 = arith.constant 2304 : i32
    %add3A_645 = vector.broadcast %add3A_644 : i32 to vector<16xi32>
    %add3A_646 = arith.addi %add3A_514, %add3A_645 : vector<16xi32>
    tpu.vector_store_idx %arg8[%add3A_640], %add3A_646 : memref<1024xi32, #tpu.memory_space<vmem>>[vector<16xi32>], vector<16xi32>,
    %mul3A_647 = arith.constant 16 : i32
    %mul3A_648 = vector.broadcast %mul3A_647 : i32 to vector<16xi32>
    %mul3A_649 = arith.muli %iota3A, %mul3A_648 : vector<16xi32>
    %add3A_650 = arith.constant 523 : i32
    %add3A_651 = vector.broadcast %add3A_650 : i32 to vector<16xi32>
    %add3A_652 = arith.addi %mul3A_649, %add3A_651 : vector<16xi32>
    %add3A_653 = arith.constant 2432 : i32
    %add3A_654 = vector.broadcast %add3A_653 : i32 to vector<16xi32>
    %add3A_655 = arith.addi %add3A_498, %add3A_654 : vector<16xi32>
    tpu.vector_store_idx %arg7[%add3A_652], %add3A_655 : memref<1024xi32, #tpu.memory_space<vmem>>[vector<16xi32>], vector<16xi32>,
    %add3A_656 = arith.constant 2432 : i32
    %add3A_657 = vector.broadcast %add3A_656 : i32 to vector<16xi32>
    %add3A_658 = arith.addi %add3A_514, %add3A_657 : vector<16xi32>
    tpu.vector_store_idx %arg8[%add3A_652], %add3A_658 : memref<1024xi32, #tpu.memory_space<vmem>>[vector<16xi32>], vector<16xi32>,
    %mul3A_659 = arith.constant 16 : i32
    %mul3A_660 = vector.broadcast %mul3A_659 : i32 to vector<16xi32>
    %mul3A_661 = arith.muli %iota3A, %mul3A_660 : vector<16xi32>
    %add3A_662 = arith.constant 524 : i32
    %add3A_663 = vector.broadcast %add3A_662 : i32 to vector<16xi32>
    %add3A_664 = arith.addi %mul3A_661, %add3A_663 : vector<16xi32>
    %add3A_665 = arith.constant 2560 : i32
    %add3A_666 = vector.broadcast %add3A_665 : i32 to vector<16xi32>
    %add3A_667 = arith.addi %add3A_498, %add3A_666 : vector<16xi32>
    tpu.vector_store_idx %arg7[%add3A_664], %add3A_667 : memref<1024xi32, #tpu.memory_space<vmem>>[vector<16xi32>], vector<16xi32>,
    %add3A_668 = arith.constant 2560 : i32
    %add3A_669 = vector.broadcast %add3A_668 : i32 to vector<16xi32>
    %add3A_670 = arith.addi %add3A_514, %add3A_669 : vector<16xi32>
    tpu.vector_store_idx %arg8[%add3A_664], %add3A_670 : memref<1024xi32, #tpu.memory_space<vmem>>[vector<16xi32>], vector<16xi32>,
    %mul3A_671 = arith.constant 16 : i32
    %mul3A_672 = vector.broadcast %mul3A_671 : i32 to vector<16xi32>
    %mul3A_673 = arith.muli %iota3A, %mul3A_672 : vector<16xi32>
    %add3A_674 = arith.constant 525 : i32
    %add3A_675 = vector.broadcast %add3A_674 : i32 to vector<16xi32>
    %add3A_676 = arith.addi %mul3A_673, %add3A_675 : vector<16xi32>
    %add3A_677 = arith.constant 2688 : i32
    %add3A_678 = vector.broadcast %add3A_677 : i32 to vector<16xi32>
    %add3A_679 = arith.addi %add3A_498, %add3A_678 : vector<16xi32>
    tpu.vector_store_idx %arg7[%add3A_676], %add3A_679 : memref<1024xi32, #tpu.memory_space<vmem>>[vector<16xi32>], vector<16xi32>,
    %add3A_680 = arith.constant 2688 : i32
    %add3A_681 = vector.broadcast %add3A_680 : i32 to vector<16xi32>
    %add3A_682 = arith.addi %add3A_514, %add3A_681 : vector<16xi32>
    tpu.vector_store_idx %arg8[%add3A_676], %add3A_682 : memref<1024xi32, #tpu.memory_space<vmem>>[vector<16xi32>], vector<16xi32>,
    %mul3A_683 = arith.constant 16 : i32
    %mul3A_684 = vector.broadcast %mul3A_683 : i32 to vector<16xi32>
    %mul3A_685 = arith.muli %iota3A, %mul3A_684 : vector<16xi32>
    %add3A_686 = arith.constant 526 : i32
    %add3A_687 = vector.broadcast %add3A_686 : i32 to vector<16xi32>
    %add3A_688 = arith.addi %mul3A_685, %add3A_687 : vector<16xi32>
    %add3A_689 = arith.constant 2816 : i32
    %add3A_690 = vector.broadcast %add3A_689 : i32 to vector<16xi32>
    %add3A_691 = arith.addi %add3A_498, %add3A_690 : vector<16xi32>
    tpu.vector_store_idx %arg7[%add3A_688], %add3A_691 : memref<1024xi32, #tpu.memory_space<vmem>>[vector<16xi32>], vector<16xi32>,
    %add3A_692 = arith.constant 2816 : i32
    %add3A_693 = vector.broadcast %add3A_692 : i32 to vector<16xi32>
    %add3A_694 = arith.addi %add3A_514, %add3A_693 : vector<16xi32>
    tpu.vector_store_idx %arg8[%add3A_688], %add3A_694 : memref<1024xi32, #tpu.memory_space<vmem>>[vector<16xi32>], vector<16xi32>,
    %mul3A_695 = arith.constant 16 : i32
    %mul3A_696 = vector.broadcast %mul3A_695 : i32 to vector<16xi32>
    %mul3A_697 = arith.muli %iota3A, %mul3A_696 : vector<16xi32>
    %add3A_698 = arith.constant 527 : i32
    %add3A_699 = vector.broadcast %add3A_698 : i32 to vector<16xi32>
    %add3A_700 = arith.addi %mul3A_697, %add3A_699 : vector<16xi32>
    %add3A_701 = arith.constant 2944 : i32
    %add3A_702 = vector.broadcast %add3A_701 : i32 to vector<16xi32>
    %add3A_703 = arith.addi %add3A_498, %add3A_702 : vector<16xi32>
    tpu.vector_store_idx %arg7[%add3A_700], %add3A_703 : memref<1024xi32, #tpu.memory_space<vmem>>[vector<16xi32>], vector<16xi32>,
    %add3A_704 = arith.constant 2944 : i32
    %add3A_705 = vector.broadcast %add3A_704 : i32 to vector<16xi32>
    %add3A_706 = arith.addi %add3A_514, %add3A_705 : vector<16xi32>
    tpu.vector_store_idx %arg8[%add3A_700], %add3A_706 : memref<1024xi32, #tpu.memory_space<vmem>>[vector<16xi32>], vector<16xi32>,
    %get3A_707 = arith.constant 48 : index
    %get3A_708 = tpu.vector_load %arg5[%get3A_707] {strides = array<i32>} : memref<64xi32, #tpu.memory_space<vmem>>, vector<16xi32>,
    %get3A_709 = arith.constant 48 : index
    %get3A_710 = tpu.vector_load %arg6[%get3A_709] {strides = array<i32>} : memref<64xi32, #tpu.memory_space<vmem>>, vector<16xi32>,
    %mul3A_711 = arith.constant 4096 : i32
    %mul3A_712 = vector.broadcast %mul3A_711 : i32 to vector<16xi32>
    %mul3A_713 = arith.muli %get3A_708, %mul3A_712 : vector<16xi32>
    %add3A_714 = vector.broadcast %mul3A_24 : i32 to vector<16xi32>
    %add3A_715 = arith.addi %add3A_714, %mul3A_713 : vector<16xi32>
    %shift_right_arithmetic3A_716 = arith.constant 7 : i32
    %shift_right_arithmetic3A_717 = vector.broadcast %shift_right_arithmetic3A_716 : i32 to vector<16xi32>
    %shift_right_arithmetic3A_718 = arith.shrsi %get3A_710, %shift_right_arithmetic3A_717 : vector<16xi32>
    %mul3A_719 = arith.constant 1024 : i32
    %mul3A_720 = vector.broadcast %mul3A_719 : i32 to vector<16xi32>
    %mul3A_721 = arith.muli %shift_right_arithmetic3A_718, %mul3A_720 : vector<16xi32>
    %add3A_722 = arith.addi %add3A_715, %mul3A_721 : vector<16xi32>
    %and3A_723 = arith.constant 127 : i32
    %and3A_724 = vector.broadcast %and3A_723 : i32 to vector<16xi32>
    %and3A_725 = arith.andi %get3A_710, %and3A_724 : vector<16xi32>
    %add3A_726 = arith.addi %add3A_722, %and3A_725 : vector<16xi32>
    %mul3A_727 = arith.constant 4096 : i32
    %mul3A_728 = vector.broadcast %mul3A_727 : i32 to vector<16xi32>
    %mul3A_729 = arith.muli %get3A_710, %mul3A_728 : vector<16xi32>
    %add3A_730 = vector.broadcast %mul3A_24 : i32 to vector<16xi32>
    %add3A_731 = arith.addi %add3A_730, %mul3A_729 : vector<16xi32>
    %shift_right_arithmetic3A_732 = arith.constant 7 : i32
    %shift_right_arithmetic3A_733 = vector.broadcast %shift_right_arithmetic3A_732 : i32 to vector<16xi32>
    %shift_right_arithmetic3A_734 = arith.shrsi %get3A_708, %shift_right_arithmetic3A_733 : vector<16xi32>
    %mul3A_735 = arith.constant 1024 : i32
    %mul3A_736 = vector.broadcast %mul3A_735 : i32 to vector<16xi32>
    %mul3A_737 = arith.muli %shift_right_arithmetic3A_734, %mul3A_736 : vector<16xi32>
    %add3A_738 = arith.addi %add3A_731, %mul3A_737 : vector<16xi32>
    %and3A_739 = arith.constant 127 : i32
    %and3A_740 = vector.broadcast %and3A_739 : i32 to vector<16xi32>
    %and3A_741 = arith.andi %get3A_708, %and3A_740 : vector<16xi32>
    %add3A_742 = arith.addi %add3A_738, %and3A_741 : vector<16xi32>
    %mul3A_743 = arith.constant 16 : i32
    %mul3A_744 = vector.broadcast %mul3A_743 : i32 to vector<16xi32>
    %mul3A_745 = arith.muli %iota3A, %mul3A_744 : vector<16xi32>
    %add3A_746 = arith.constant 768 : i32
    %add3A_747 = vector.broadcast %add3A_746 : i32 to vector<16xi32>
    %add3A_748 = arith.addi %mul3A_745, %add3A_747 : vector<16xi32>
    %add3A_749 = arith.constant 0 : i32
    %add3A_750 = vector.broadcast %add3A_749 : i32 to vector<16xi32>
    %add3A_751 = arith.addi %add3A_726, %add3A_750 : vector<16xi32>
    tpu.vector_store_idx %arg7[%add3A_748], %add3A_751 : memref<1024xi32, #tpu.memory_space<vmem>>[vector<16xi32>], vector<16xi32>,
    %add3A_752 = arith.constant 0 : i32
    %add3A_753 = vector.broadcast %add3A_752 : i32 to vector<16xi32>
    %add3A_754 = arith.addi %add3A_742, %add3A_753 : vector<16xi32>
    tpu.vector_store_idx %arg8[%add3A_748], %add3A_754 : memref<1024xi32, #tpu.memory_space<vmem>>[vector<16xi32>], vector<16xi32>,
    %mul3A_755 = arith.constant 16 : i32
    %mul3A_756 = vector.broadcast %mul3A_755 : i32 to vector<16xi32>
    %mul3A_757 = arith.muli %iota3A, %mul3A_756 : vector<16xi32>
    %add3A_758 = arith.constant 769 : i32
    %add3A_759 = vector.broadcast %add3A_758 : i32 to vector<16xi32>
    %add3A_760 = arith.addi %mul3A_757, %add3A_759 : vector<16xi32>
    %add3A_761 = arith.constant 128 : i32
    %add3A_762 = vector.broadcast %add3A_761 : i32 to vector<16xi32>
    %add3A_763 = arith.addi %add3A_726, %add3A_762 : vector<16xi32>
    tpu.vector_store_idx %arg7[%add3A_760], %add3A_763 : memref<1024xi32, #tpu.memory_space<vmem>>[vector<16xi32>], vector<16xi32>,
    %add3A_764 = arith.constant 128 : i32
    %add3A_765 = vector.broadcast %add3A_764 : i32 to vector<16xi32>
    %add3A_766 = arith.addi %add3A_742, %add3A_765 : vector<16xi32>
    tpu.vector_store_idx %arg8[%add3A_760], %add3A_766 : memref<1024xi32, #tpu.memory_space<vmem>>[vector<16xi32>], vector<16xi32>,
    %mul3A_767 = arith.constant 16 : i32
    %mul3A_768 = vector.broadcast %mul3A_767 : i32 to vector<16xi32>
    %mul3A_769 = arith.muli %iota3A, %mul3A_768 : vector<16xi32>
    %add3A_770 = arith.constant 770 : i32
    %add3A_771 = vector.broadcast %add3A_770 : i32 to vector<16xi32>
    %add3A_772 = arith.addi %mul3A_769, %add3A_771 : vector<16xi32>
    %add3A_773 = arith.constant 256 : i32
    %add3A_774 = vector.broadcast %add3A_773 : i32 to vector<16xi32>
    %add3A_775 = arith.addi %add3A_726, %add3A_774 : vector<16xi32>
    tpu.vector_store_idx %arg7[%add3A_772], %add3A_775 : memref<1024xi32, #tpu.memory_space<vmem>>[vector<16xi32>], vector<16xi32>,
    %add3A_776 = arith.constant 256 : i32
    %add3A_777 = vector.broadcast %add3A_776 : i32 to vector<16xi32>
    %add3A_778 = arith.addi %add3A_742, %add3A_777 : vector<16xi32>
    tpu.vector_store_idx %arg8[%add3A_772], %add3A_778 : memref<1024xi32, #tpu.memory_space<vmem>>[vector<16xi32>], vector<16xi32>,
    %mul3A_779 = arith.constant 16 : i32
    %mul3A_780 = vector.broadcast %mul3A_779 : i32 to vector<16xi32>
    %mul3A_781 = arith.muli %iota3A, %mul3A_780 : vector<16xi32>
    %add3A_782 = arith.constant 771 : i32
    %add3A_783 = vector.broadcast %add3A_782 : i32 to vector<16xi32>
    %add3A_784 = arith.addi %mul3A_781, %add3A_783 : vector<16xi32>
    %add3A_785 = arith.constant 384 : i32
    %add3A_786 = vector.broadcast %add3A_785 : i32 to vector<16xi32>
    %add3A_787 = arith.addi %add3A_726, %add3A_786 : vector<16xi32>
    tpu.vector_store_idx %arg7[%add3A_784], %add3A_787 : memref<1024xi32, #tpu.memory_space<vmem>>[vector<16xi32>], vector<16xi32>,
    %add3A_788 = arith.constant 384 : i32
    %add3A_789 = vector.broadcast %add3A_788 : i32 to vector<16xi32>
    %add3A_790 = arith.addi %add3A_742, %add3A_789 : vector<16xi32>
    tpu.vector_store_idx %arg8[%add3A_784], %add3A_790 : memref<1024xi32, #tpu.memory_space<vmem>>[vector<16xi32>], vector<16xi32>,
    %mul3A_791 = arith.constant 16 : i32
    %mul3A_792 = vector.broadcast %mul3A_791 : i32 to vector<16xi32>
    %mul3A_793 = arith.muli %iota3A, %mul3A_792 : vector<16xi32>
    %add3A_794 = arith.constant 772 : i32
    %add3A_795 = vector.broadcast %add3A_794 : i32 to vector<16xi32>
    %add3A_796 = arith.addi %mul3A_793, %add3A_795 : vector<16xi32>
    %add3A_797 = arith.constant 512 : i32
    %add3A_798 = vector.broadcast %add3A_797 : i32 to vector<16xi32>
    %add3A_799 = arith.addi %add3A_726, %add3A_798 : vector<16xi32>
    tpu.vector_store_idx %arg7[%add3A_796], %add3A_799 : memref<1024xi32, #tpu.memory_space<vmem>>[vector<16xi32>], vector<16xi32>,
    %add3A_800 = arith.constant 512 : i32
    %add3A_801 = vector.broadcast %add3A_800 : i32 to vector<16xi32>
    %add3A_802 = arith.addi %add3A_742, %add3A_801 : vector<16xi32>
    tpu.vector_store_idx %arg8[%add3A_796], %add3A_802 : memref<1024xi32, #tpu.memory_space<vmem>>[vector<16xi32>], vector<16xi32>,
    %mul3A_803 = arith.constant 16 : i32
    %mul3A_804 = vector.broadcast %mul3A_803 : i32 to vector<16xi32>
    %mul3A_805 = arith.muli %iota3A, %mul3A_804 : vector<16xi32>
    %add3A_806 = arith.constant 773 : i32
    %add3A_807 = vector.broadcast %add3A_806 : i32 to vector<16xi32>
    %add3A_808 = arith.addi %mul3A_805, %add3A_807 : vector<16xi32>
    %add3A_809 = arith.constant 640 : i32
    %add3A_810 = vector.broadcast %add3A_809 : i32 to vector<16xi32>
    %add3A_811 = arith.addi %add3A_726, %add3A_810 : vector<16xi32>
    tpu.vector_store_idx %arg7[%add3A_808], %add3A_811 : memref<1024xi32, #tpu.memory_space<vmem>>[vector<16xi32>], vector<16xi32>,
    %add3A_812 = arith.constant 640 : i32
    %add3A_813 = vector.broadcast %add3A_812 : i32 to vector<16xi32>
    %add3A_814 = arith.addi %add3A_742, %add3A_813 : vector<16xi32>
    tpu.vector_store_idx %arg8[%add3A_808], %add3A_814 : memref<1024xi32, #tpu.memory_space<vmem>>[vector<16xi32>], vector<16xi32>,
    %mul3A_815 = arith.constant 16 : i32
    %mul3A_816 = vector.broadcast %mul3A_815 : i32 to vector<16xi32>
    %mul3A_817 = arith.muli %iota3A, %mul3A_816 : vector<16xi32>
    %add3A_818 = arith.constant 774 : i32
    %add3A_819 = vector.broadcast %add3A_818 : i32 to vector<16xi32>
    %add3A_820 = arith.addi %mul3A_817, %add3A_819 : vector<16xi32>
    %add3A_821 = arith.constant 768 : i32
    %add3A_822 = vector.broadcast %add3A_821 : i32 to vector<16xi32>
    %add3A_823 = arith.addi %add3A_726, %add3A_822 : vector<16xi32>
    tpu.vector_store_idx %arg7[%add3A_820], %add3A_823 : memref<1024xi32, #tpu.memory_space<vmem>>[vector<16xi32>], vector<16xi32>,
    %add3A_824 = arith.constant 768 : i32
    %add3A_825 = vector.broadcast %add3A_824 : i32 to vector<16xi32>
    %add3A_826 = arith.addi %add3A_742, %add3A_825 : vector<16xi32>
    tpu.vector_store_idx %arg8[%add3A_820], %add3A_826 : memref<1024xi32, #tpu.memory_space<vmem>>[vector<16xi32>], vector<16xi32>,
    %mul3A_827 = arith.constant 16 : i32
    %mul3A_828 = vector.broadcast %mul3A_827 : i32 to vector<16xi32>
    %mul3A_829 = arith.muli %iota3A, %mul3A_828 : vector<16xi32>
    %add3A_830 = arith.constant 775 : i32
    %add3A_831 = vector.broadcast %add3A_830 : i32 to vector<16xi32>
    %add3A_832 = arith.addi %mul3A_829, %add3A_831 : vector<16xi32>
    %add3A_833 = arith.constant 896 : i32
    %add3A_834 = vector.broadcast %add3A_833 : i32 to vector<16xi32>
    %add3A_835 = arith.addi %add3A_726, %add3A_834 : vector<16xi32>
    tpu.vector_store_idx %arg7[%add3A_832], %add3A_835 : memref<1024xi32, #tpu.memory_space<vmem>>[vector<16xi32>], vector<16xi32>,
    %add3A_836 = arith.constant 896 : i32
    %add3A_837 = vector.broadcast %add3A_836 : i32 to vector<16xi32>
    %add3A_838 = arith.addi %add3A_742, %add3A_837 : vector<16xi32>
    tpu.vector_store_idx %arg8[%add3A_832], %add3A_838 : memref<1024xi32, #tpu.memory_space<vmem>>[vector<16xi32>], vector<16xi32>,
    %mul3A_839 = arith.constant 16 : i32
    %mul3A_840 = vector.broadcast %mul3A_839 : i32 to vector<16xi32>
    %mul3A_841 = arith.muli %iota3A, %mul3A_840 : vector<16xi32>
    %add3A_842 = arith.constant 776 : i32
    %add3A_843 = vector.broadcast %add3A_842 : i32 to vector<16xi32>
    %add3A_844 = arith.addi %mul3A_841, %add3A_843 : vector<16xi32>
    %add3A_845 = arith.constant 2048 : i32
    %add3A_846 = vector.broadcast %add3A_845 : i32 to vector<16xi32>
    %add3A_847 = arith.addi %add3A_726, %add3A_846 : vector<16xi32>
    tpu.vector_store_idx %arg7[%add3A_844], %add3A_847 : memref<1024xi32, #tpu.memory_space<vmem>>[vector<16xi32>], vector<16xi32>,
    %add3A_848 = arith.constant 2048 : i32
    %add3A_849 = vector.broadcast %add3A_848 : i32 to vector<16xi32>
    %add3A_850 = arith.addi %add3A_742, %add3A_849 : vector<16xi32>
    tpu.vector_store_idx %arg8[%add3A_844], %add3A_850 : memref<1024xi32, #tpu.memory_space<vmem>>[vector<16xi32>], vector<16xi32>,
    %mul3A_851 = arith.constant 16 : i32
    %mul3A_852 = vector.broadcast %mul3A_851 : i32 to vector<16xi32>
    %mul3A_853 = arith.muli %iota3A, %mul3A_852 : vector<16xi32>
    %add3A_854 = arith.constant 777 : i32
    %add3A_855 = vector.broadcast %add3A_854 : i32 to vector<16xi32>
    %add3A_856 = arith.addi %mul3A_853, %add3A_855 : vector<16xi32>
    %add3A_857 = arith.constant 2176 : i32
    %add3A_858 = vector.broadcast %add3A_857 : i32 to vector<16xi32>
    %add3A_859 = arith.addi %add3A_726, %add3A_858 : vector<16xi32>
    tpu.vector_store_idx %arg7[%add3A_856], %add3A_859 : memref<1024xi32, #tpu.memory_space<vmem>>[vector<16xi32>], vector<16xi32>,
    %add3A_860 = arith.constant 2176 : i32
    %add3A_861 = vector.broadcast %add3A_860 : i32 to vector<16xi32>
    %add3A_862 = arith.addi %add3A_742, %add3A_861 : vector<16xi32>
    tpu.vector_store_idx %arg8[%add3A_856], %add3A_862 : memref<1024xi32, #tpu.memory_space<vmem>>[vector<16xi32>], vector<16xi32>,
    %mul3A_863 = arith.constant 16 : i32
    %mul3A_864 = vector.broadcast %mul3A_863 : i32 to vector<16xi32>
    %mul3A_865 = arith.muli %iota3A, %mul3A_864 : vector<16xi32>
    %add3A_866 = arith.constant 778 : i32
    %add3A_867 = vector.broadcast %add3A_866 : i32 to vector<16xi32>
    %add3A_868 = arith.addi %mul3A_865, %add3A_867 : vector<16xi32>
    %add3A_869 = arith.constant 2304 : i32
    %add3A_870 = vector.broadcast %add3A_869 : i32 to vector<16xi32>
    %add3A_871 = arith.addi %add3A_726, %add3A_870 : vector<16xi32>
    tpu.vector_store_idx %arg7[%add3A_868], %add3A_871 : memref<1024xi32, #tpu.memory_space<vmem>>[vector<16xi32>], vector<16xi32>,
    %add3A_872 = arith.constant 2304 : i32
    %add3A_873 = vector.broadcast %add3A_872 : i32 to vector<16xi32>
    %add3A_874 = arith.addi %add3A_742, %add3A_873 : vector<16xi32>
    tpu.vector_store_idx %arg8[%add3A_868], %add3A_874 : memref<1024xi32, #tpu.memory_space<vmem>>[vector<16xi32>], vector<16xi32>,
    %mul3A_875 = arith.constant 16 : i32
    %mul3A_876 = vector.broadcast %mul3A_875 : i32 to vector<16xi32>
    %mul3A_877 = arith.muli %iota3A, %mul3A_876 : vector<16xi32>
    %add3A_878 = arith.constant 779 : i32
    %add3A_879 = vector.broadcast %add3A_878 : i32 to vector<16xi32>
    %add3A_880 = arith.addi %mul3A_877, %add3A_879 : vector<16xi32>
    %add3A_881 = arith.constant 2432 : i32
    %add3A_882 = vector.broadcast %add3A_881 : i32 to vector<16xi32>
    %add3A_883 = arith.addi %add3A_726, %add3A_882 : vector<16xi32>
    tpu.vector_store_idx %arg7[%add3A_880], %add3A_883 : memref<1024xi32, #tpu.memory_space<vmem>>[vector<16xi32>], vector<16xi32>,
    %add3A_884 = arith.constant 2432 : i32
    %add3A_885 = vector.broadcast %add3A_884 : i32 to vector<16xi32>
    %add3A_886 = arith.addi %add3A_742, %add3A_885 : vector<16xi32>
    tpu.vector_store_idx %arg8[%add3A_880], %add3A_886 : memref<1024xi32, #tpu.memory_space<vmem>>[vector<16xi32>], vector<16xi32>,
    %mul3A_887 = arith.constant 16 : i32
    %mul3A_888 = vector.broadcast %mul3A_887 : i32 to vector<16xi32>
    %mul3A_889 = arith.muli %iota3A, %mul3A_888 : vector<16xi32>
    %add3A_890 = arith.constant 780 : i32
    %add3A_891 = vector.broadcast %add3A_890 : i32 to vector<16xi32>
    %add3A_892 = arith.addi %mul3A_889, %add3A_891 : vector<16xi32>
    %add3A_893 = arith.constant 2560 : i32
    %add3A_894 = vector.broadcast %add3A_893 : i32 to vector<16xi32>
    %add3A_895 = arith.addi %add3A_726, %add3A_894 : vector<16xi32>
    tpu.vector_store_idx %arg7[%add3A_892], %add3A_895 : memref<1024xi32, #tpu.memory_space<vmem>>[vector<16xi32>], vector<16xi32>,
    %add3A_896 = arith.constant 2560 : i32
    %add3A_897 = vector.broadcast %add3A_896 : i32 to vector<16xi32>
    %add3A_898 = arith.addi %add3A_742, %add3A_897 : vector<16xi32>
    tpu.vector_store_idx %arg8[%add3A_892], %add3A_898 : memref<1024xi32, #tpu.memory_space<vmem>>[vector<16xi32>], vector<16xi32>,
    %mul3A_899 = arith.constant 16 : i32
    %mul3A_900 = vector.broadcast %mul3A_899 : i32 to vector<16xi32>
    %mul3A_901 = arith.muli %iota3A, %mul3A_900 : vector<16xi32>
    %add3A_902 = arith.constant 781 : i32
    %add3A_903 = vector.broadcast %add3A_902 : i32 to vector<16xi32>
    %add3A_904 = arith.addi %mul3A_901, %add3A_903 : vector<16xi32>
    %add3A_905 = arith.constant 2688 : i32
    %add3A_906 = vector.broadcast %add3A_905 : i32 to vector<16xi32>
    %add3A_907 = arith.addi %add3A_726, %add3A_906 : vector<16xi32>
    tpu.vector_store_idx %arg7[%add3A_904], %add3A_907 : memref<1024xi32, #tpu.memory_space<vmem>>[vector<16xi32>], vector<16xi32>,
    %add3A_908 = arith.constant 2688 : i32
    %add3A_909 = vector.broadcast %add3A_908 : i32 to vector<16xi32>
    %add3A_910 = arith.addi %add3A_742, %add3A_909 : vector<16xi32>
    tpu.vector_store_idx %arg8[%add3A_904], %add3A_910 : memref<1024xi32, #tpu.memory_space<vmem>>[vector<16xi32>], vector<16xi32>,
    %mul3A_911 = arith.constant 16 : i32
    %mul3A_912 = vector.broadcast %mul3A_911 : i32 to vector<16xi32>
    %mul3A_913 = arith.muli %iota3A, %mul3A_912 : vector<16xi32>
    %add3A_914 = arith.constant 782 : i32
    %add3A_915 = vector.broadcast %add3A_914 : i32 to vector<16xi32>
    %add3A_916 = arith.addi %mul3A_913, %add3A_915 : vector<16xi32>
    %add3A_917 = arith.constant 2816 : i32
    %add3A_918 = vector.broadcast %add3A_917 : i32 to vector<16xi32>
    %add3A_919 = arith.addi %add3A_726, %add3A_918 : vector<16xi32>
    tpu.vector_store_idx %arg7[%add3A_916], %add3A_919 : memref<1024xi32, #tpu.memory_space<vmem>>[vector<16xi32>], vector<16xi32>,
    %add3A_920 = arith.constant 2816 : i32
    %add3A_921 = vector.broadcast %add3A_920 : i32 to vector<16xi32>
    %add3A_922 = arith.addi %add3A_742, %add3A_921 : vector<16xi32>
    tpu.vector_store_idx %arg8[%add3A_916], %add3A_922 : memref<1024xi32, #tpu.memory_space<vmem>>[vector<16xi32>], vector<16xi32>,
    %mul3A_923 = arith.constant 16 : i32
    %mul3A_924 = vector.broadcast %mul3A_923 : i32 to vector<16xi32>
    %mul3A_925 = arith.muli %iota3A, %mul3A_924 : vector<16xi32>
    %add3A_926 = arith.constant 783 : i32
    %add3A_927 = vector.broadcast %add3A_926 : i32 to vector<16xi32>
    %add3A_928 = arith.addi %mul3A_925, %add3A_927 : vector<16xi32>
    %add3A_929 = arith.constant 2944 : i32
    %add3A_930 = vector.broadcast %add3A_929 : i32 to vector<16xi32>
    %add3A_931 = arith.addi %add3A_726, %add3A_930 : vector<16xi32>
    tpu.vector_store_idx %arg7[%add3A_928], %add3A_931 : memref<1024xi32, #tpu.memory_space<vmem>>[vector<16xi32>], vector<16xi32>,
    %add3A_932 = arith.constant 2944 : i32
    %add3A_933 = vector.broadcast %add3A_932 : i32 to vector<16xi32>
    %add3A_934 = arith.addi %add3A_742, %add3A_933 : vector<16xi32>
    tpu.vector_store_idx %arg8[%add3A_928], %add3A_934 : memref<1024xi32, #tpu.memory_space<vmem>>[vector<16xi32>], vector<16xi32>,
    %dma_start3A = arith.constant 0 : i32
    %dma_start3A_935 = tpu.memref_slice %arg3[%dma_start3A] : memref<4194304xf32, #tpu.memory_space<hbm>> -> memref<4194304xf32, #tpu.memory_space<hbm>>
    tpu.enqueue_indirect_dma source(%dma_start3A_935 : memref<4194304xf32, #tpu.memory_space<hbm>>) target(%arg9 : memref<1024xf32, #tpu.memory_space<vmem>>) offsets(%arg7 : memref<1024xi32, #tpu.memory_space<vmem>>) semaphore(%arg12 : memref<!tpu.dma_semaphore, #tpu.memory_space<semaphore_mem>>)
    %dma_start3A_936 = arith.constant 0 : i32
    %dma_start3A_937 = tpu.memref_slice %arg3[%dma_start3A_936] : memref<4194304xf32, #tpu.memory_space<hbm>> -> memref<4194304xf32, #tpu.memory_space<hbm>>
    tpu.enqueue_indirect_dma source(%dma_start3A_937 : memref<4194304xf32, #tpu.memory_space<hbm>>) target(%arg10 : memref<1024xf32, #tpu.memory_space<vmem>>) offsets(%arg8 : memref<1024xi32, #tpu.memory_space<vmem>>) semaphore(%arg13 : memref<!tpu.dma_semaphore, #tpu.memory_space<semaphore_mem>>)
    %dma_wait3A = arith.constant 0 : i32
    %dma_wait3A_938 = tpu.memref_slice %arg3[%dma_wait3A] : memref<4194304xf32, #tpu.memory_space<hbm>> -> memref<4194304xf32, #tpu.memory_space<hbm>>
    tpu.wait_indirect_dma semaphore(%arg12 : memref<!tpu.dma_semaphore, #tpu.memory_space<semaphore_mem>>) src(%dma_wait3A_938 : memref<4194304xf32, #tpu.memory_space<hbm>>) dst(%arg9 : memref<1024xf32, #tpu.memory_space<vmem>>)
    %dma_wait3A_939 = arith.constant 0 : i32
    %dma_wait3A_940 = tpu.memref_slice %arg3[%dma_wait3A_939] : memref<4194304xf32, #tpu.memory_space<hbm>> -> memref<4194304xf32, #tpu.memory_space<hbm>>
    tpu.wait_indirect_dma semaphore(%arg13 : memref<!tpu.dma_semaphore, #tpu.memory_space<semaphore_mem>>) src(%dma_wait3A_940 : memref<4194304xf32, #tpu.memory_space<hbm>>) dst(%arg10 : memref<1024xf32, #tpu.memory_space<vmem>>)
    %get3A_941 = arith.constant 0 : index
    %get3A_942 = tpu.vector_load %arg9[%get3A_941] {strides = array<i32>} : memref<1024xf32, #tpu.memory_space<vmem>>, vector<16xf32>,
    %get3A_943 = arith.constant 0 : index
    %get3A_944 = tpu.vector_load %arg10[%get3A_943] {strides = array<i32>} : memref<1024xf32, #tpu.memory_space<vmem>>, vector<16xf32>,
    %add3A_945 = arith.addf %get3A_942, %get3A_944 : vector<16xf32>
    %swap3A = arith.constant 0 : i32
    %swap3A_946 = arith.index_cast %swap3A : i32 to index
    %swap3A_947 = arith.constant 0 : index
    %swap3A_948 = tpu.vector_load %arg11[%swap3A_946, %swap3A_947] {strides = array<i32>} : memref<8x128xf32, #tpu.memory_space<vmem>>, vector<16xf32>,
    tpu.vector_store %arg11[%swap3A_946, %swap3A_947], %add3A_945 {strides = array<i32>} : memref<8x128xf32, #tpu.memory_space<vmem>>, vector<16xf32>,
    %get3A_949 = arith.constant 16 : index
    %get3A_950 = tpu.vector_load %arg9[%get3A_949] {strides = array<i32>} : memref<1024xf32, #tpu.memory_space<vmem>>, vector<16xf32>,
    %get3A_951 = arith.constant 16 : index
    %get3A_952 = tpu.vector_load %arg10[%get3A_951] {strides = array<i32>} : memref<1024xf32, #tpu.memory_space<vmem>>, vector<16xf32>,
    %add3A_953 = arith.addf %get3A_950, %get3A_952 : vector<16xf32>
    %swap3A_954 = arith.constant 0 : i32
    %swap3A_955 = arith.index_cast %swap3A_954 : i32 to index
    %swap3A_956 = arith.constant 16 : index
    %swap3A_957 = tpu.vector_load %arg11[%swap3A_955, %swap3A_956] {strides = array<i32>} : memref<8x128xf32, #tpu.memory_space<vmem>>, vector<16xf32>,
    tpu.vector_store %arg11[%swap3A_955, %swap3A_956], %add3A_953 {strides = array<i32>} : memref<8x128xf32, #tpu.memory_space<vmem>>, vector<16xf32>,
    %get3A_958 = arith.constant 32 : index
    %get3A_959 = tpu.vector_load %arg9[%get3A_958] {strides = array<i32>} : memref<1024xf32, #tpu.memory_space<vmem>>, vector<16xf32>,
    %get3A_960 = arith.constant 32 : index
    %get3A_961 = tpu.vector_load %arg10[%get3A_960] {strides = array<i32>} : memref<1024xf32, #tpu.memory_space<vmem>>, vector<16xf32>,
    %add3A_962 = arith.addf %get3A_959, %get3A_961 : vector<16xf32>
    %swap3A_963 = arith.constant 0 : i32
    %swap3A_964 = arith.index_cast %swap3A_963 : i32 to index
    %swap3A_965 = arith.constant 32 : index
    %swap3A_966 = tpu.vector_load %arg11[%swap3A_964, %swap3A_965] {strides = array<i32>} : memref<8x128xf32, #tpu.memory_space<vmem>>, vector<16xf32>,
    tpu.vector_store %arg11[%swap3A_964, %swap3A_965], %add3A_962 {strides = array<i32>} : memref<8x128xf32, #tpu.memory_space<vmem>>, vector<16xf32>,
    %get3A_967 = arith.constant 48 : index
    %get3A_968 = tpu.vector_load %arg9[%get3A_967] {strides = array<i32>} : memref<1024xf32, #tpu.memory_space<vmem>>, vector<16xf32>,
    %get3A_969 = arith.constant 48 : index
    %get3A_970 = tpu.vector_load %arg10[%get3A_969] {strides = array<i32>} : memref<1024xf32, #tpu.memory_space<vmem>>, vector<16xf32>,
    %add3A_971 = arith.addf %get3A_968, %get3A_970 : vector<16xf32>
    %swap3A_972 = arith.constant 0 : i32
    %swap3A_973 = arith.index_cast %swap3A_972 : i32 to index
    %swap3A_974 = arith.constant 48 : index
    %swap3A_975 = tpu.vector_load %arg11[%swap3A_973, %swap3A_974] {strides = array<i32>} : memref<8x128xf32, #tpu.memory_space<vmem>>, vector<16xf32>,
    tpu.vector_store %arg11[%swap3A_973, %swap3A_974], %add3A_971 {strides = array<i32>} : memref<8x128xf32, #tpu.memory_space<vmem>>, vector<16xf32>,
    %get3A_976 = arith.constant 64 : index
    %get3A_977 = tpu.vector_load %arg9[%get3A_976] {strides = array<i32>} : memref<1024xf32, #tpu.memory_space<vmem>>, vector<16xf32>,
    %get3A_978 = arith.constant 64 : index
    %get3A_979 = tpu.vector_load %arg10[%get3A_978] {strides = array<i32>} : memref<1024xf32, #tpu.memory_space<vmem>>, vector<16xf32>,
    %add3A_980 = arith.addf %get3A_977, %get3A_979 : vector<16xf32>
    %swap3A_981 = arith.constant 0 : i32
    %swap3A_982 = arith.index_cast %swap3A_981 : i32 to index
    %swap3A_983 = arith.constant 64 : index
    %swap3A_984 = tpu.vector_load %arg11[%swap3A_982, %swap3A_983] {strides = array<i32>} : memref<8x128xf32, #tpu.memory_space<vmem>>, vector<16xf32>,
    tpu.vector_store %arg11[%swap3A_982, %swap3A_983], %add3A_980 {strides = array<i32>} : memref<8x128xf32, #tpu.memory_space<vmem>>, vector<16xf32>,
    %get3A_985 = arith.constant 80 : index
    %get3A_986 = tpu.vector_load %arg9[%get3A_985] {strides = array<i32>} : memref<1024xf32, #tpu.memory_space<vmem>>, vector<16xf32>,
    %get3A_987 = arith.constant 80 : index
    %get3A_988 = tpu.vector_load %arg10[%get3A_987] {strides = array<i32>} : memref<1024xf32, #tpu.memory_space<vmem>>, vector<16xf32>,
    %add3A_989 = arith.addf %get3A_986, %get3A_988 : vector<16xf32>
    %swap3A_990 = arith.constant 0 : i32
    %swap3A_991 = arith.index_cast %swap3A_990 : i32 to index
    %swap3A_992 = arith.constant 80 : index
    %swap3A_993 = tpu.vector_load %arg11[%swap3A_991, %swap3A_992] {strides = array<i32>} : memref<8x128xf32, #tpu.memory_space<vmem>>, vector<16xf32>,
    tpu.vector_store %arg11[%swap3A_991, %swap3A_992], %add3A_989 {strides = array<i32>} : memref<8x128xf32, #tpu.memory_space<vmem>>, vector<16xf32>,
    %get3A_994 = arith.constant 96 : index
    %get3A_995 = tpu.vector_load %arg9[%get3A_994] {strides = array<i32>} : memref<1024xf32, #tpu.memory_space<vmem>>, vector<16xf32>,
    %get3A_996 = arith.constant 96 : index
    %get3A_997 = tpu.vector_load %arg10[%get3A_996] {strides = array<i32>} : memref<1024xf32, #tpu.memory_space<vmem>>, vector<16xf32>,
    %add3A_998 = arith.addf %get3A_995, %get3A_997 : vector<16xf32>
    %swap3A_999 = arith.constant 0 : i32
    %swap3A_1000 = arith.index_cast %swap3A_999 : i32 to index
    %swap3A_1001 = arith.constant 96 : index
    %swap3A_1002 = tpu.vector_load %arg11[%swap3A_1000, %swap3A_1001] {strides = array<i32>} : memref<8x128xf32, #tpu.memory_space<vmem>>, vector<16xf32>,
    tpu.vector_store %arg11[%swap3A_1000, %swap3A_1001], %add3A_998 {strides = array<i32>} : memref<8x128xf32, #tpu.memory_space<vmem>>, vector<16xf32>,
    %get3A_1003 = arith.constant 112 : index
    %get3A_1004 = tpu.vector_load %arg9[%get3A_1003] {strides = array<i32>} : memref<1024xf32, #tpu.memory_space<vmem>>, vector<16xf32>,
    %get3A_1005 = arith.constant 112 : index
    %get3A_1006 = tpu.vector_load %arg10[%get3A_1005] {strides = array<i32>} : memref<1024xf32, #tpu.memory_space<vmem>>, vector<16xf32>,
    %add3A_1007 = arith.addf %get3A_1004, %get3A_1006 : vector<16xf32>
    %swap3A_1008 = arith.constant 0 : i32
    %swap3A_1009 = arith.index_cast %swap3A_1008 : i32 to index
    %swap3A_1010 = arith.constant 112 : index
    %swap3A_1011 = tpu.vector_load %arg11[%swap3A_1009, %swap3A_1010] {strides = array<i32>} : memref<8x128xf32, #tpu.memory_space<vmem>>, vector<16xf32>,
    tpu.vector_store %arg11[%swap3A_1009, %swap3A_1010], %add3A_1007 {strides = array<i32>} : memref<8x128xf32, #tpu.memory_space<vmem>>, vector<16xf32>,
    %get3A_1012 = arith.constant 128 : index
    %get3A_1013 = tpu.vector_load %arg9[%get3A_1012] {strides = array<i32>} : memref<1024xf32, #tpu.memory_space<vmem>>, vector<16xf32>,
    %get3A_1014 = arith.constant 128 : index
    %get3A_1015 = tpu.vector_load %arg10[%get3A_1014] {strides = array<i32>} : memref<1024xf32, #tpu.memory_space<vmem>>, vector<16xf32>,
    %add3A_1016 = arith.addf %get3A_1013, %get3A_1015 : vector<16xf32>
    %swap3A_1017 = arith.constant 1 : i32
    %swap3A_1018 = arith.index_cast %swap3A_1017 : i32 to index
    %swap3A_1019 = arith.constant 0 : index
    %swap3A_1020 = tpu.vector_load %arg11[%swap3A_1018, %swap3A_1019] {strides = array<i32>} : memref<8x128xf32, #tpu.memory_space<vmem>>, vector<16xf32>,
    tpu.vector_store %arg11[%swap3A_1018, %swap3A_1019], %add3A_1016 {strides = array<i32>} : memref<8x128xf32, #tpu.memory_space<vmem>>, vector<16xf32>,
    %get3A_1021 = arith.constant 144 : index
    %get3A_1022 = tpu.vector_load %arg9[%get3A_1021] {strides = array<i32>} : memref<1024xf32, #tpu.memory_space<vmem>>, vector<16xf32>,
    %get3A_1023 = arith.constant 144 : index
    %get3A_1024 = tpu.vector_load %arg10[%get3A_1023] {strides = array<i32>} : memref<1024xf32, #tpu.memory_space<vmem>>, vector<16xf32>,
    %add3A_1025 = arith.addf %get3A_1022, %get3A_1024 : vector<16xf32>
    %swap3A_1026 = arith.constant 1 : i32
    %swap3A_1027 = arith.index_cast %swap3A_1026 : i32 to index
    %swap3A_1028 = arith.constant 16 : index
    %swap3A_1029 = tpu.vector_load %arg11[%swap3A_1027, %swap3A_1028] {strides = array<i32>} : memref<8x128xf32, #tpu.memory_space<vmem>>, vector<16xf32>,
    tpu.vector_store %arg11[%swap3A_1027, %swap3A_1028], %add3A_1025 {strides = array<i32>} : memref<8x128xf32, #tpu.memory_space<vmem>>, vector<16xf32>,
    %get3A_1030 = arith.constant 160 : index
    %get3A_1031 = tpu.vector_load %arg9[%get3A_1030] {strides = array<i32>} : memref<1024xf32, #tpu.memory_space<vmem>>, vector<16xf32>,
    %get3A_1032 = arith.constant 160 : index
    %get3A_1033 = tpu.vector_load %arg10[%get3A_1032] {strides = array<i32>} : memref<1024xf32, #tpu.memory_space<vmem>>, vector<16xf32>,
    %add3A_1034 = arith.addf %get3A_1031, %get3A_1033 : vector<16xf32>
    %swap3A_1035 = arith.constant 1 : i32
    %swap3A_1036 = arith.index_cast %swap3A_1035 : i32 to index
    %swap3A_1037 = arith.constant 32 : index
    %swap3A_1038 = tpu.vector_load %arg11[%swap3A_1036, %swap3A_1037] {strides = array<i32>} : memref<8x128xf32, #tpu.memory_space<vmem>>, vector<16xf32>,
    tpu.vector_store %arg11[%swap3A_1036, %swap3A_1037], %add3A_1034 {strides = array<i32>} : memref<8x128xf32, #tpu.memory_space<vmem>>, vector<16xf32>,
    %get3A_1039 = arith.constant 176 : index
    %get3A_1040 = tpu.vector_load %arg9[%get3A_1039] {strides = array<i32>} : memref<1024xf32, #tpu.memory_space<vmem>>, vector<16xf32>,
    %get3A_1041 = arith.constant 176 : index
    %get3A_1042 = tpu.vector_load %arg10[%get3A_1041] {strides = array<i32>} : memref<1024xf32, #tpu.memory_space<vmem>>, vector<16xf32>,
    %add3A_1043 = arith.addf %get3A_1040, %get3A_1042 : vector<16xf32>
    %swap3A_1044 = arith.constant 1 : i32
    %swap3A_1045 = arith.index_cast %swap3A_1044 : i32 to index
    %swap3A_1046 = arith.constant 48 : index
    %swap3A_1047 = tpu.vector_load %arg11[%swap3A_1045, %swap3A_1046] {strides = array<i32>} : memref<8x128xf32, #tpu.memory_space<vmem>>, vector<16xf32>,
    tpu.vector_store %arg11[%swap3A_1045, %swap3A_1046], %add3A_1043 {strides = array<i32>} : memref<8x128xf32, #tpu.memory_space<vmem>>, vector<16xf32>,
    %get3A_1048 = arith.constant 192 : index
    %get3A_1049 = tpu.vector_load %arg9[%get3A_1048] {strides = array<i32>} : memref<1024xf32, #tpu.memory_space<vmem>>, vector<16xf32>,
    %get3A_1050 = arith.constant 192 : index
    %get3A_1051 = tpu.vector_load %arg10[%get3A_1050] {strides = array<i32>} : memref<1024xf32, #tpu.memory_space<vmem>>, vector<16xf32>,
    %add3A_1052 = arith.addf %get3A_1049, %get3A_1051 : vector<16xf32>
    %swap3A_1053 = arith.constant 1 : i32
    %swap3A_1054 = arith.index_cast %swap3A_1053 : i32 to index
    %swap3A_1055 = arith.constant 64 : index
    %swap3A_1056 = tpu.vector_load %arg11[%swap3A_1054, %swap3A_1055] {strides = array<i32>} : memref<8x128xf32, #tpu.memory_space<vmem>>, vector<16xf32>,
    tpu.vector_store %arg11[%swap3A_1054, %swap3A_1055], %add3A_1052 {strides = array<i32>} : memref<8x128xf32, #tpu.memory_space<vmem>>, vector<16xf32>,
    %get3A_1057 = arith.constant 208 : index
    %get3A_1058 = tpu.vector_load %arg9[%get3A_1057] {strides = array<i32>} : memref<1024xf32, #tpu.memory_space<vmem>>, vector<16xf32>,
    %get3A_1059 = arith.constant 208 : index
    %get3A_1060 = tpu.vector_load %arg10[%get3A_1059] {strides = array<i32>} : memref<1024xf32, #tpu.memory_space<vmem>>, vector<16xf32>,
    %add3A_1061 = arith.addf %get3A_1058, %get3A_1060 : vector<16xf32>
    %swap3A_1062 = arith.constant 1 : i32
    %swap3A_1063 = arith.index_cast %swap3A_1062 : i32 to index
    %swap3A_1064 = arith.constant 80 : index
    %swap3A_1065 = tpu.vector_load %arg11[%swap3A_1063, %swap3A_1064] {strides = array<i32>} : memref<8x128xf32, #tpu.memory_space<vmem>>, vector<16xf32>,
    tpu.vector_store %arg11[%swap3A_1063, %swap3A_1064], %add3A_1061 {strides = array<i32>} : memref<8x128xf32, #tpu.memory_space<vmem>>, vector<16xf32>,
    %get3A_1066 = arith.constant 224 : index
    %get3A_1067 = tpu.vector_load %arg9[%get3A_1066] {strides = array<i32>} : memref<1024xf32, #tpu.memory_space<vmem>>, vector<16xf32>,
    %get3A_1068 = arith.constant 224 : index
    %get3A_1069 = tpu.vector_load %arg10[%get3A_1068] {strides = array<i32>} : memref<1024xf32, #tpu.memory_space<vmem>>, vector<16xf32>,
    %add3A_1070 = arith.addf %get3A_1067, %get3A_1069 : vector<16xf32>
    %swap3A_1071 = arith.constant 1 : i32
    %swap3A_1072 = arith.index_cast %swap3A_1071 : i32 to index
    %swap3A_1073 = arith.constant 96 : index
    %swap3A_1074 = tpu.vector_load %arg11[%swap3A_1072, %swap3A_1073] {strides = array<i32>} : memref<8x128xf32, #tpu.memory_space<vmem>>, vector<16xf32>,
    tpu.vector_store %arg11[%swap3A_1072, %swap3A_1073], %add3A_1070 {strides = array<i32>} : memref<8x128xf32, #tpu.memory_space<vmem>>, vector<16xf32>,
    %get3A_1075 = arith.constant 240 : index
    %get3A_1076 = tpu.vector_load %arg9[%get3A_1075] {strides = array<i32>} : memref<1024xf32, #tpu.memory_space<vmem>>, vector<16xf32>,
    %get3A_1077 = arith.constant 240 : index
    %get3A_1078 = tpu.vector_load %arg10[%get3A_1077] {strides = array<i32>} : memref<1024xf32, #tpu.memory_space<vmem>>, vector<16xf32>,
    %add3A_1079 = arith.addf %get3A_1076, %get3A_1078 : vector<16xf32>
    %swap3A_1080 = arith.constant 1 : i32
    %swap3A_1081 = arith.index_cast %swap3A_1080 : i32 to index
    %swap3A_1082 = arith.constant 112 : index
    %swap3A_1083 = tpu.vector_load %arg11[%swap3A_1081, %swap3A_1082] {strides = array<i32>} : memref<8x128xf32, #tpu.memory_space<vmem>>, vector<16xf32>,
    tpu.vector_store %arg11[%swap3A_1081, %swap3A_1082], %add3A_1079 {strides = array<i32>} : memref<8x128xf32, #tpu.memory_space<vmem>>, vector<16xf32>,
    %get3A_1084 = arith.constant 256 : index
    %get3A_1085 = tpu.vector_load %arg9[%get3A_1084] {strides = array<i32>} : memref<1024xf32, #tpu.memory_space<vmem>>, vector<16xf32>,
    %get3A_1086 = arith.constant 256 : index
    %get3A_1087 = tpu.vector_load %arg10[%get3A_1086] {strides = array<i32>} : memref<1024xf32, #tpu.memory_space<vmem>>, vector<16xf32>,
    %add3A_1088 = arith.addf %get3A_1085, %get3A_1087 : vector<16xf32>
    %swap3A_1089 = arith.constant 2 : i32
    %swap3A_1090 = arith.index_cast %swap3A_1089 : i32 to index
    %swap3A_1091 = arith.constant 0 : index
    %swap3A_1092 = tpu.vector_load %arg11[%swap3A_1090, %swap3A_1091] {strides = array<i32>} : memref<8x128xf32, #tpu.memory_space<vmem>>, vector<16xf32>,
    tpu.vector_store %arg11[%swap3A_1090, %swap3A_1091], %add3A_1088 {strides = array<i32>} : memref<8x128xf32, #tpu.memory_space<vmem>>, vector<16xf32>,
    %get3A_1093 = arith.constant 272 : index
    %get3A_1094 = tpu.vector_load %arg9[%get3A_1093] {strides = array<i32>} : memref<1024xf32, #tpu.memory_space<vmem>>, vector<16xf32>,
    %get3A_1095 = arith.constant 272 : index
    %get3A_1096 = tpu.vector_load %arg10[%get3A_1095] {strides = array<i32>} : memref<1024xf32, #tpu.memory_space<vmem>>, vector<16xf32>,
    %add3A_1097 = arith.addf %get3A_1094, %get3A_1096 : vector<16xf32>
    %swap3A_1098 = arith.constant 2 : i32
    %swap3A_1099 = arith.index_cast %swap3A_1098 : i32 to index
    %swap3A_1100 = arith.constant 16 : index
    %swap3A_1101 = tpu.vector_load %arg11[%swap3A_1099, %swap3A_1100] {strides = array<i32>} : memref<8x128xf32, #tpu.memory_space<vmem>>, vector<16xf32>,
    tpu.vector_store %arg11[%swap3A_1099, %swap3A_1100], %add3A_1097 {strides = array<i32>} : memref<8x128xf32, #tpu.memory_space<vmem>>, vector<16xf32>,
    %get3A_1102 = arith.constant 288 : index
    %get3A_1103 = tpu.vector_load %arg9[%get3A_1102] {strides = array<i32>} : memref<1024xf32, #tpu.memory_space<vmem>>, vector<16xf32>,
    %get3A_1104 = arith.constant 288 : index
    %get3A_1105 = tpu.vector_load %arg10[%get3A_1104] {strides = array<i32>} : memref<1024xf32, #tpu.memory_space<vmem>>, vector<16xf32>,
    %add3A_1106 = arith.addf %get3A_1103, %get3A_1105 : vector<16xf32>
    %swap3A_1107 = arith.constant 2 : i32
    %swap3A_1108 = arith.index_cast %swap3A_1107 : i32 to index
    %swap3A_1109 = arith.constant 32 : index
    %swap3A_1110 = tpu.vector_load %arg11[%swap3A_1108, %swap3A_1109] {strides = array<i32>} : memref<8x128xf32, #tpu.memory_space<vmem>>, vector<16xf32>,
    tpu.vector_store %arg11[%swap3A_1108, %swap3A_1109], %add3A_1106 {strides = array<i32>} : memref<8x128xf32, #tpu.memory_space<vmem>>, vector<16xf32>,
    %get3A_1111 = arith.constant 304 : index
    %get3A_1112 = tpu.vector_load %arg9[%get3A_1111] {strides = array<i32>} : memref<1024xf32, #tpu.memory_space<vmem>>, vector<16xf32>,
    %get3A_1113 = arith.constant 304 : index
    %get3A_1114 = tpu.vector_load %arg10[%get3A_1113] {strides = array<i32>} : memref<1024xf32, #tpu.memory_space<vmem>>, vector<16xf32>,
    %add3A_1115 = arith.addf %get3A_1112, %get3A_1114 : vector<16xf32>
    %swap3A_1116 = arith.constant 2 : i32
    %swap3A_1117 = arith.index_cast %swap3A_1116 : i32 to index
    %swap3A_1118 = arith.constant 48 : index
    %swap3A_1119 = tpu.vector_load %arg11[%swap3A_1117, %swap3A_1118] {strides = array<i32>} : memref<8x128xf32, #tpu.memory_space<vmem>>, vector<16xf32>,
    tpu.vector_store %arg11[%swap3A_1117, %swap3A_1118], %add3A_1115 {strides = array<i32>} : memref<8x128xf32, #tpu.memory_space<vmem>>, vector<16xf32>,
    %get3A_1120 = arith.constant 320 : index
    %get3A_1121 = tpu.vector_load %arg9[%get3A_1120] {strides = array<i32>} : memref<1024xf32, #tpu.memory_space<vmem>>, vector<16xf32>,
    %get3A_1122 = arith.constant 320 : index
    %get3A_1123 = tpu.vector_load %arg10[%get3A_1122] {strides = array<i32>} : memref<1024xf32, #tpu.memory_space<vmem>>, vector<16xf32>,
    %add3A_1124 = arith.addf %get3A_1121, %get3A_1123 : vector<16xf32>
    %swap3A_1125 = arith.constant 2 : i32
    %swap3A_1126 = arith.index_cast %swap3A_1125 : i32 to index
    %swap3A_1127 = arith.constant 64 : index
    %swap3A_1128 = tpu.vector_load %arg11[%swap3A_1126, %swap3A_1127] {strides = array<i32>} : memref<8x128xf32, #tpu.memory_space<vmem>>, vector<16xf32>,
    tpu.vector_store %arg11[%swap3A_1126, %swap3A_1127], %add3A_1124 {strides = array<i32>} : memref<8x128xf32, #tpu.memory_space<vmem>>, vector<16xf32>,
    %get3A_1129 = arith.constant 336 : index
    %get3A_1130 = tpu.vector_load %arg9[%get3A_1129] {strides = array<i32>} : memref<1024xf32, #tpu.memory_space<vmem>>, vector<16xf32>,
    %get3A_1131 = arith.constant 336 : index
    %get3A_1132 = tpu.vector_load %arg10[%get3A_1131] {strides = array<i32>} : memref<1024xf32, #tpu.memory_space<vmem>>, vector<16xf32>,
    %add3A_1133 = arith.addf %get3A_1130, %get3A_1132 : vector<16xf32>
    %swap3A_1134 = arith.constant 2 : i32
    %swap3A_1135 = arith.index_cast %swap3A_1134 : i32 to index
    %swap3A_1136 = arith.constant 80 : index
    %swap3A_1137 = tpu.vector_load %arg11[%swap3A_1135, %swap3A_1136] {strides = array<i32>} : memref<8x128xf32, #tpu.memory_space<vmem>>, vector<16xf32>,
    tpu.vector_store %arg11[%swap3A_1135, %swap3A_1136], %add3A_1133 {strides = array<i32>} : memref<8x128xf32, #tpu.memory_space<vmem>>, vector<16xf32>,
    %get3A_1138 = arith.constant 352 : index
    %get3A_1139 = tpu.vector_load %arg9[%get3A_1138] {strides = array<i32>} : memref<1024xf32, #tpu.memory_space<vmem>>, vector<16xf32>,
    %get3A_1140 = arith.constant 352 : index
    %get3A_1141 = tpu.vector_load %arg10[%get3A_1140] {strides = array<i32>} : memref<1024xf32, #tpu.memory_space<vmem>>, vector<16xf32>,
    %add3A_1142 = arith.addf %get3A_1139, %get3A_1141 : vector<16xf32>
    %swap3A_1143 = arith.constant 2 : i32
    %swap3A_1144 = arith.index_cast %swap3A_1143 : i32 to index
    %swap3A_1145 = arith.constant 96 : index
    %swap3A_1146 = tpu.vector_load %arg11[%swap3A_1144, %swap3A_1145] {strides = array<i32>} : memref<8x128xf32, #tpu.memory_space<vmem>>, vector<16xf32>,
    tpu.vector_store %arg11[%swap3A_1144, %swap3A_1145], %add3A_1142 {strides = array<i32>} : memref<8x128xf32, #tpu.memory_space<vmem>>, vector<16xf32>,
    %get3A_1147 = arith.constant 368 : index
    %get3A_1148 = tpu.vector_load %arg9[%get3A_1147] {strides = array<i32>} : memref<1024xf32, #tpu.memory_space<vmem>>, vector<16xf32>,
    %get3A_1149 = arith.constant 368 : index
    %get3A_1150 = tpu.vector_load %arg10[%get3A_1149] {strides = array<i32>} : memref<1024xf32, #tpu.memory_space<vmem>>, vector<16xf32>,
    %add3A_1151 = arith.addf %get3A_1148, %get3A_1150 : vector<16xf32>
    %swap3A_1152 = arith.constant 2 : i32
    %swap3A_1153 = arith.index_cast %swap3A_1152 : i32 to index
    %swap3A_1154 = arith.constant 112 : index
    %swap3A_1155 = tpu.vector_load %arg11[%swap3A_1153, %swap3A_1154] {strides = array<i32>} : memref<8x128xf32, #tpu.memory_space<vmem>>, vector<16xf32>,
    tpu.vector_store %arg11[%swap3A_1153, %swap3A_1154], %add3A_1151 {strides = array<i32>} : memref<8x128xf32, #tpu.memory_space<vmem>>, vector<16xf32>,
    %get3A_1156 = arith.constant 384 : index
    %get3A_1157 = tpu.vector_load %arg9[%get3A_1156] {strides = array<i32>} : memref<1024xf32, #tpu.memory_space<vmem>>, vector<16xf32>,
    %get3A_1158 = arith.constant 384 : index
    %get3A_1159 = tpu.vector_load %arg10[%get3A_1158] {strides = array<i32>} : memref<1024xf32, #tpu.memory_space<vmem>>, vector<16xf32>,
    %add3A_1160 = arith.addf %get3A_1157, %get3A_1159 : vector<16xf32>
    %swap3A_1161 = arith.constant 3 : i32
    %swap3A_1162 = arith.index_cast %swap3A_1161 : i32 to index
    %swap3A_1163 = arith.constant 0 : index
    %swap3A_1164 = tpu.vector_load %arg11[%swap3A_1162, %swap3A_1163] {strides = array<i32>} : memref<8x128xf32, #tpu.memory_space<vmem>>, vector<16xf32>,
    tpu.vector_store %arg11[%swap3A_1162, %swap3A_1163], %add3A_1160 {strides = array<i32>} : memref<8x128xf32, #tpu.memory_space<vmem>>, vector<16xf32>,
    %get3A_1165 = arith.constant 400 : index
    %get3A_1166 = tpu.vector_load %arg9[%get3A_1165] {strides = array<i32>} : memref<1024xf32, #tpu.memory_space<vmem>>, vector<16xf32>,
    %get3A_1167 = arith.constant 400 : index
    %get3A_1168 = tpu.vector_load %arg10[%get3A_1167] {strides = array<i32>} : memref<1024xf32, #tpu.memory_space<vmem>>, vector<16xf32>,
    %add3A_1169 = arith.addf %get3A_1166, %get3A_1168 : vector<16xf32>
    %swap3A_1170 = arith.constant 3 : i32
    %swap3A_1171 = arith.index_cast %swap3A_1170 : i32 to index
    %swap3A_1172 = arith.constant 16 : index
    %swap3A_1173 = tpu.vector_load %arg11[%swap3A_1171, %swap3A_1172] {strides = array<i32>} : memref<8x128xf32, #tpu.memory_space<vmem>>, vector<16xf32>,
    tpu.vector_store %arg11[%swap3A_1171, %swap3A_1172], %add3A_1169 {strides = array<i32>} : memref<8x128xf32, #tpu.memory_space<vmem>>, vector<16xf32>,
    %get3A_1174 = arith.constant 416 : index
    %get3A_1175 = tpu.vector_load %arg9[%get3A_1174] {strides = array<i32>} : memref<1024xf32, #tpu.memory_space<vmem>>, vector<16xf32>,
    %get3A_1176 = arith.constant 416 : index
    %get3A_1177 = tpu.vector_load %arg10[%get3A_1176] {strides = array<i32>} : memref<1024xf32, #tpu.memory_space<vmem>>, vector<16xf32>,
    %add3A_1178 = arith.addf %get3A_1175, %get3A_1177 : vector<16xf32>
    %swap3A_1179 = arith.constant 3 : i32
    %swap3A_1180 = arith.index_cast %swap3A_1179 : i32 to index
    %swap3A_1181 = arith.constant 32 : index
    %swap3A_1182 = tpu.vector_load %arg11[%swap3A_1180, %swap3A_1181] {strides = array<i32>} : memref<8x128xf32, #tpu.memory_space<vmem>>, vector<16xf32>,
    tpu.vector_store %arg11[%swap3A_1180, %swap3A_1181], %add3A_1178 {strides = array<i32>} : memref<8x128xf32, #tpu.memory_space<vmem>>, vector<16xf32>,
    %get3A_1183 = arith.constant 432 : index
    %get3A_1184 = tpu.vector_load %arg9[%get3A_1183] {strides = array<i32>} : memref<1024xf32, #tpu.memory_space<vmem>>, vector<16xf32>,
    %get3A_1185 = arith.constant 432 : index
    %get3A_1186 = tpu.vector_load %arg10[%get3A_1185] {strides = array<i32>} : memref<1024xf32, #tpu.memory_space<vmem>>, vector<16xf32>,
    %add3A_1187 = arith.addf %get3A_1184, %get3A_1186 : vector<16xf32>
    %swap3A_1188 = arith.constant 3 : i32
    %swap3A_1189 = arith.index_cast %swap3A_1188 : i32 to index
    %swap3A_1190 = arith.constant 48 : index
    %swap3A_1191 = tpu.vector_load %arg11[%swap3A_1189, %swap3A_1190] {strides = array<i32>} : memref<8x128xf32, #tpu.memory_space<vmem>>, vector<16xf32>,
    tpu.vector_store %arg11[%swap3A_1189, %swap3A_1190], %add3A_1187 {strides = array<i32>} : memref<8x128xf32, #tpu.memory_space<vmem>>, vector<16xf32>,
    %get3A_1192 = arith.constant 448 : index
    %get3A_1193 = tpu.vector_load %arg9[%get3A_1192] {strides = array<i32>} : memref<1024xf32, #tpu.memory_space<vmem>>, vector<16xf32>,
    %get3A_1194 = arith.constant 448 : index
    %get3A_1195 = tpu.vector_load %arg10[%get3A_1194] {strides = array<i32>} : memref<1024xf32, #tpu.memory_space<vmem>>, vector<16xf32>,
    %add3A_1196 = arith.addf %get3A_1193, %get3A_1195 : vector<16xf32>
    %swap3A_1197 = arith.constant 3 : i32
    %swap3A_1198 = arith.index_cast %swap3A_1197 : i32 to index
    %swap3A_1199 = arith.constant 64 : index
    %swap3A_1200 = tpu.vector_load %arg11[%swap3A_1198, %swap3A_1199] {strides = array<i32>} : memref<8x128xf32, #tpu.memory_space<vmem>>, vector<16xf32>,
    tpu.vector_store %arg11[%swap3A_1198, %swap3A_1199], %add3A_1196 {strides = array<i32>} : memref<8x128xf32, #tpu.memory_space<vmem>>, vector<16xf32>,
    %get3A_1201 = arith.constant 464 : index
    %get3A_1202 = tpu.vector_load %arg9[%get3A_1201] {strides = array<i32>} : memref<1024xf32, #tpu.memory_space<vmem>>, vector<16xf32>,
    %get3A_1203 = arith.constant 464 : index
    %get3A_1204 = tpu.vector_load %arg10[%get3A_1203] {strides = array<i32>} : memref<1024xf32, #tpu.memory_space<vmem>>, vector<16xf32>,
    %add3A_1205 = arith.addf %get3A_1202, %get3A_1204 : vector<16xf32>
    %swap3A_1206 = arith.constant 3 : i32
    %swap3A_1207 = arith.index_cast %swap3A_1206 : i32 to index
    %swap3A_1208 = arith.constant 80 : index
    %swap3A_1209 = tpu.vector_load %arg11[%swap3A_1207, %swap3A_1208] {strides = array<i32>} : memref<8x128xf32, #tpu.memory_space<vmem>>, vector<16xf32>,
    tpu.vector_store %arg11[%swap3A_1207, %swap3A_1208], %add3A_1205 {strides = array<i32>} : memref<8x128xf32, #tpu.memory_space<vmem>>, vector<16xf32>,
    %get3A_1210 = arith.constant 480 : index
    %get3A_1211 = tpu.vector_load %arg9[%get3A_1210] {strides = array<i32>} : memref<1024xf32, #tpu.memory_space<vmem>>, vector<16xf32>,
    %get3A_1212 = arith.constant 480 : index
    %get3A_1213 = tpu.vector_load %arg10[%get3A_1212] {strides = array<i32>} : memref<1024xf32, #tpu.memory_space<vmem>>, vector<16xf32>,
    %add3A_1214 = arith.addf %get3A_1211, %get3A_1213 : vector<16xf32>
    %swap3A_1215 = arith.constant 3 : i32
    %swap3A_1216 = arith.index_cast %swap3A_1215 : i32 to index
    %swap3A_1217 = arith.constant 96 : index
    %swap3A_1218 = tpu.vector_load %arg11[%swap3A_1216, %swap3A_1217] {strides = array<i32>} : memref<8x128xf32, #tpu.memory_space<vmem>>, vector<16xf32>,
    tpu.vector_store %arg11[%swap3A_1216, %swap3A_1217], %add3A_1214 {strides = array<i32>} : memref<8x128xf32, #tpu.memory_space<vmem>>, vector<16xf32>,
    %get3A_1219 = arith.constant 496 : index
    %get3A_1220 = tpu.vector_load %arg9[%get3A_1219] {strides = array<i32>} : memref<1024xf32, #tpu.memory_space<vmem>>, vector<16xf32>,
    %get3A_1221 = arith.constant 496 : index
    %get3A_1222 = tpu.vector_load %arg10[%get3A_1221] {strides = array<i32>} : memref<1024xf32, #tpu.memory_space<vmem>>, vector<16xf32>,
    %add3A_1223 = arith.addf %get3A_1220, %get3A_1222 : vector<16xf32>
    %swap3A_1224 = arith.constant 3 : i32
    %swap3A_1225 = arith.index_cast %swap3A_1224 : i32 to index
    %swap3A_1226 = arith.constant 112 : index
    %swap3A_1227 = tpu.vector_load %arg11[%swap3A_1225, %swap3A_1226] {strides = array<i32>} : memref<8x128xf32, #tpu.memory_space<vmem>>, vector<16xf32>,
    tpu.vector_store %arg11[%swap3A_1225, %swap3A_1226], %add3A_1223 {strides = array<i32>} : memref<8x128xf32, #tpu.memory_space<vmem>>, vector<16xf32>,
    %get3A_1228 = arith.constant 512 : index
    %get3A_1229 = tpu.vector_load %arg9[%get3A_1228] {strides = array<i32>} : memref<1024xf32, #tpu.memory_space<vmem>>, vector<16xf32>,
    %get3A_1230 = arith.constant 512 : index
    %get3A_1231 = tpu.vector_load %arg10[%get3A_1230] {strides = array<i32>} : memref<1024xf32, #tpu.memory_space<vmem>>, vector<16xf32>,
    %add3A_1232 = arith.addf %get3A_1229, %get3A_1231 : vector<16xf32>
    %swap3A_1233 = arith.constant 4 : i32
    %swap3A_1234 = arith.index_cast %swap3A_1233 : i32 to index
    %swap3A_1235 = arith.constant 0 : index
    %swap3A_1236 = tpu.vector_load %arg11[%swap3A_1234, %swap3A_1235] {strides = array<i32>} : memref<8x128xf32, #tpu.memory_space<vmem>>, vector<16xf32>,
    tpu.vector_store %arg11[%swap3A_1234, %swap3A_1235], %add3A_1232 {strides = array<i32>} : memref<8x128xf32, #tpu.memory_space<vmem>>, vector<16xf32>,
    %get3A_1237 = arith.constant 528 : index
    %get3A_1238 = tpu.vector_load %arg9[%get3A_1237] {strides = array<i32>} : memref<1024xf32, #tpu.memory_space<vmem>>, vector<16xf32>,
    %get3A_1239 = arith.constant 528 : index
    %get3A_1240 = tpu.vector_load %arg10[%get3A_1239] {strides = array<i32>} : memref<1024xf32, #tpu.memory_space<vmem>>, vector<16xf32>,
    %add3A_1241 = arith.addf %get3A_1238, %get3A_1240 : vector<16xf32>
    %swap3A_1242 = arith.constant 4 : i32
    %swap3A_1243 = arith.index_cast %swap3A_1242 : i32 to index
    %swap3A_1244 = arith.constant 16 : index
    %swap3A_1245 = tpu.vector_load %arg11[%swap3A_1243, %swap3A_1244] {strides = array<i32>} : memref<8x128xf32, #tpu.memory_space<vmem>>, vector<16xf32>,
    tpu.vector_store %arg11[%swap3A_1243, %swap3A_1244], %add3A_1241 {strides = array<i32>} : memref<8x128xf32, #tpu.memory_space<vmem>>, vector<16xf32>,
    %get3A_1246 = arith.constant 544 : index
    %get3A_1247 = tpu.vector_load %arg9[%get3A_1246] {strides = array<i32>} : memref<1024xf32, #tpu.memory_space<vmem>>, vector<16xf32>,
    %get3A_1248 = arith.constant 544 : index
    %get3A_1249 = tpu.vector_load %arg10[%get3A_1248] {strides = array<i32>} : memref<1024xf32, #tpu.memory_space<vmem>>, vector<16xf32>,
    %add3A_1250 = arith.addf %get3A_1247, %get3A_1249 : vector<16xf32>
    %swap3A_1251 = arith.constant 4 : i32
    %swap3A_1252 = arith.index_cast %swap3A_1251 : i32 to index
    %swap3A_1253 = arith.constant 32 : index
    %swap3A_1254 = tpu.vector_load %arg11[%swap3A_1252, %swap3A_1253] {strides = array<i32>} : memref<8x128xf32, #tpu.memory_space<vmem>>, vector<16xf32>,
    tpu.vector_store %arg11[%swap3A_1252, %swap3A_1253], %add3A_1250 {strides = array<i32>} : memref<8x128xf32, #tpu.memory_space<vmem>>, vector<16xf32>,
    %get3A_1255 = arith.constant 560 : index
    %get3A_1256 = tpu.vector_load %arg9[%get3A_1255] {strides = array<i32>} : memref<1024xf32, #tpu.memory_space<vmem>>, vector<16xf32>,
    %get3A_1257 = arith.constant 560 : index
    %get3A_1258 = tpu.vector_load %arg10[%get3A_1257] {strides = array<i32>} : memref<1024xf32, #tpu.memory_space<vmem>>, vector<16xf32>,
    %add3A_1259 = arith.addf %get3A_1256, %get3A_1258 : vector<16xf32>
    %swap3A_1260 = arith.constant 4 : i32
    %swap3A_1261 = arith.index_cast %swap3A_1260 : i32 to index
    %swap3A_1262 = arith.constant 48 : index
    %swap3A_1263 = tpu.vector_load %arg11[%swap3A_1261, %swap3A_1262] {strides = array<i32>} : memref<8x128xf32, #tpu.memory_space<vmem>>, vector<16xf32>,
    tpu.vector_store %arg11[%swap3A_1261, %swap3A_1262], %add3A_1259 {strides = array<i32>} : memref<8x128xf32, #tpu.memory_space<vmem>>, vector<16xf32>,
    %get3A_1264 = arith.constant 576 : index
    %get3A_1265 = tpu.vector_load %arg9[%get3A_1264] {strides = array<i32>} : memref<1024xf32, #tpu.memory_space<vmem>>, vector<16xf32>,
    %get3A_1266 = arith.constant 576 : index
    %get3A_1267 = tpu.vector_load %arg10[%get3A_1266] {strides = array<i32>} : memref<1024xf32, #tpu.memory_space<vmem>>, vector<16xf32>,
    %add3A_1268 = arith.addf %get3A_1265, %get3A_1267 : vector<16xf32>
    %swap3A_1269 = arith.constant 4 : i32
    %swap3A_1270 = arith.index_cast %swap3A_1269 : i32 to index
    %swap3A_1271 = arith.constant 64 : index
    %swap3A_1272 = tpu.vector_load %arg11[%swap3A_1270, %swap3A_1271] {strides = array<i32>} : memref<8x128xf32, #tpu.memory_space<vmem>>, vector<16xf32>,
    tpu.vector_store %arg11[%swap3A_1270, %swap3A_1271], %add3A_1268 {strides = array<i32>} : memref<8x128xf32, #tpu.memory_space<vmem>>, vector<16xf32>,
    %get3A_1273 = arith.constant 592 : index
    %get3A_1274 = tpu.vector_load %arg9[%get3A_1273] {strides = array<i32>} : memref<1024xf32, #tpu.memory_space<vmem>>, vector<16xf32>,
    %get3A_1275 = arith.constant 592 : index
    %get3A_1276 = tpu.vector_load %arg10[%get3A_1275] {strides = array<i32>} : memref<1024xf32, #tpu.memory_space<vmem>>, vector<16xf32>,
    %add3A_1277 = arith.addf %get3A_1274, %get3A_1276 : vector<16xf32>
    %swap3A_1278 = arith.constant 4 : i32
    %swap3A_1279 = arith.index_cast %swap3A_1278 : i32 to index
    %swap3A_1280 = arith.constant 80 : index
    %swap3A_1281 = tpu.vector_load %arg11[%swap3A_1279, %swap3A_1280] {strides = array<i32>} : memref<8x128xf32, #tpu.memory_space<vmem>>, vector<16xf32>,
    tpu.vector_store %arg11[%swap3A_1279, %swap3A_1280], %add3A_1277 {strides = array<i32>} : memref<8x128xf32, #tpu.memory_space<vmem>>, vector<16xf32>,
    %get3A_1282 = arith.constant 608 : index
    %get3A_1283 = tpu.vector_load %arg9[%get3A_1282] {strides = array<i32>} : memref<1024xf32, #tpu.memory_space<vmem>>, vector<16xf32>,
    %get3A_1284 = arith.constant 608 : index
    %get3A_1285 = tpu.vector_load %arg10[%get3A_1284] {strides = array<i32>} : memref<1024xf32, #tpu.memory_space<vmem>>, vector<16xf32>,
    %add3A_1286 = arith.addf %get3A_1283, %get3A_1285 : vector<16xf32>
    %swap3A_1287 = arith.constant 4 : i32
    %swap3A_1288 = arith.index_cast %swap3A_1287 : i32 to index
    %swap3A_1289 = arith.constant 96 : index
    %swap3A_1290 = tpu.vector_load %arg11[%swap3A_1288, %swap3A_1289] {strides = array<i32>} : memref<8x128xf32, #tpu.memory_space<vmem>>, vector<16xf32>,
    tpu.vector_store %arg11[%swap3A_1288, %swap3A_1289], %add3A_1286 {strides = array<i32>} : memref<8x128xf32, #tpu.memory_space<vmem>>, vector<16xf32>,
    %get3A_1291 = arith.constant 624 : index
    %get3A_1292 = tpu.vector_load %arg9[%get3A_1291] {strides = array<i32>} : memref<1024xf32, #tpu.memory_space<vmem>>, vector<16xf32>,
    %get3A_1293 = arith.constant 624 : index
    %get3A_1294 = tpu.vector_load %arg10[%get3A_1293] {strides = array<i32>} : memref<1024xf32, #tpu.memory_space<vmem>>, vector<16xf32>,
    %add3A_1295 = arith.addf %get3A_1292, %get3A_1294 : vector<16xf32>
    %swap3A_1296 = arith.constant 4 : i32
    %swap3A_1297 = arith.index_cast %swap3A_1296 : i32 to index
    %swap3A_1298 = arith.constant 112 : index
    %swap3A_1299 = tpu.vector_load %arg11[%swap3A_1297, %swap3A_1298] {strides = array<i32>} : memref<8x128xf32, #tpu.memory_space<vmem>>, vector<16xf32>,
    tpu.vector_store %arg11[%swap3A_1297, %swap3A_1298], %add3A_1295 {strides = array<i32>} : memref<8x128xf32, #tpu.memory_space<vmem>>, vector<16xf32>,
    %get3A_1300 = arith.constant 640 : index
    %get3A_1301 = tpu.vector_load %arg9[%get3A_1300] {strides = array<i32>} : memref<1024xf32, #tpu.memory_space<vmem>>, vector<16xf32>,
    %get3A_1302 = arith.constant 640 : index
    %get3A_1303 = tpu.vector_load %arg10[%get3A_1302] {strides = array<i32>} : memref<1024xf32, #tpu.memory_space<vmem>>, vector<16xf32>,
    %add3A_1304 = arith.addf %get3A_1301, %get3A_1303 : vector<16xf32>
    %swap3A_1305 = arith.constant 5 : i32
    %swap3A_1306 = arith.index_cast %swap3A_1305 : i32 to index
    %swap3A_1307 = arith.constant 0 : index
    %swap3A_1308 = tpu.vector_load %arg11[%swap3A_1306, %swap3A_1307] {strides = array<i32>} : memref<8x128xf32, #tpu.memory_space<vmem>>, vector<16xf32>,
    tpu.vector_store %arg11[%swap3A_1306, %swap3A_1307], %add3A_1304 {strides = array<i32>} : memref<8x128xf32, #tpu.memory_space<vmem>>, vector<16xf32>,
    %get3A_1309 = arith.constant 656 : index
    %get3A_1310 = tpu.vector_load %arg9[%get3A_1309] {strides = array<i32>} : memref<1024xf32, #tpu.memory_space<vmem>>, vector<16xf32>,
    %get3A_1311 = arith.constant 656 : index
    %get3A_1312 = tpu.vector_load %arg10[%get3A_1311] {strides = array<i32>} : memref<1024xf32, #tpu.memory_space<vmem>>, vector<16xf32>,
    %add3A_1313 = arith.addf %get3A_1310, %get3A_1312 : vector<16xf32>
    %swap3A_1314 = arith.constant 5 : i32
    %swap3A_1315 = arith.index_cast %swap3A_1314 : i32 to index
    %swap3A_1316 = arith.constant 16 : index
    %swap3A_1317 = tpu.vector_load %arg11[%swap3A_1315, %swap3A_1316] {strides = array<i32>} : memref<8x128xf32, #tpu.memory_space<vmem>>, vector<16xf32>,
    tpu.vector_store %arg11[%swap3A_1315, %swap3A_1316], %add3A_1313 {strides = array<i32>} : memref<8x128xf32, #tpu.memory_space<vmem>>, vector<16xf32>,
    %get3A_1318 = arith.constant 672 : index
    %get3A_1319 = tpu.vector_load %arg9[%get3A_1318] {strides = array<i32>} : memref<1024xf32, #tpu.memory_space<vmem>>, vector<16xf32>,
    %get3A_1320 = arith.constant 672 : index
    %get3A_1321 = tpu.vector_load %arg10[%get3A_1320] {strides = array<i32>} : memref<1024xf32, #tpu.memory_space<vmem>>, vector<16xf32>,
    %add3A_1322 = arith.addf %get3A_1319, %get3A_1321 : vector<16xf32>
    %swap3A_1323 = arith.constant 5 : i32
    %swap3A_1324 = arith.index_cast %swap3A_1323 : i32 to index
    %swap3A_1325 = arith.constant 32 : index
    %swap3A_1326 = tpu.vector_load %arg11[%swap3A_1324, %swap3A_1325] {strides = array<i32>} : memref<8x128xf32, #tpu.memory_space<vmem>>, vector<16xf32>,
    tpu.vector_store %arg11[%swap3A_1324, %swap3A_1325], %add3A_1322 {strides = array<i32>} : memref<8x128xf32, #tpu.memory_space<vmem>>, vector<16xf32>,
    %get3A_1327 = arith.constant 688 : index
    %get3A_1328 = tpu.vector_load %arg9[%get3A_1327] {strides = array<i32>} : memref<1024xf32, #tpu.memory_space<vmem>>, vector<16xf32>,
    %get3A_1329 = arith.constant 688 : index
    %get3A_1330 = tpu.vector_load %arg10[%get3A_1329] {strides = array<i32>} : memref<1024xf32, #tpu.memory_space<vmem>>, vector<16xf32>,
    %add3A_1331 = arith.addf %get3A_1328, %get3A_1330 : vector<16xf32>
    %swap3A_1332 = arith.constant 5 : i32
    %swap3A_1333 = arith.index_cast %swap3A_1332 : i32 to index
    %swap3A_1334 = arith.constant 48 : index
    %swap3A_1335 = tpu.vector_load %arg11[%swap3A_1333, %swap3A_1334] {strides = array<i32>} : memref<8x128xf32, #tpu.memory_space<vmem>>, vector<16xf32>,
    tpu.vector_store %arg11[%swap3A_1333, %swap3A_1334], %add3A_1331 {strides = array<i32>} : memref<8x128xf32, #tpu.memory_space<vmem>>, vector<16xf32>,
    %get3A_1336 = arith.constant 704 : index
    %get3A_1337 = tpu.vector_load %arg9[%get3A_1336] {strides = array<i32>} : memref<1024xf32, #tpu.memory_space<vmem>>, vector<16xf32>,
    %get3A_1338 = arith.constant 704 : index
    %get3A_1339 = tpu.vector_load %arg10[%get3A_1338] {strides = array<i32>} : memref<1024xf32, #tpu.memory_space<vmem>>, vector<16xf32>,
    %add3A_1340 = arith.addf %get3A_1337, %get3A_1339 : vector<16xf32>
    %swap3A_1341 = arith.constant 5 : i32
    %swap3A_1342 = arith.index_cast %swap3A_1341 : i32 to index
    %swap3A_1343 = arith.constant 64 : index
    %swap3A_1344 = tpu.vector_load %arg11[%swap3A_1342, %swap3A_1343] {strides = array<i32>} : memref<8x128xf32, #tpu.memory_space<vmem>>, vector<16xf32>,
    tpu.vector_store %arg11[%swap3A_1342, %swap3A_1343], %add3A_1340 {strides = array<i32>} : memref<8x128xf32, #tpu.memory_space<vmem>>, vector<16xf32>,
    %get3A_1345 = arith.constant 720 : index
    %get3A_1346 = tpu.vector_load %arg9[%get3A_1345] {strides = array<i32>} : memref<1024xf32, #tpu.memory_space<vmem>>, vector<16xf32>,
    %get3A_1347 = arith.constant 720 : index
    %get3A_1348 = tpu.vector_load %arg10[%get3A_1347] {strides = array<i32>} : memref<1024xf32, #tpu.memory_space<vmem>>, vector<16xf32>,
    %add3A_1349 = arith.addf %get3A_1346, %get3A_1348 : vector<16xf32>
    %swap3A_1350 = arith.constant 5 : i32
    %swap3A_1351 = arith.index_cast %swap3A_1350 : i32 to index
    %swap3A_1352 = arith.constant 80 : index
    %swap3A_1353 = tpu.vector_load %arg11[%swap3A_1351, %swap3A_1352] {strides = array<i32>} : memref<8x128xf32, #tpu.memory_space<vmem>>, vector<16xf32>,
    tpu.vector_store %arg11[%swap3A_1351, %swap3A_1352], %add3A_1349 {strides = array<i32>} : memref<8x128xf32, #tpu.memory_space<vmem>>, vector<16xf32>,
    %get3A_1354 = arith.constant 736 : index
    %get3A_1355 = tpu.vector_load %arg9[%get3A_1354] {strides = array<i32>} : memref<1024xf32, #tpu.memory_space<vmem>>, vector<16xf32>,
    %get3A_1356 = arith.constant 736 : index
    %get3A_1357 = tpu.vector_load %arg10[%get3A_1356] {strides = array<i32>} : memref<1024xf32, #tpu.memory_space<vmem>>, vector<16xf32>,
    %add3A_1358 = arith.addf %get3A_1355, %get3A_1357 : vector<16xf32>
    %swap3A_1359 = arith.constant 5 : i32
    %swap3A_1360 = arith.index_cast %swap3A_1359 : i32 to index
    %swap3A_1361 = arith.constant 96 : index
    %swap3A_1362 = tpu.vector_load %arg11[%swap3A_1360, %swap3A_1361] {strides = array<i32>} : memref<8x128xf32, #tpu.memory_space<vmem>>, vector<16xf32>,
    tpu.vector_store %arg11[%swap3A_1360, %swap3A_1361], %add3A_1358 {strides = array<i32>} : memref<8x128xf32, #tpu.memory_space<vmem>>, vector<16xf32>,
    %get3A_1363 = arith.constant 752 : index
    %get3A_1364 = tpu.vector_load %arg9[%get3A_1363] {strides = array<i32>} : memref<1024xf32, #tpu.memory_space<vmem>>, vector<16xf32>,
    %get3A_1365 = arith.constant 752 : index
    %get3A_1366 = tpu.vector_load %arg10[%get3A_1365] {strides = array<i32>} : memref<1024xf32, #tpu.memory_space<vmem>>, vector<16xf32>,
    %add3A_1367 = arith.addf %get3A_1364, %get3A_1366 : vector<16xf32>
    %swap3A_1368 = arith.constant 5 : i32
    %swap3A_1369 = arith.index_cast %swap3A_1368 : i32 to index
    %swap3A_1370 = arith.constant 112 : index
    %swap3A_1371 = tpu.vector_load %arg11[%swap3A_1369, %swap3A_1370] {strides = array<i32>} : memref<8x128xf32, #tpu.memory_space<vmem>>, vector<16xf32>,
    tpu.vector_store %arg11[%swap3A_1369, %swap3A_1370], %add3A_1367 {strides = array<i32>} : memref<8x128xf32, #tpu.memory_space<vmem>>, vector<16xf32>,
    %get3A_1372 = arith.constant 768 : index
    %get3A_1373 = tpu.vector_load %arg9[%get3A_1372] {strides = array<i32>} : memref<1024xf32, #tpu.memory_space<vmem>>, vector<16xf32>,
    %get3A_1374 = arith.constant 768 : index
    %get3A_1375 = tpu.vector_load %arg10[%get3A_1374] {strides = array<i32>} : memref<1024xf32, #tpu.memory_space<vmem>>, vector<16xf32>,
    %add3A_1376 = arith.addf %get3A_1373, %get3A_1375 : vector<16xf32>
    %swap3A_1377 = arith.constant 6 : i32
    %swap3A_1378 = arith.index_cast %swap3A_1377 : i32 to index
    %swap3A_1379 = arith.constant 0 : index
    %swap3A_1380 = tpu.vector_load %arg11[%swap3A_1378, %swap3A_1379] {strides = array<i32>} : memref<8x128xf32, #tpu.memory_space<vmem>>, vector<16xf32>,
    tpu.vector_store %arg11[%swap3A_1378, %swap3A_1379], %add3A_1376 {strides = array<i32>} : memref<8x128xf32, #tpu.memory_space<vmem>>, vector<16xf32>,
    %get3A_1381 = arith.constant 784 : index
    %get3A_1382 = tpu.vector_load %arg9[%get3A_1381] {strides = array<i32>} : memref<1024xf32, #tpu.memory_space<vmem>>, vector<16xf32>,
    %get3A_1383 = arith.constant 784 : index
    %get3A_1384 = tpu.vector_load %arg10[%get3A_1383] {strides = array<i32>} : memref<1024xf32, #tpu.memory_space<vmem>>, vector<16xf32>,
    %add3A_1385 = arith.addf %get3A_1382, %get3A_1384 : vector<16xf32>
    %swap3A_1386 = arith.constant 6 : i32
    %swap3A_1387 = arith.index_cast %swap3A_1386 : i32 to index
    %swap3A_1388 = arith.constant 16 : index
    %swap3A_1389 = tpu.vector_load %arg11[%swap3A_1387, %swap3A_1388] {strides = array<i32>} : memref<8x128xf32, #tpu.memory_space<vmem>>, vector<16xf32>,
    tpu.vector_store %arg11[%swap3A_1387, %swap3A_1388], %add3A_1385 {strides = array<i32>} : memref<8x128xf32, #tpu.memory_space<vmem>>, vector<16xf32>,
    %get3A_1390 = arith.constant 800 : index
    %get3A_1391 = tpu.vector_load %arg9[%get3A_1390] {strides = array<i32>} : memref<1024xf32, #tpu.memory_space<vmem>>, vector<16xf32>,
    %get3A_1392 = arith.constant 800 : index
    %get3A_1393 = tpu.vector_load %arg10[%get3A_1392] {strides = array<i32>} : memref<1024xf32, #tpu.memory_space<vmem>>, vector<16xf32>,
    %add3A_1394 = arith.addf %get3A_1391, %get3A_1393 : vector<16xf32>
    %swap3A_1395 = arith.constant 6 : i32
    %swap3A_1396 = arith.index_cast %swap3A_1395 : i32 to index
    %swap3A_1397 = arith.constant 32 : index
    %swap3A_1398 = tpu.vector_load %arg11[%swap3A_1396, %swap3A_1397] {strides = array<i32>} : memref<8x128xf32, #tpu.memory_space<vmem>>, vector<16xf32>,
    tpu.vector_store %arg11[%swap3A_1396, %swap3A_1397], %add3A_1394 {strides = array<i32>} : memref<8x128xf32, #tpu.memory_space<vmem>>, vector<16xf32>,
    %get3A_1399 = arith.constant 816 : index
    %get3A_1400 = tpu.vector_load %arg9[%get3A_1399] {strides = array<i32>} : memref<1024xf32, #tpu.memory_space<vmem>>, vector<16xf32>,
    %get3A_1401 = arith.constant 816 : index
    %get3A_1402 = tpu.vector_load %arg10[%get3A_1401] {strides = array<i32>} : memref<1024xf32, #tpu.memory_space<vmem>>, vector<16xf32>,
    %add3A_1403 = arith.addf %get3A_1400, %get3A_1402 : vector<16xf32>
    %swap3A_1404 = arith.constant 6 : i32
    %swap3A_1405 = arith.index_cast %swap3A_1404 : i32 to index
    %swap3A_1406 = arith.constant 48 : index
    %swap3A_1407 = tpu.vector_load %arg11[%swap3A_1405, %swap3A_1406] {strides = array<i32>} : memref<8x128xf32, #tpu.memory_space<vmem>>, vector<16xf32>,
    tpu.vector_store %arg11[%swap3A_1405, %swap3A_1406], %add3A_1403 {strides = array<i32>} : memref<8x128xf32, #tpu.memory_space<vmem>>, vector<16xf32>,
    %get3A_1408 = arith.constant 832 : index
    %get3A_1409 = tpu.vector_load %arg9[%get3A_1408] {strides = array<i32>} : memref<1024xf32, #tpu.memory_space<vmem>>, vector<16xf32>,
    %get3A_1410 = arith.constant 832 : index
    %get3A_1411 = tpu.vector_load %arg10[%get3A_1410] {strides = array<i32>} : memref<1024xf32, #tpu.memory_space<vmem>>, vector<16xf32>,
    %add3A_1412 = arith.addf %get3A_1409, %get3A_1411 : vector<16xf32>
    %swap3A_1413 = arith.constant 6 : i32
    %swap3A_1414 = arith.index_cast %swap3A_1413 : i32 to index
    %swap3A_1415 = arith.constant 64 : index
    %swap3A_1416 = tpu.vector_load %arg11[%swap3A_1414, %swap3A_1415] {strides = array<i32>} : memref<8x128xf32, #tpu.memory_space<vmem>>, vector<16xf32>,
    tpu.vector_store %arg11[%swap3A_1414, %swap3A_1415], %add3A_1412 {strides = array<i32>} : memref<8x128xf32, #tpu.memory_space<vmem>>, vector<16xf32>,
    %get3A_1417 = arith.constant 848 : index
    %get3A_1418 = tpu.vector_load %arg9[%get3A_1417] {strides = array<i32>} : memref<1024xf32, #tpu.memory_space<vmem>>, vector<16xf32>,
    %get3A_1419 = arith.constant 848 : index
    %get3A_1420 = tpu.vector_load %arg10[%get3A_1419] {strides = array<i32>} : memref<1024xf32, #tpu.memory_space<vmem>>, vector<16xf32>,
    %add3A_1421 = arith.addf %get3A_1418, %get3A_1420 : vector<16xf32>
    %swap3A_1422 = arith.constant 6 : i32
    %swap3A_1423 = arith.index_cast %swap3A_1422 : i32 to index
    %swap3A_1424 = arith.constant 80 : index
    %swap3A_1425 = tpu.vector_load %arg11[%swap3A_1423, %swap3A_1424] {strides = array<i32>} : memref<8x128xf32, #tpu.memory_space<vmem>>, vector<16xf32>,
    tpu.vector_store %arg11[%swap3A_1423, %swap3A_1424], %add3A_1421 {strides = array<i32>} : memref<8x128xf32, #tpu.memory_space<vmem>>, vector<16xf32>,
    %get3A_1426 = arith.constant 864 : index
    %get3A_1427 = tpu.vector_load %arg9[%get3A_1426] {strides = array<i32>} : memref<1024xf32, #tpu.memory_space<vmem>>, vector<16xf32>,
    %get3A_1428 = arith.constant 864 : index
    %get3A_1429 = tpu.vector_load %arg10[%get3A_1428] {strides = array<i32>} : memref<1024xf32, #tpu.memory_space<vmem>>, vector<16xf32>,
    %add3A_1430 = arith.addf %get3A_1427, %get3A_1429 : vector<16xf32>
    %swap3A_1431 = arith.constant 6 : i32
    %swap3A_1432 = arith.index_cast %swap3A_1431 : i32 to index
    %swap3A_1433 = arith.constant 96 : index
    %swap3A_1434 = tpu.vector_load %arg11[%swap3A_1432, %swap3A_1433] {strides = array<i32>} : memref<8x128xf32, #tpu.memory_space<vmem>>, vector<16xf32>,
    tpu.vector_store %arg11[%swap3A_1432, %swap3A_1433], %add3A_1430 {strides = array<i32>} : memref<8x128xf32, #tpu.memory_space<vmem>>, vector<16xf32>,
    %get3A_1435 = arith.constant 880 : index
    %get3A_1436 = tpu.vector_load %arg9[%get3A_1435] {strides = array<i32>} : memref<1024xf32, #tpu.memory_space<vmem>>, vector<16xf32>,
    %get3A_1437 = arith.constant 880 : index
    %get3A_1438 = tpu.vector_load %arg10[%get3A_1437] {strides = array<i32>} : memref<1024xf32, #tpu.memory_space<vmem>>, vector<16xf32>,
    %add3A_1439 = arith.addf %get3A_1436, %get3A_1438 : vector<16xf32>
    %swap3A_1440 = arith.constant 6 : i32
    %swap3A_1441 = arith.index_cast %swap3A_1440 : i32 to index
    %swap3A_1442 = arith.constant 112 : index
    %swap3A_1443 = tpu.vector_load %arg11[%swap3A_1441, %swap3A_1442] {strides = array<i32>} : memref<8x128xf32, #tpu.memory_space<vmem>>, vector<16xf32>,
    tpu.vector_store %arg11[%swap3A_1441, %swap3A_1442], %add3A_1439 {strides = array<i32>} : memref<8x128xf32, #tpu.memory_space<vmem>>, vector<16xf32>,
    %get3A_1444 = arith.constant 896 : index
    %get3A_1445 = tpu.vector_load %arg9[%get3A_1444] {strides = array<i32>} : memref<1024xf32, #tpu.memory_space<vmem>>, vector<16xf32>,
    %get3A_1446 = arith.constant 896 : index
    %get3A_1447 = tpu.vector_load %arg10[%get3A_1446] {strides = array<i32>} : memref<1024xf32, #tpu.memory_space<vmem>>, vector<16xf32>,
    %add3A_1448 = arith.addf %get3A_1445, %get3A_1447 : vector<16xf32>
    %swap3A_1449 = arith.constant 7 : i32
    %swap3A_1450 = arith.index_cast %swap3A_1449 : i32 to index
    %swap3A_1451 = arith.constant 0 : index
    %swap3A_1452 = tpu.vector_load %arg11[%swap3A_1450, %swap3A_1451] {strides = array<i32>} : memref<8x128xf32, #tpu.memory_space<vmem>>, vector<16xf32>,
    tpu.vector_store %arg11[%swap3A_1450, %swap3A_1451], %add3A_1448 {strides = array<i32>} : memref<8x128xf32, #tpu.memory_space<vmem>>, vector<16xf32>,
    %get3A_1453 = arith.constant 912 : index
    %get3A_1454 = tpu.vector_load %arg9[%get3A_1453] {strides = array<i32>} : memref<1024xf32, #tpu.memory_space<vmem>>, vector<16xf32>,
    %get3A_1455 = arith.constant 912 : index
    %get3A_1456 = tpu.vector_load %arg10[%get3A_1455] {strides = array<i32>} : memref<1024xf32, #tpu.memory_space<vmem>>, vector<16xf32>,
    %add3A_1457 = arith.addf %get3A_1454, %get3A_1456 : vector<16xf32>
    %swap3A_1458 = arith.constant 7 : i32
    %swap3A_1459 = arith.index_cast %swap3A_1458 : i32 to index
    %swap3A_1460 = arith.constant 16 : index
    %swap3A_1461 = tpu.vector_load %arg11[%swap3A_1459, %swap3A_1460] {strides = array<i32>} : memref<8x128xf32, #tpu.memory_space<vmem>>, vector<16xf32>,
    tpu.vector_store %arg11[%swap3A_1459, %swap3A_1460], %add3A_1457 {strides = array<i32>} : memref<8x128xf32, #tpu.memory_space<vmem>>, vector<16xf32>,
    %get3A_1462 = arith.constant 928 : index
    %get3A_1463 = tpu.vector_load %arg9[%get3A_1462] {strides = array<i32>} : memref<1024xf32, #tpu.memory_space<vmem>>, vector<16xf32>,
    %get3A_1464 = arith.constant 928 : index
    %get3A_1465 = tpu.vector_load %arg10[%get3A_1464] {strides = array<i32>} : memref<1024xf32, #tpu.memory_space<vmem>>, vector<16xf32>,
    %add3A_1466 = arith.addf %get3A_1463, %get3A_1465 : vector<16xf32>
    %swap3A_1467 = arith.constant 7 : i32
    %swap3A_1468 = arith.index_cast %swap3A_1467 : i32 to index
    %swap3A_1469 = arith.constant 32 : index
    %swap3A_1470 = tpu.vector_load %arg11[%swap3A_1468, %swap3A_1469] {strides = array<i32>} : memref<8x128xf32, #tpu.memory_space<vmem>>, vector<16xf32>,
    tpu.vector_store %arg11[%swap3A_1468, %swap3A_1469], %add3A_1466 {strides = array<i32>} : memref<8x128xf32, #tpu.memory_space<vmem>>, vector<16xf32>,
    %get3A_1471 = arith.constant 944 : index
    %get3A_1472 = tpu.vector_load %arg9[%get3A_1471] {strides = array<i32>} : memref<1024xf32, #tpu.memory_space<vmem>>, vector<16xf32>,
    %get3A_1473 = arith.constant 944 : index
    %get3A_1474 = tpu.vector_load %arg10[%get3A_1473] {strides = array<i32>} : memref<1024xf32, #tpu.memory_space<vmem>>, vector<16xf32>,
    %add3A_1475 = arith.addf %get3A_1472, %get3A_1474 : vector<16xf32>
    %swap3A_1476 = arith.constant 7 : i32
    %swap3A_1477 = arith.index_cast %swap3A_1476 : i32 to index
    %swap3A_1478 = arith.constant 48 : index
    %swap3A_1479 = tpu.vector_load %arg11[%swap3A_1477, %swap3A_1478] {strides = array<i32>} : memref<8x128xf32, #tpu.memory_space<vmem>>, vector<16xf32>,
    tpu.vector_store %arg11[%swap3A_1477, %swap3A_1478], %add3A_1475 {strides = array<i32>} : memref<8x128xf32, #tpu.memory_space<vmem>>, vector<16xf32>,
    %get3A_1480 = arith.constant 960 : index
    %get3A_1481 = tpu.vector_load %arg9[%get3A_1480] {strides = array<i32>} : memref<1024xf32, #tpu.memory_space<vmem>>, vector<16xf32>,
    %get3A_1482 = arith.constant 960 : index
    %get3A_1483 = tpu.vector_load %arg10[%get3A_1482] {strides = array<i32>} : memref<1024xf32, #tpu.memory_space<vmem>>, vector<16xf32>,
    %add3A_1484 = arith.addf %get3A_1481, %get3A_1483 : vector<16xf32>
    %swap3A_1485 = arith.constant 7 : i32
    %swap3A_1486 = arith.index_cast %swap3A_1485 : i32 to index
    %swap3A_1487 = arith.constant 64 : index
    %swap3A_1488 = tpu.vector_load %arg11[%swap3A_1486, %swap3A_1487] {strides = array<i32>} : memref<8x128xf32, #tpu.memory_space<vmem>>, vector<16xf32>,
    tpu.vector_store %arg11[%swap3A_1486, %swap3A_1487], %add3A_1484 {strides = array<i32>} : memref<8x128xf32, #tpu.memory_space<vmem>>, vector<16xf32>,
    %get3A_1489 = arith.constant 976 : index
    %get3A_1490 = tpu.vector_load %arg9[%get3A_1489] {strides = array<i32>} : memref<1024xf32, #tpu.memory_space<vmem>>, vector<16xf32>,
    %get3A_1491 = arith.constant 976 : index
    %get3A_1492 = tpu.vector_load %arg10[%get3A_1491] {strides = array<i32>} : memref<1024xf32, #tpu.memory_space<vmem>>, vector<16xf32>,
    %add3A_1493 = arith.addf %get3A_1490, %get3A_1492 : vector<16xf32>
    %swap3A_1494 = arith.constant 7 : i32
    %swap3A_1495 = arith.index_cast %swap3A_1494 : i32 to index
    %swap3A_1496 = arith.constant 80 : index
    %swap3A_1497 = tpu.vector_load %arg11[%swap3A_1495, %swap3A_1496] {strides = array<i32>} : memref<8x128xf32, #tpu.memory_space<vmem>>, vector<16xf32>,
    tpu.vector_store %arg11[%swap3A_1495, %swap3A_1496], %add3A_1493 {strides = array<i32>} : memref<8x128xf32, #tpu.memory_space<vmem>>, vector<16xf32>,
    %get3A_1498 = arith.constant 992 : index
    %get3A_1499 = tpu.vector_load %arg9[%get3A_1498] {strides = array<i32>} : memref<1024xf32, #tpu.memory_space<vmem>>, vector<16xf32>,
    %get3A_1500 = arith.constant 992 : index
    %get3A_1501 = tpu.vector_load %arg10[%get3A_1500] {strides = array<i32>} : memref<1024xf32, #tpu.memory_space<vmem>>, vector<16xf32>,
    %add3A_1502 = arith.addf %get3A_1499, %get3A_1501 : vector<16xf32>
    %swap3A_1503 = arith.constant 7 : i32
    %swap3A_1504 = arith.index_cast %swap3A_1503 : i32 to index
    %swap3A_1505 = arith.constant 96 : index
    %swap3A_1506 = tpu.vector_load %arg11[%swap3A_1504, %swap3A_1505] {strides = array<i32>} : memref<8x128xf32, #tpu.memory_space<vmem>>, vector<16xf32>,
    tpu.vector_store %arg11[%swap3A_1504, %swap3A_1505], %add3A_1502 {strides = array<i32>} : memref<8x128xf32, #tpu.memory_space<vmem>>, vector<16xf32>,
    %get3A_1507 = arith.constant 1008 : index
    %get3A_1508 = tpu.vector_load %arg9[%get3A_1507] {strides = array<i32>} : memref<1024xf32, #tpu.memory_space<vmem>>, vector<16xf32>,
    %get3A_1509 = arith.constant 1008 : index
    %get3A_1510 = tpu.vector_load %arg10[%get3A_1509] {strides = array<i32>} : memref<1024xf32, #tpu.memory_space<vmem>>, vector<16xf32>,
    %add3A_1511 = arith.addf %get3A_1508, %get3A_1510 : vector<16xf32>
    %swap3A_1512 = arith.constant 7 : i32
    %swap3A_1513 = arith.index_cast %swap3A_1512 : i32 to index
    %swap3A_1514 = arith.constant 112 : index
    %swap3A_1515 = tpu.vector_load %arg11[%swap3A_1513, %swap3A_1514] {strides = array<i32>} : memref<8x128xf32, #tpu.memory_space<vmem>>, vector<16xf32>,
    tpu.vector_store %arg11[%swap3A_1513, %swap3A_1514], %add3A_1511 {strides = array<i32>} : memref<8x128xf32, #tpu.memory_space<vmem>>, vector<16xf32>,
    %mul3A_1516 = arith.constant 8 : i32
    %mul3A_1517 = arith.muli %add3A, %mul3A_1516 : i32
    "tpu.region"() ({
      %run_scoped3A = tpu.sem_alloc : memref<!tpu.dma_semaphore, #tpu.memory_space<semaphore_mem>>
      %dma_start3A_1518 = arith.constant 0 : i32
      %dma_start3A_1519 = tpu.memref_slice %arg4[%mul3A_1517, %dma_start3A_1518] : memref<256x128xf32, #tpu.memory_space<hbm>> -> memref<8x128xf32, #tpu.memory_space<hbm>>
      %dma_start3A_1520 = arith.constant 0 : i32
      %dma_start3A_1521 = tpu.memref_slice %arg4[%mul3A_1517, %dma_start3A_1520] : memref<256x128xf32, #tpu.memory_space<hbm>> -> memref<8x128xf32, #tpu.memory_space<hbm>>
      tpu.enqueue_dma source(%arg11 : memref<8x128xf32, #tpu.memory_space<vmem>>) target(%dma_start3A_1521 : memref<8x128xf32, #tpu.memory_space<hbm>>) target_semaphore(%run_scoped3A : memref<!tpu.dma_semaphore, #tpu.memory_space<semaphore_mem>>)
      %dma_wait3A_1522 = arith.constant 0 : i32
      %dma_wait3A_1523 = tpu.memref_slice %arg4[%mul3A_1517, %dma_wait3A_1522] : memref<256x128xf32, #tpu.memory_space<hbm>> -> memref<8x128xf32, #tpu.memory_space<hbm>>
      %dma_wait3A_1524 = arith.constant 0 : i32
      %dma_wait3A_1525 = tpu.memref_slice %arg4[%mul3A_1517, %dma_wait3A_1524] : memref<256x128xf32, #tpu.memory_space<hbm>> -> memref<8x128xf32, #tpu.memory_space<hbm>>
      tpu.wait_dma2 semaphore(%run_scoped3A : memref<!tpu.dma_semaphore, #tpu.memory_space<semaphore_mem>>) src(%arg11 : memref<8x128xf32, #tpu.memory_space<vmem>>) dst(%dma_wait3A_1525 : memref<8x128xf32, #tpu.memory_space<hbm>>)
      tpu.yield
    }) : () -> ()
    return
  }
}

module attributes {stable_mosaic.version = 14 : i64} {
  func.func @_tc1_body(%arg0: i32, %arg1: memref<1x256x256xf32, #tpu.memory_space<vmem>>, %arg2: memref<1x2x8192xi32, #tpu.memory_space<vmem>>, %arg3: memref<256x128xf32, #tpu.memory_space<vmem>>, %arg4: memref<128xf32, #tpu.memory_space<vmem>>, %arg5: memref<256x128xf32, #tpu.memory_space<vmem>>, %arg6: memref<128xf32, #tpu.memory_space<vmem>>, %arg7: memref<128x128xf32, #tpu.memory_space<vmem>>, %arg8: memref<128xf32, #tpu.memory_space<vmem>>, %arg9: memref<1x256x128xf32, #tpu.memory_space<vmem>>) attributes {dimension_semantics = [#tpu.dimension_semantics<arbitrary>], iteration_bounds = array<i64: 4>, scalar_prefetch = 0 : i64, scratch_operands = 0 : i64, tpu.core_type = #tpu.core_type<tc>, window_params = [{transform_indices = @transform_0, window_bounds = array<i64: 1, 256, 256>}, {transform_indices = @transform_1, window_bounds = array<i64: 1, 2, 8192>}, {pipeline_mode = #tpu.pipeline_mode<synchronous>, transform_indices = @transform_2, window_bounds = array<i64: 256, 128>}, {pipeline_mode = #tpu.pipeline_mode<synchronous>, transform_indices = @transform_3, window_bounds = array<i64: 128>}, {pipeline_mode = #tpu.pipeline_mode<synchronous>, transform_indices = @transform_4, window_bounds = array<i64: 256, 128>}, {pipeline_mode = #tpu.pipeline_mode<synchronous>, transform_indices = @transform_5, window_bounds = array<i64: 128>}, {pipeline_mode = #tpu.pipeline_mode<synchronous>, transform_indices = @transform_6, window_bounds = array<i64: 128, 128>}, {pipeline_mode = #tpu.pipeline_mode<synchronous>, transform_indices = @transform_7, window_bounds = array<i64: 128>}, {transform_indices = @transform_8, window_bounds = array<i64: 1, 256, 128>}]} {
    %get3A = arith.constant 0 : index
    %get3A_0 = arith.constant 0 : index
    %get3A_1 = arith.constant 0 : index
    %get3A_2 = vector.load %arg1[%get3A, %get3A_0, %get3A_1] : memref<1x256x256xf32, #tpu.memory_space<vmem>>, vector<1x256x256xf32>
    %get3A_3 = vector.shape_cast %get3A_2 : vector<1x256x256xf32> to vector<256x256xf32>
    %get3A_4 = arith.constant 0 : index
    %get3A_5 = arith.constant 0 : index
    %get3A_6 = arith.constant 0 : index
    %get3A_7 = vector.load %arg2[%get3A_4, %get3A_5, %get3A_6] : memref<1x2x8192xi32, #tpu.memory_space<vmem>>, vector<1x1x8192xi32>
    %get3A_8 = vector.shape_cast %get3A_7 : vector<1x1x8192xi32> to vector<8192xi32>
    %get3A_9 = arith.constant 0 : index
    %get3A_10 = arith.constant 1 : index
    %get3A_11 = arith.constant 0 : index
    %get3A_12 = vector.load %arg2[%get3A_9, %get3A_10, %get3A_11] : memref<1x2x8192xi32, #tpu.memory_space<vmem>>, vector<1x1x8192xi32>
    %get3A_13 = vector.shape_cast %get3A_12 : vector<1x1x8192xi32> to vector<8192xi32>
    %iota3A = tpu.iota {dimensions = array<i32: 1>} : vector<8192x256xi32>
    %broadcast_in_dim3A = vector.shape_cast %get3A_8 : vector<8192xi32> to vector<8192x1xi32>
    %eq3A = vector.broadcast %broadcast_in_dim3A : vector<8192x1xi32> to vector<8192x256xi32>
    %eq3A_14 = arith.cmpi eq, %eq3A, %iota3A : vector<8192x256xi32>
    %convert_element_type3A = arith.extui %eq3A_14 : vector<8192x256xi1> to vector<8192x256xi32>
    %convert_element_type3A_15 = arith.sitofp %convert_element_type3A : vector<8192x256xi32> to vector<8192x256xf32>
    %convert_element_type3A_16 = arith.truncf %convert_element_type3A_15 : vector<8192x256xf32> to vector<8192x256xbf16>
    %broadcast_in_dim3A_17 = vector.shape_cast %get3A_13 : vector<8192xi32> to vector<8192x1xi32>
    %eq3A_18 = vector.broadcast %broadcast_in_dim3A_17 : vector<8192x1xi32> to vector<8192x256xi32>
    %eq3A_19 = arith.cmpi eq, %eq3A_18, %iota3A : vector<8192x256xi32>
    %convert_element_type3A_20 = arith.extui %eq3A_19 : vector<8192x256xi1> to vector<8192x256xi32>
    %convert_element_type3A_21 = arith.sitofp %convert_element_type3A_20 : vector<8192x256xi32> to vector<8192x256xf32>
    %convert_element_type3A_22 = arith.truncf %convert_element_type3A_21 : vector<8192x256xf32> to vector<8192x256xbf16>
    %dot_general3A = arith.constant dense<0.000000e+00> : vector<256x256xf32>
    %dot_general3A_23 = tpu.matmul %convert_element_type3A_22, %convert_element_type3A_16, %dot_general3A {dimension_numbers = #tpu.dot_dimension_numbers<[0], [0], [1], [1], [0, 1, 1, 1], [], []>, transpose_lhs_hint = false} : vector<8192x256xbf16>, vector<8192x256xbf16>, vector<256x256xf32> -> vector<256x256xf32>
    %reduce_sum3A = arith.constant dense<0.000000e+00> : vector<256xf32>
    %reduce_sum3A_24 = vector.multi_reduction <add>, %dot_general3A_23, %reduce_sum3A [1] : vector<256x256xf32> to vector<256xf32>
    %broadcast_in_dim3A_25 = vector.shape_cast %reduce_sum3A_24 : vector<256xf32> to vector<256x1xf32>
    %add3A = arith.constant 1.000000e+00 : f32
    %add3A_26 = vector.broadcast %add3A : f32 to vector<256x1xf32>
    %add3A_27 = arith.addf %broadcast_in_dim3A_25, %add3A_26 : vector<256x1xf32>
    %div3A = arith.constant 1.000000e+00 : f32
    %div3A_28 = vector.broadcast %div3A : f32 to vector<256x1xf32>
    %div3A_29 = arith.divf %div3A_28, %add3A_27 : vector<256x1xf32>
    %get3A_30 = arith.constant 0 : index
    %get3A_31 = arith.constant 0 : index
    %get3A_32 = vector.load %arg5[%get3A_30, %get3A_31] : memref<256x128xf32, #tpu.memory_space<vmem>>, vector<256x128xf32>
    %dot_general3A_33 = arith.constant dense<0.000000e+00> : vector<256x128xf32>
    %dot_general3A_34 = tpu.matmul %get3A_3, %get3A_32, %dot_general3A_33 {dimension_numbers = #tpu.dot_dimension_numbers<[1], [0], [0], [1], [0, 0, 1, 1], [], []>, transpose_lhs_hint = false} : vector<256x256xf32>, vector<256x128xf32>, vector<256x128xf32> -> vector<256x128xf32>
    %dot_general3A_35 = arith.constant dense<0.000000e+00> : vector<256x128xf32>
    %dot_general3A_36 = tpu.matmul %dot_general3A_23, %dot_general3A_34, %dot_general3A_35 {dimension_numbers = #tpu.dot_dimension_numbers<[1], [0], [0], [1], [0, 0, 1, 1], [], []>, transpose_lhs_hint = false} : vector<256x256xf32>, vector<256x128xf32>, vector<256x128xf32> -> vector<256x128xf32>
    %add3A_37 = arith.addf %dot_general3A_36, %dot_general3A_34 : vector<256x128xf32>
    %mul3A = vector.broadcast %div3A_29 : vector<256x1xf32> to vector<256x128xf32>
    %mul3A_38 = arith.mulf %add3A_37, %mul3A : vector<256x128xf32>
    %get3A_39 = arith.constant 0 : index
    %get3A_40 = vector.load %arg6[%get3A_39] : memref<128xf32, #tpu.memory_space<vmem>>, vector<128xf32>
    %broadcast_in_dim3A_41 = vector.shape_cast %get3A_40 : vector<128xf32> to vector<1x128xf32>
    %add3A_42 = vector.broadcast %broadcast_in_dim3A_41 : vector<1x128xf32> to vector<256x128xf32>
    %add3A_43 = arith.addf %mul3A_38, %add3A_42 : vector<256x128xf32>
    %max3A = arith.constant 0.000000e+00 : f32
    %max3A_44 = vector.broadcast %max3A : f32 to vector<256x128xf32>
    %max3A_45 = arith.maximumf %add3A_43, %max3A_44 : vector<256x128xf32>
    %get3A_46 = arith.constant 0 : index
    %get3A_47 = arith.constant 0 : index
    %get3A_48 = vector.load %arg7[%get3A_46, %get3A_47] : memref<128x128xf32, #tpu.memory_space<vmem>>, vector<128x128xf32>
    %dot_general3A_49 = arith.constant dense<0.000000e+00> : vector<256x128xf32>
    %dot_general3A_50 = tpu.matmul %max3A_45, %get3A_48, %dot_general3A_49 {dimension_numbers = #tpu.dot_dimension_numbers<[1], [0], [0], [1], [0, 0, 1, 1], [], []>, transpose_lhs_hint = false} : vector<256x128xf32>, vector<128x128xf32>, vector<256x128xf32> -> vector<256x128xf32>
    %dot_general3A_51 = arith.constant dense<0.000000e+00> : vector<256x128xf32>
    %dot_general3A_52 = tpu.matmul %dot_general3A_23, %dot_general3A_50, %dot_general3A_51 {dimension_numbers = #tpu.dot_dimension_numbers<[1], [0], [0], [1], [0, 0, 1, 1], [], []>, transpose_lhs_hint = false} : vector<256x256xf32>, vector<256x128xf32>, vector<256x128xf32> -> vector<256x128xf32>
    %add3A_53 = arith.addf %dot_general3A_52, %dot_general3A_50 : vector<256x128xf32>
    %mul3A_54 = vector.broadcast %div3A_29 : vector<256x1xf32> to vector<256x128xf32>
    %mul3A_55 = arith.mulf %add3A_53, %mul3A_54 : vector<256x128xf32>
    %get3A_56 = arith.constant 0 : index
    %get3A_57 = vector.load %arg8[%get3A_56] : memref<128xf32, #tpu.memory_space<vmem>>, vector<128xf32>
    %broadcast_in_dim3A_58 = vector.shape_cast %get3A_57 : vector<128xf32> to vector<1x128xf32>
    %add3A_59 = vector.broadcast %broadcast_in_dim3A_58 : vector<1x128xf32> to vector<256x128xf32>
    %add3A_60 = arith.addf %mul3A_55, %add3A_59 : vector<256x128xf32>
    %max3A_61 = arith.constant 0.000000e+00 : f32
    %max3A_62 = vector.broadcast %max3A_61 : f32 to vector<256x128xf32>
    %max3A_63 = arith.maximumf %add3A_60, %max3A_62 : vector<256x128xf32>
    %get3A_64 = arith.constant 0 : index
    %get3A_65 = arith.constant 0 : index
    %get3A_66 = vector.load %arg3[%get3A_64, %get3A_65] : memref<256x128xf32, #tpu.memory_space<vmem>>, vector<256x128xf32>
    %dot_general3A_67 = arith.constant dense<0.000000e+00> : vector<256x128xf32>
    %dot_general3A_68 = tpu.matmul %get3A_3, %get3A_66, %dot_general3A_67 {dimension_numbers = #tpu.dot_dimension_numbers<[1], [0], [0], [1], [0, 0, 1, 1], [], []>, transpose_lhs_hint = false} : vector<256x256xf32>, vector<256x128xf32>, vector<256x128xf32> -> vector<256x128xf32>
    %get3A_69 = arith.constant 0 : index
    %get3A_70 = vector.load %arg4[%get3A_69] : memref<128xf32, #tpu.memory_space<vmem>>, vector<128xf32>
    %broadcast_in_dim3A_71 = vector.shape_cast %get3A_70 : vector<128xf32> to vector<1x128xf32>
    %add3A_72 = vector.broadcast %broadcast_in_dim3A_71 : vector<1x128xf32> to vector<256x128xf32>
    %add3A_73 = arith.addf %dot_general3A_68, %add3A_72 : vector<256x128xf32>
    %add3A_74 = arith.addf %max3A_63, %add3A_73 : vector<256x128xf32>
    %mul3A_75 = arith.constant 5.000000e-01 : f32
    %mul3A_76 = vector.broadcast %mul3A_75 : f32 to vector<256x128xf32>
    %mul3A_77 = arith.mulf %mul3A_76, %add3A_74 : vector<256x128xf32>
    %swap3A = arith.constant 0 : index
    %swap3A_78 = arith.constant 0 : index
    %swap3A_79 = arith.constant 0 : index
    %swap3A_80 = vector.load %arg9[%swap3A, %swap3A_78, %swap3A_79] : memref<1x256x128xf32, #tpu.memory_space<vmem>>, vector<1x256x128xf32>
    %swap3A_81 = vector.shape_cast %swap3A_80 : vector<1x256x128xf32> to vector<256x128xf32>
    %swap3A_82 = vector.shape_cast %mul3A_77 : vector<256x128xf32> to vector<1x256x128xf32>
    tpu.vector_store %arg9[%swap3A, %swap3A_78, %swap3A_79], %swap3A_82 {strides = array<i32>} : memref<1x256x128xf32, #tpu.memory_space<vmem>>, vector<1x256x128xf32>,
    return
  }
  func.func @transform_0(%arg0: i32) -> (i32, i32, i32) {
    %c0_i32 = arith.constant 0 : i32
    %c0_i32_0 = arith.constant 0 : i32
    %c0_i32_1 = arith.constant 0 : i32
    return %arg0, %c0_i32, %c0_i32_0 : i32, i32, i32
  }
  func.func @transform_1(%arg0: i32) -> (i32, i32, i32) {
    %c0_i32 = arith.constant 0 : i32
    %c0_i32_0 = arith.constant 0 : i32
    %c0_i32_1 = arith.constant 0 : i32
    return %arg0, %c0_i32, %c0_i32_0 : i32, i32, i32
  }
  func.func @transform_2(%arg0: i32) -> (i32, i32) {
    %c0_i32 = arith.constant 0 : i32
    %c0_i32_0 = arith.constant 0 : i32
    %c0_i32_1 = arith.constant 0 : i32
    return %c0_i32, %c0_i32_0 : i32, i32
  }
  func.func @transform_3(%arg0: i32) -> i32 {
    %c0_i32 = arith.constant 0 : i32
    %c0_i32_0 = arith.constant 0 : i32
    return %c0_i32 : i32
  }
  func.func @transform_4(%arg0: i32) -> (i32, i32) {
    %c0_i32 = arith.constant 0 : i32
    %c0_i32_0 = arith.constant 0 : i32
    %c0_i32_1 = arith.constant 0 : i32
    return %c0_i32, %c0_i32_0 : i32, i32
  }
  func.func @transform_5(%arg0: i32) -> i32 {
    %c0_i32 = arith.constant 0 : i32
    %c0_i32_0 = arith.constant 0 : i32
    return %c0_i32 : i32
  }
  func.func @transform_6(%arg0: i32) -> (i32, i32) {
    %c0_i32 = arith.constant 0 : i32
    %c0_i32_0 = arith.constant 0 : i32
    %c0_i32_1 = arith.constant 0 : i32
    return %c0_i32, %c0_i32_0 : i32, i32
  }
  func.func @transform_7(%arg0: i32) -> i32 {
    %c0_i32 = arith.constant 0 : i32
    %c0_i32_0 = arith.constant 0 : i32
    return %c0_i32 : i32
  }
  func.func @transform_8(%arg0: i32) -> (i32, i32, i32) {
    %c0_i32 = arith.constant 0 : i32
    %c0_i32_0 = arith.constant 0 : i32
    %c0_i32_1 = arith.constant 0 : i32
    return %arg0, %c0_i32, %c0_i32_0 : i32, i32, i32
  }
}

module attributes {stable_mosaic.version = 14 : i64} {
  func.func @_tc2_body(%arg0: i32, %arg1: memref<1x512x2xi32, #tpu.memory_space<vmem>>, %arg2: memref<64x128xf32, #tpu.memory_space<vmem>>, %arg3: memref<1x256x128xf32, #tpu.memory_space<vmem>>, %arg4: memref<16x128xf32, #tpu.memory_space<vmem>>, %arg5: memref<128xf32, #tpu.memory_space<vmem>>, %arg6: memref<384x128xf32, #tpu.memory_space<vmem>>, %arg7: memref<128xf32, #tpu.memory_space<vmem>>, %arg8: memref<128x7xf32, #tpu.memory_space<vmem>>, %arg9: memref<7xf32, #tpu.memory_space<vmem>>, %arg10: memref<384x128xf32, #tpu.memory_space<vmem>>, %arg11: memref<128xf32, #tpu.memory_space<vmem>>, %arg12: memref<128x5xf32, #tpu.memory_space<vmem>>, %arg13: memref<5xf32, #tpu.memory_space<vmem>>, %arg14: memref<384x128xf32, #tpu.memory_space<vmem>>, %arg15: memref<128xf32, #tpu.memory_space<vmem>>, %arg16: memref<128x3xf32, #tpu.memory_space<vmem>>, %arg17: memref<3xf32, #tpu.memory_space<vmem>>, %arg18: memref<1x512x7xf32, #tpu.memory_space<vmem>>, %arg19: memref<1x512x5xf32, #tpu.memory_space<vmem>>, %arg20: memref<1x512x3xf32, #tpu.memory_space<vmem>>) attributes {dimension_semantics = [#tpu.dimension_semantics<arbitrary>], iteration_bounds = array<i64: 4>, scalar_prefetch = 0 : i64, scratch_operands = 0 : i64, tpu.core_type = #tpu.core_type<tc>, window_params = [{transform_indices = @transform_0, window_bounds = array<i64: 1, 512, 2>}, {transform_indices = @transform_1, window_bounds = array<i64: 64, 128>}, {transform_indices = @transform_2, window_bounds = array<i64: 1, 256, 128>}, {pipeline_mode = #tpu.pipeline_mode<synchronous>, transform_indices = @transform_3, window_bounds = array<i64: 16, 128>}, {pipeline_mode = #tpu.pipeline_mode<synchronous>, transform_indices = @transform_4, window_bounds = array<i64: 128>}, {pipeline_mode = #tpu.pipeline_mode<synchronous>, transform_indices = @transform_5, window_bounds = array<i64: 384, 128>}, {pipeline_mode = #tpu.pipeline_mode<synchronous>, transform_indices = @transform_6, window_bounds = array<i64: 128>}, {pipeline_mode = #tpu.pipeline_mode<synchronous>, transform_indices = @transform_7, window_bounds = array<i64: 128, 7>}, {pipeline_mode = #tpu.pipeline_mode<synchronous>, transform_indices = @transform_8, window_bounds = array<i64: 7>}, {pipeline_mode = #tpu.pipeline_mode<synchronous>, transform_indices = @transform_9, window_bounds = array<i64: 384, 128>}, {pipeline_mode = #tpu.pipeline_mode<synchronous>, transform_indices = @transform_10, window_bounds = array<i64: 128>}, {pipeline_mode = #tpu.pipeline_mode<synchronous>, transform_indices = @transform_11, window_bounds = array<i64: 128, 5>}, {pipeline_mode = #tpu.pipeline_mode<synchronous>, transform_indices = @transform_12, window_bounds = array<i64: 5>}, {pipeline_mode = #tpu.pipeline_mode<synchronous>, transform_indices = @transform_13, window_bounds = array<i64: 384, 128>}, {pipeline_mode = #tpu.pipeline_mode<synchronous>, transform_indices = @transform_14, window_bounds = array<i64: 128>}, {pipeline_mode = #tpu.pipeline_mode<synchronous>, transform_indices = @transform_15, window_bounds = array<i64: 128, 3>}, {pipeline_mode = #tpu.pipeline_mode<synchronous>, transform_indices = @transform_16, window_bounds = array<i64: 3>}, {transform_indices = @transform_17, window_bounds = array<i64: 1, 512, 7>}, {transform_indices = @transform_18, window_bounds = array<i64: 1, 512, 5>}, {transform_indices = @transform_19, window_bounds = array<i64: 1, 512, 3>}]} {
    %get3A = arith.constant 0 : index
    %get3A_0 = arith.constant 0 : index
    %get3A_1 = arith.constant 0 : index
    %get3A_2 = vector.load %arg3[%get3A, %get3A_0, %get3A_1] : memref<1x256x128xf32, #tpu.memory_space<vmem>>, vector<1x256x128xf32>
    %get3A_3 = vector.shape_cast %get3A_2 : vector<1x256x128xf32> to vector<256x128xf32>
    %get3A_4 = arith.constant 0 : index
    %get3A_5 = arith.constant 0 : index
    %get3A_6 = arith.constant 0 : index
    %get3A_7 = vector.load %arg1[%get3A_4, %get3A_5, %get3A_6] : memref<1x512x2xi32, #tpu.memory_space<vmem>>, vector<1x512x1xi32>
    %get3A_8 = vector.shape_cast %get3A_7 : vector<1x512x1xi32> to vector<512xi32>
    %get3A_9 = arith.constant 0 : index
    %get3A_10 = arith.constant 0 : index
    %get3A_11 = arith.constant 1 : index
    %get3A_12 = vector.load %arg1[%get3A_9, %get3A_10, %get3A_11] : memref<1x512x2xi32, #tpu.memory_space<vmem>>, vector<1x512x1xi32>
    %get3A_13 = vector.shape_cast %get3A_12 : vector<1x512x1xi32> to vector<512xi32>
    %iota3A = tpu.iota {dimensions = array<i32: 1>} : vector<512x256xi32>
    %broadcast_in_dim3A = vector.shape_cast %get3A_8 : vector<512xi32> to vector<512x1xi32>
    %eq3A = vector.broadcast %broadcast_in_dim3A : vector<512x1xi32> to vector<512x256xi32>
    %eq3A_14 = arith.cmpi eq, %eq3A, %iota3A : vector<512x256xi32>
    %convert_element_type3A = arith.extui %eq3A_14 : vector<512x256xi1> to vector<512x256xi32>
    %convert_element_type3A_15 = arith.sitofp %convert_element_type3A : vector<512x256xi32> to vector<512x256xf32>
    %broadcast_in_dim3A_16 = vector.shape_cast %get3A_13 : vector<512xi32> to vector<512x1xi32>
    %eq3A_17 = vector.broadcast %broadcast_in_dim3A_16 : vector<512x1xi32> to vector<512x256xi32>
    %eq3A_18 = arith.cmpi eq, %eq3A_17, %iota3A : vector<512x256xi32>
    %convert_element_type3A_19 = arith.extui %eq3A_18 : vector<512x256xi1> to vector<512x256xi32>
    %convert_element_type3A_20 = arith.sitofp %convert_element_type3A_19 : vector<512x256xi32> to vector<512x256xf32>
    %dot_general3A = arith.constant dense<0.000000e+00> : vector<512x128xf32>
    %dot_general3A_21 = tpu.matmul %convert_element_type3A_15, %get3A_3, %dot_general3A {dimension_numbers = #tpu.dot_dimension_numbers<[1], [0], [0], [1], [0, 0, 1, 1], [], []>, transpose_lhs_hint = false} : vector<512x256xf32>, vector<256x128xf32>, vector<512x128xf32> -> vector<512x128xf32>
    %dot_general3A_22 = arith.constant dense<0.000000e+00> : vector<512x128xf32>
    %dot_general3A_23 = tpu.matmul %convert_element_type3A_20, %get3A_3, %dot_general3A_22 {dimension_numbers = #tpu.dot_dimension_numbers<[1], [0], [0], [1], [0, 0, 1, 1], [], []>, transpose_lhs_hint = false} : vector<512x256xf32>, vector<256x128xf32>, vector<512x128xf32> -> vector<512x128xf32>
    %get3A_24 = arith.constant 0 : index
    %get3A_25 = arith.constant 0 : index
    %get3A_26 = vector.load %arg2[%get3A_24, %get3A_25] : memref<64x128xf32, #tpu.memory_space<vmem>>, vector<64x128xf32>
    %slice3A = vector.extract_strided_slice %get3A_26 {offsets = [0, 0], sizes = [64, 16], strides = [1, 1]} : vector<64x128xf32> to vector<64x16xf32>
    %slice3A_27 = vector.extract_strided_slice %get3A_26 {offsets = [0, 16], sizes = [64, 16], strides = [1, 1]} : vector<64x128xf32> to vector<64x16xf32>
    %slice3A_28 = vector.extract_strided_slice %get3A_26 {offsets = [0, 32], sizes = [64, 16], strides = [1, 1]} : vector<64x128xf32> to vector<64x16xf32>
    %slice3A_29 = vector.extract_strided_slice %get3A_26 {offsets = [0, 48], sizes = [64, 16], strides = [1, 1]} : vector<64x128xf32> to vector<64x16xf32>
    %slice3A_30 = vector.extract_strided_slice %get3A_26 {offsets = [0, 64], sizes = [64, 16], strides = [1, 1]} : vector<64x128xf32> to vector<64x16xf32>
    %slice3A_31 = vector.extract_strided_slice %get3A_26 {offsets = [0, 80], sizes = [64, 16], strides = [1, 1]} : vector<64x128xf32> to vector<64x16xf32>
    %slice3A_32 = vector.extract_strided_slice %get3A_26 {offsets = [0, 96], sizes = [64, 16], strides = [1, 1]} : vector<64x128xf32> to vector<64x16xf32>
    %slice3A_33 = vector.extract_strided_slice %get3A_26 {offsets = [0, 112], sizes = [64, 16], strides = [1, 1]} : vector<64x128xf32> to vector<64x16xf32>
    %concatenate3A = tpu.concatenate %slice3A, %slice3A_27, %slice3A_28, %slice3A_29, %slice3A_30, %slice3A_31, %slice3A_32, %slice3A_33 in 0 : vector<64x16xf32>, vector<64x16xf32>, vector<64x16xf32>, vector<64x16xf32>, vector<64x16xf32>, vector<64x16xf32>, vector<64x16xf32>, vector<64x16xf32> -> vector<512x16xf32>
    %mul3A = arith.constant 5.000000e-01 : f32
    %mul3A_34 = vector.broadcast %mul3A : f32 to vector<512x16xf32>
    %mul3A_35 = arith.mulf %mul3A_34, %concatenate3A : vector<512x16xf32>
    %get3A_36 = arith.constant 0 : index
    %get3A_37 = arith.constant 0 : index
    %get3A_38 = vector.load %arg4[%get3A_36, %get3A_37] : memref<16x128xf32, #tpu.memory_space<vmem>>, vector<16x128xf32>
    %dot_general3A_39 = arith.constant dense<0.000000e+00> : vector<512x128xf32>
    %dot_general3A_40 = tpu.matmul %mul3A_35, %get3A_38, %dot_general3A_39 {dimension_numbers = #tpu.dot_dimension_numbers<[1], [0], [0], [1], [0, 0, 1, 1], [], []>, transpose_lhs_hint = false} : vector<512x16xf32>, vector<16x128xf32>, vector<512x128xf32> -> vector<512x128xf32>
    %get3A_41 = arith.constant 0 : index
    %get3A_42 = vector.load %arg5[%get3A_41] : memref<128xf32, #tpu.memory_space<vmem>>, vector<128xf32>
    %broadcast_in_dim3A_43 = vector.shape_cast %get3A_42 : vector<128xf32> to vector<1x128xf32>
    %add3A = vector.broadcast %broadcast_in_dim3A_43 : vector<1x128xf32> to vector<512x128xf32>
    %add3A_44 = arith.addf %dot_general3A_40, %add3A : vector<512x128xf32>
    %get3A_45 = arith.constant 0 : index
    %get3A_46 = arith.constant 0 : index
    %get3A_47 = vector.load %arg6[%get3A_45, %get3A_46] : memref<384x128xf32, #tpu.memory_space<vmem>>, vector<384x128xf32>
    %slice3A_48 = vector.extract_strided_slice %get3A_47 {offsets = [0, 0], sizes = [128, 128], strides = [1, 1]} : vector<384x128xf32> to vector<128x128xf32>
    %dot_general3A_49 = arith.constant dense<0.000000e+00> : vector<512x128xf32>
    %dot_general3A_50 = tpu.matmul %dot_general3A_21, %slice3A_48, %dot_general3A_49 {dimension_numbers = #tpu.dot_dimension_numbers<[1], [0], [0], [1], [0, 0, 1, 1], [], []>, transpose_lhs_hint = false} : vector<512x128xf32>, vector<128x128xf32>, vector<512x128xf32> -> vector<512x128xf32>
    %slice3A_51 = vector.extract_strided_slice %get3A_47 {offsets = [128, 0], sizes = [128, 128], strides = [1, 1]} : vector<384x128xf32> to vector<128x128xf32>
    %dot_general3A_52 = arith.constant dense<0.000000e+00> : vector<512x128xf32>
    %dot_general3A_53 = tpu.matmul %dot_general3A_23, %slice3A_51, %dot_general3A_52 {dimension_numbers = #tpu.dot_dimension_numbers<[1], [0], [0], [1], [0, 0, 1, 1], [], []>, transpose_lhs_hint = false} : vector<512x128xf32>, vector<128x128xf32>, vector<512x128xf32> -> vector<512x128xf32>
    %add3A_54 = arith.addf %dot_general3A_50, %dot_general3A_53 : vector<512x128xf32>
    %slice3A_55 = vector.extract_strided_slice %get3A_47 {offsets = [256, 0], sizes = [128, 128], strides = [1, 1]} : vector<384x128xf32> to vector<128x128xf32>
    %dot_general3A_56 = arith.constant dense<0.000000e+00> : vector<512x128xf32>
    %dot_general3A_57 = tpu.matmul %add3A_44, %slice3A_55, %dot_general3A_56 {dimension_numbers = #tpu.dot_dimension_numbers<[1], [0], [0], [1], [0, 0, 1, 1], [], []>, transpose_lhs_hint = false} : vector<512x128xf32>, vector<128x128xf32>, vector<512x128xf32> -> vector<512x128xf32>
    %add3A_58 = arith.addf %add3A_54, %dot_general3A_57 : vector<512x128xf32>
    %get3A_59 = arith.constant 0 : index
    %get3A_60 = vector.load %arg7[%get3A_59] : memref<128xf32, #tpu.memory_space<vmem>>, vector<128xf32>
    %broadcast_in_dim3A_61 = vector.shape_cast %get3A_60 : vector<128xf32> to vector<1x128xf32>
    %add3A_62 = vector.broadcast %broadcast_in_dim3A_61 : vector<1x128xf32> to vector<512x128xf32>
    %add3A_63 = arith.addf %add3A_58, %add3A_62 : vector<512x128xf32>
    %max3A = arith.constant 0.000000e+00 : f32
    %max3A_64 = vector.broadcast %max3A : f32 to vector<512x128xf32>
    %max3A_65 = arith.maximumf %add3A_63, %max3A_64 : vector<512x128xf32>
    %get3A_66 = arith.constant 0 : index
    %get3A_67 = arith.constant 0 : index
    %get3A_68 = vector.load %arg8[%get3A_66, %get3A_67] : memref<128x7xf32, #tpu.memory_space<vmem>>, vector<128x7xf32>
    %dot_general3A_69 = arith.constant dense<0.000000e+00> : vector<512x7xf32>
    %dot_general3A_70 = tpu.matmul %max3A_65, %get3A_68, %dot_general3A_69 {dimension_numbers = #tpu.dot_dimension_numbers<[1], [0], [0], [1], [0, 0, 1, 1], [], []>, transpose_lhs_hint = false} : vector<512x128xf32>, vector<128x7xf32>, vector<512x7xf32> -> vector<512x7xf32>
    %get3A_71 = arith.constant 0 : index
    %get3A_72 = vector.load %arg9[%get3A_71] : memref<7xf32, #tpu.memory_space<vmem>>, vector<7xf32>
    %broadcast_in_dim3A_73 = vector.shape_cast %get3A_72 : vector<7xf32> to vector<1x7xf32>
    %add3A_74 = vector.broadcast %broadcast_in_dim3A_73 : vector<1x7xf32> to vector<512x7xf32>
    %add3A_75 = arith.addf %dot_general3A_70, %add3A_74 : vector<512x7xf32>
    %swap3A = arith.constant 0 : index
    %swap3A_76 = arith.constant 0 : index
    %swap3A_77 = arith.constant 0 : index
    %swap3A_78 = vector.load %arg18[%swap3A, %swap3A_76, %swap3A_77] : memref<1x512x7xf32, #tpu.memory_space<vmem>>, vector<1x512x7xf32>
    %swap3A_79 = vector.shape_cast %swap3A_78 : vector<1x512x7xf32> to vector<512x7xf32>
    %swap3A_80 = vector.shape_cast %add3A_75 : vector<512x7xf32> to vector<1x512x7xf32>
    tpu.vector_store %arg18[%swap3A, %swap3A_76, %swap3A_77], %swap3A_80 {strides = array<i32>} : memref<1x512x7xf32, #tpu.memory_space<vmem>>, vector<1x512x7xf32>,
    %get3A_81 = arith.constant 0 : index
    %get3A_82 = arith.constant 0 : index
    %get3A_83 = vector.load %arg10[%get3A_81, %get3A_82] : memref<384x128xf32, #tpu.memory_space<vmem>>, vector<384x128xf32>
    %slice3A_84 = vector.extract_strided_slice %get3A_83 {offsets = [0, 0], sizes = [128, 128], strides = [1, 1]} : vector<384x128xf32> to vector<128x128xf32>
    %dot_general3A_85 = arith.constant dense<0.000000e+00> : vector<512x128xf32>
    %dot_general3A_86 = tpu.matmul %dot_general3A_21, %slice3A_84, %dot_general3A_85 {dimension_numbers = #tpu.dot_dimension_numbers<[1], [0], [0], [1], [0, 0, 1, 1], [], []>, transpose_lhs_hint = false} : vector<512x128xf32>, vector<128x128xf32>, vector<512x128xf32> -> vector<512x128xf32>
    %slice3A_87 = vector.extract_strided_slice %get3A_83 {offsets = [128, 0], sizes = [128, 128], strides = [1, 1]} : vector<384x128xf32> to vector<128x128xf32>
    %dot_general3A_88 = arith.constant dense<0.000000e+00> : vector<512x128xf32>
    %dot_general3A_89 = tpu.matmul %dot_general3A_23, %slice3A_87, %dot_general3A_88 {dimension_numbers = #tpu.dot_dimension_numbers<[1], [0], [0], [1], [0, 0, 1, 1], [], []>, transpose_lhs_hint = false} : vector<512x128xf32>, vector<128x128xf32>, vector<512x128xf32> -> vector<512x128xf32>
    %add3A_90 = arith.addf %dot_general3A_86, %dot_general3A_89 : vector<512x128xf32>
    %slice3A_91 = vector.extract_strided_slice %get3A_83 {offsets = [256, 0], sizes = [128, 128], strides = [1, 1]} : vector<384x128xf32> to vector<128x128xf32>
    %dot_general3A_92 = arith.constant dense<0.000000e+00> : vector<512x128xf32>
    %dot_general3A_93 = tpu.matmul %add3A_44, %slice3A_91, %dot_general3A_92 {dimension_numbers = #tpu.dot_dimension_numbers<[1], [0], [0], [1], [0, 0, 1, 1], [], []>, transpose_lhs_hint = false} : vector<512x128xf32>, vector<128x128xf32>, vector<512x128xf32> -> vector<512x128xf32>
    %add3A_94 = arith.addf %add3A_90, %dot_general3A_93 : vector<512x128xf32>
    %get3A_95 = arith.constant 0 : index
    %get3A_96 = vector.load %arg11[%get3A_95] : memref<128xf32, #tpu.memory_space<vmem>>, vector<128xf32>
    %broadcast_in_dim3A_97 = vector.shape_cast %get3A_96 : vector<128xf32> to vector<1x128xf32>
    %add3A_98 = vector.broadcast %broadcast_in_dim3A_97 : vector<1x128xf32> to vector<512x128xf32>
    %add3A_99 = arith.addf %add3A_94, %add3A_98 : vector<512x128xf32>
    %max3A_100 = arith.constant 0.000000e+00 : f32
    %max3A_101 = vector.broadcast %max3A_100 : f32 to vector<512x128xf32>
    %max3A_102 = arith.maximumf %add3A_99, %max3A_101 : vector<512x128xf32>
    %get3A_103 = arith.constant 0 : index
    %get3A_104 = arith.constant 0 : index
    %get3A_105 = vector.load %arg12[%get3A_103, %get3A_104] : memref<128x5xf32, #tpu.memory_space<vmem>>, vector<128x5xf32>
    %dot_general3A_106 = arith.constant dense<0.000000e+00> : vector<512x5xf32>
    %dot_general3A_107 = tpu.matmul %max3A_102, %get3A_105, %dot_general3A_106 {dimension_numbers = #tpu.dot_dimension_numbers<[1], [0], [0], [1], [0, 0, 1, 1], [], []>, transpose_lhs_hint = false} : vector<512x128xf32>, vector<128x5xf32>, vector<512x5xf32> -> vector<512x5xf32>
    %get3A_108 = arith.constant 0 : index
    %get3A_109 = vector.load %arg13[%get3A_108] : memref<5xf32, #tpu.memory_space<vmem>>, vector<5xf32>
    %broadcast_in_dim3A_110 = vector.shape_cast %get3A_109 : vector<5xf32> to vector<1x5xf32>
    %add3A_111 = vector.broadcast %broadcast_in_dim3A_110 : vector<1x5xf32> to vector<512x5xf32>
    %add3A_112 = arith.addf %dot_general3A_107, %add3A_111 : vector<512x5xf32>
    %swap3A_113 = arith.constant 0 : index
    %swap3A_114 = arith.constant 0 : index
    %swap3A_115 = arith.constant 0 : index
    %swap3A_116 = vector.load %arg19[%swap3A_113, %swap3A_114, %swap3A_115] : memref<1x512x5xf32, #tpu.memory_space<vmem>>, vector<1x512x5xf32>
    %swap3A_117 = vector.shape_cast %swap3A_116 : vector<1x512x5xf32> to vector<512x5xf32>
    %swap3A_118 = vector.shape_cast %add3A_112 : vector<512x5xf32> to vector<1x512x5xf32>
    tpu.vector_store %arg19[%swap3A_113, %swap3A_114, %swap3A_115], %swap3A_118 {strides = array<i32>} : memref<1x512x5xf32, #tpu.memory_space<vmem>>, vector<1x512x5xf32>,
    %get3A_119 = arith.constant 0 : index
    %get3A_120 = arith.constant 0 : index
    %get3A_121 = vector.load %arg14[%get3A_119, %get3A_120] : memref<384x128xf32, #tpu.memory_space<vmem>>, vector<384x128xf32>
    %slice3A_122 = vector.extract_strided_slice %get3A_121 {offsets = [0, 0], sizes = [128, 128], strides = [1, 1]} : vector<384x128xf32> to vector<128x128xf32>
    %dot_general3A_123 = arith.constant dense<0.000000e+00> : vector<512x128xf32>
    %dot_general3A_124 = tpu.matmul %dot_general3A_21, %slice3A_122, %dot_general3A_123 {dimension_numbers = #tpu.dot_dimension_numbers<[1], [0], [0], [1], [0, 0, 1, 1], [], []>, transpose_lhs_hint = false} : vector<512x128xf32>, vector<128x128xf32>, vector<512x128xf32> -> vector<512x128xf32>
    %slice3A_125 = vector.extract_strided_slice %get3A_121 {offsets = [128, 0], sizes = [128, 128], strides = [1, 1]} : vector<384x128xf32> to vector<128x128xf32>
    %dot_general3A_126 = arith.constant dense<0.000000e+00> : vector<512x128xf32>
    %dot_general3A_127 = tpu.matmul %dot_general3A_23, %slice3A_125, %dot_general3A_126 {dimension_numbers = #tpu.dot_dimension_numbers<[1], [0], [0], [1], [0, 0, 1, 1], [], []>, transpose_lhs_hint = false} : vector<512x128xf32>, vector<128x128xf32>, vector<512x128xf32> -> vector<512x128xf32>
    %add3A_128 = arith.addf %dot_general3A_124, %dot_general3A_127 : vector<512x128xf32>
    %slice3A_129 = vector.extract_strided_slice %get3A_121 {offsets = [256, 0], sizes = [128, 128], strides = [1, 1]} : vector<384x128xf32> to vector<128x128xf32>
    %dot_general3A_130 = arith.constant dense<0.000000e+00> : vector<512x128xf32>
    %dot_general3A_131 = tpu.matmul %add3A_44, %slice3A_129, %dot_general3A_130 {dimension_numbers = #tpu.dot_dimension_numbers<[1], [0], [0], [1], [0, 0, 1, 1], [], []>, transpose_lhs_hint = false} : vector<512x128xf32>, vector<128x128xf32>, vector<512x128xf32> -> vector<512x128xf32>
    %add3A_132 = arith.addf %add3A_128, %dot_general3A_131 : vector<512x128xf32>
    %get3A_133 = arith.constant 0 : index
    %get3A_134 = vector.load %arg15[%get3A_133] : memref<128xf32, #tpu.memory_space<vmem>>, vector<128xf32>
    %broadcast_in_dim3A_135 = vector.shape_cast %get3A_134 : vector<128xf32> to vector<1x128xf32>
    %add3A_136 = vector.broadcast %broadcast_in_dim3A_135 : vector<1x128xf32> to vector<512x128xf32>
    %add3A_137 = arith.addf %add3A_132, %add3A_136 : vector<512x128xf32>
    %max3A_138 = arith.constant 0.000000e+00 : f32
    %max3A_139 = vector.broadcast %max3A_138 : f32 to vector<512x128xf32>
    %max3A_140 = arith.maximumf %add3A_137, %max3A_139 : vector<512x128xf32>
    %get3A_141 = arith.constant 0 : index
    %get3A_142 = arith.constant 0 : index
    %get3A_143 = vector.load %arg16[%get3A_141, %get3A_142] : memref<128x3xf32, #tpu.memory_space<vmem>>, vector<128x3xf32>
    %dot_general3A_144 = arith.constant dense<0.000000e+00> : vector<512x3xf32>
    %dot_general3A_145 = tpu.matmul %max3A_140, %get3A_143, %dot_general3A_144 {dimension_numbers = #tpu.dot_dimension_numbers<[1], [0], [0], [1], [0, 0, 1, 1], [], []>, transpose_lhs_hint = false} : vector<512x128xf32>, vector<128x3xf32>, vector<512x3xf32> -> vector<512x3xf32>
    %get3A_146 = arith.constant 0 : index
    %get3A_147 = vector.load %arg17[%get3A_146] : memref<3xf32, #tpu.memory_space<vmem>>, vector<3xf32>
    %broadcast_in_dim3A_148 = vector.shape_cast %get3A_147 : vector<3xf32> to vector<1x3xf32>
    %add3A_149 = vector.broadcast %broadcast_in_dim3A_148 : vector<1x3xf32> to vector<512x3xf32>
    %add3A_150 = arith.addf %dot_general3A_145, %add3A_149 : vector<512x3xf32>
    %swap3A_151 = arith.constant 0 : index
    %swap3A_152 = arith.constant 0 : index
    %swap3A_153 = arith.constant 0 : index
    %swap3A_154 = vector.load %arg20[%swap3A_151, %swap3A_152, %swap3A_153] : memref<1x512x3xf32, #tpu.memory_space<vmem>>, vector<1x512x3xf32>
    %swap3A_155 = vector.shape_cast %swap3A_154 : vector<1x512x3xf32> to vector<512x3xf32>
    %swap3A_156 = vector.shape_cast %add3A_150 : vector<512x3xf32> to vector<1x512x3xf32>
    tpu.vector_store %arg20[%swap3A_151, %swap3A_152, %swap3A_153], %swap3A_156 {strides = array<i32>} : memref<1x512x3xf32, #tpu.memory_space<vmem>>, vector<1x512x3xf32>,
    return
  }
  func.func @transform_0(%arg0: i32) -> (i32, i32, i32) {
    %c0_i32 = arith.constant 0 : i32
    %c0_i32_0 = arith.constant 0 : i32
    %c0_i32_1 = arith.constant 0 : i32
    return %arg0, %c0_i32, %c0_i32_0 : i32, i32, i32
  }
  func.func @transform_1(%arg0: i32) -> (i32, i32) {
    %c0_i32 = arith.constant 0 : i32
    %c0_i32_0 = arith.constant 0 : i32
    return %arg0, %c0_i32 : i32, i32
  }
  func.func @transform_2(%arg0: i32) -> (i32, i32, i32) {
    %c0_i32 = arith.constant 0 : i32
    %c0_i32_0 = arith.constant 0 : i32
    %c0_i32_1 = arith.constant 0 : i32
    return %arg0, %c0_i32, %c0_i32_0 : i32, i32, i32
  }
  func.func @transform_3(%arg0: i32) -> (i32, i32) {
    %c0_i32 = arith.constant 0 : i32
    %c0_i32_0 = arith.constant 0 : i32
    %c0_i32_1 = arith.constant 0 : i32
    return %c0_i32, %c0_i32_0 : i32, i32
  }
  func.func @transform_4(%arg0: i32) -> i32 {
    %c0_i32 = arith.constant 0 : i32
    %c0_i32_0 = arith.constant 0 : i32
    return %c0_i32 : i32
  }
  func.func @transform_5(%arg0: i32) -> (i32, i32) {
    %c0_i32 = arith.constant 0 : i32
    %c0_i32_0 = arith.constant 0 : i32
    %c0_i32_1 = arith.constant 0 : i32
    return %c0_i32, %c0_i32_0 : i32, i32
  }
  func.func @transform_6(%arg0: i32) -> i32 {
    %c0_i32 = arith.constant 0 : i32
    %c0_i32_0 = arith.constant 0 : i32
    return %c0_i32 : i32
  }
  func.func @transform_7(%arg0: i32) -> (i32, i32) {
    %c0_i32 = arith.constant 0 : i32
    %c0_i32_0 = arith.constant 0 : i32
    %c0_i32_1 = arith.constant 0 : i32
    return %c0_i32, %c0_i32_0 : i32, i32
  }
  func.func @transform_8(%arg0: i32) -> i32 {
    %c0_i32 = arith.constant 0 : i32
    %c0_i32_0 = arith.constant 0 : i32
    return %c0_i32 : i32
  }
  func.func @transform_9(%arg0: i32) -> (i32, i32) {
    %c0_i32 = arith.constant 0 : i32
    %c0_i32_0 = arith.constant 0 : i32
    %c0_i32_1 = arith.constant 0 : i32
    return %c0_i32, %c0_i32_0 : i32, i32
  }
  func.func @transform_10(%arg0: i32) -> i32 {
    %c0_i32 = arith.constant 0 : i32
    %c0_i32_0 = arith.constant 0 : i32
    return %c0_i32 : i32
  }
  func.func @transform_11(%arg0: i32) -> (i32, i32) {
    %c0_i32 = arith.constant 0 : i32
    %c0_i32_0 = arith.constant 0 : i32
    %c0_i32_1 = arith.constant 0 : i32
    return %c0_i32, %c0_i32_0 : i32, i32
  }
  func.func @transform_12(%arg0: i32) -> i32 {
    %c0_i32 = arith.constant 0 : i32
    %c0_i32_0 = arith.constant 0 : i32
    return %c0_i32 : i32
  }
  func.func @transform_13(%arg0: i32) -> (i32, i32) {
    %c0_i32 = arith.constant 0 : i32
    %c0_i32_0 = arith.constant 0 : i32
    %c0_i32_1 = arith.constant 0 : i32
    return %c0_i32, %c0_i32_0 : i32, i32
  }
  func.func @transform_14(%arg0: i32) -> i32 {
    %c0_i32 = arith.constant 0 : i32
    %c0_i32_0 = arith.constant 0 : i32
    return %c0_i32 : i32
  }
  func.func @transform_15(%arg0: i32) -> (i32, i32) {
    %c0_i32 = arith.constant 0 : i32
    %c0_i32_0 = arith.constant 0 : i32
    %c0_i32_1 = arith.constant 0 : i32
    return %c0_i32, %c0_i32_0 : i32, i32
  }
  func.func @transform_16(%arg0: i32) -> i32 {
    %c0_i32 = arith.constant 0 : i32
    %c0_i32_0 = arith.constant 0 : i32
    return %c0_i32 : i32
  }
  func.func @transform_17(%arg0: i32) -> (i32, i32, i32) {
    %c0_i32 = arith.constant 0 : i32
    %c0_i32_0 = arith.constant 0 : i32
    %c0_i32_1 = arith.constant 0 : i32
    return %arg0, %c0_i32, %c0_i32_0 : i32, i32, i32
  }
  func.func @transform_18(%arg0: i32) -> (i32, i32, i32) {
    %c0_i32 = arith.constant 0 : i32
    %c0_i32_0 = arith.constant 0 : i32
    %c0_i32_1 = arith.constant 0 : i32
    return %arg0, %c0_i32, %c0_i32_0 : i32, i32, i32
  }
  func.func @transform_19(%arg0: i32) -> (i32, i32, i32) {
    %c0_i32 = arith.constant 0 : i32
    %c0_i32_0 = arith.constant 0 : i32
    %c0_i32_1 = arith.constant 0 : i32
    return %arg0, %c0_i32, %c0_i32_0 : i32, i32, i32
  }
}

</mosaic_0001>

<sc_bundles>
// kernel: kernel.5.cloned.1.call-start
scs
__scs_entry_jumppad:
0x0: {  	(pc) =	sbr.rel $0x88, $3  }
0x1: {  	(tag) =	ssettag $0x0;
	lr =	simm.s32 $0x1  }
0x2: {  	[smem:$0x3F89] =	sst lr;
	_ =	strace $0xD0000000  }
0x3: {  	_ = 	snop  }
0x4: {  	_ = 	snop  }
0x5: {  	_ = 	snop  }
0x6: {  	_ = 	snop  }
0x7: {  	_ = 	snop  }
__scs_overlays_trampoline_lowered:
0x8: {  	[smem:$0x3F98] =	sst s0  }
0x9: {  	[smem:$0x3F99] =	sst s1  }
0xa: {  	[smem:$0x3F9A] =	sst s2  }
0xb: {  	[smem:$0x3F9B] =	sst s3  }
0xc: {  	[smem:$0x3F9C] =	sst s4  }
0xd: {  	[smem:$0x3F9D] =	sst s5  }
0xe: {  	[smem:$0x3F9E] =	sst s6  }
0xf: {  	[smem:$0x3F9F] =	sst s7  }
0x10: {  	[smem:$0x3FA0] =	sst s8  }
0x11: {  	[smem:$0x3FA1] =	sst s9;
	s0 =	simm.s32 @!p0 $0x0  }
0x12: {  	s1 =	sld [smem:$0x3F87];
	s0 =	simm.s32 @p0 $0x1  }
0x13: {  	[smem:$0x3FA2] =	sst s0;
	s0 =	simm.s32 @!p1 $0x0  }
0x14: {  	s2 =	sld [smem:$0x3F86];
	s0 =	simm.s32 @p1 $0x1  }
0x15: {  	[smem:$0x3FA3] =	sst s0;
	s0 =	simm.s32 @!p2 $0x0  }
0x16: {  	s3 =	sld [smem:$0x3FDB];
	s0 =	simm.s32 @p2 $0x1  }
0x17: {  	s4 =	simm.s32 $0x1BF5;
	[smem:$0x3FA5] =	sst s0  }
0x18: {  	s0 =	sld [smem:$0x3F88];
	_ =	swait.ge [sflag:s4], $0x0  }
0x19: {  	s7 =	sld [smem:$0x3F89]  }
0x1a: {  	s8 =	sadd.s32 $0xFFFFE003, lr  }
0x1b: {  	s9 =	sadd.s32 $0xFFFFFEF7, lr;
	s5 =	simm.s32 $0xFFFFFFFF;
	p2 =	slt.u32 s8, $0xFFFFF086  }
0x1c: {  	p1 =	slt.u32 s9, $0xF7A;
	s5 =	simm.s32 @!p2 $0x0  }
0x1d: {  	s5 =	simm.s32 @p1 $0x1;
	p0 =	seq.s32 s7, s2  }
0x1e: {  	s7 =	smul.u32 @!p0 $0xF7A, s2;
	p2 =	seq.s32 @!p0 s5, $0x0  }
0x1f: {  	s9 =	smul.u32 $0xF7A, s1;
	s8 =	simm.s32 @!p0 $0x1BF5;
	p2 =	por !p2, p0  }
0x20: {  	[sflag:s8] =	ssyncset.s32 @!p0 $0xFFFFF086;
	s6 =	sadd.s32 @!p0 s3, s7;
	s7 =	simm.s32 @!p0 $0x108  }
0x21: {  	s3 =	sadd.s32 s3, s9;
	s6 =	sadd.s32 @!p0 $0x88, s6;
	s7 =	simm.s32 @p2 $0x1082  }
0x22: {  	[simem:s7], [sflag:s8] =	dma.local @!p0 [hbm:s6], $0xF7A  }
0x23: {  	s9 =	sor.u32 $0xD0000000, s2;
	s6 =	simm.s32 $0x108;
	_ =	swait.ge @!p0 [sflag:s8], $0x0  }
0x24: {  	s3 =	sadd.s32 $0x88, s3;
	s6 =	simm.s32 @!p1 $0x1082;
	[sflag:s4] =	ssyncset.s32 $0xFFFFF086  }
0x25: {  	[simem:s6], [sflag:s4] =	dma.local [hbm:s3], $0xF7A  }
0x26: {  	[smem:$0x3F89] =	sst s1;
	(tag) =	ssettag s2;
	_ =	strace s9  }
0x27: {  	s1 =	sld [smem:$0x3F99]  }
0x28: {  	s2 =	sld [smem:$0x3F9A]  }
0x29: {  	s4 =	sld [smem:$0x3F9C]  }
0x2a: {  	p0 =	seq.s32 s5, $0x0;
	s5 =	sld [smem:$0x3F9D]  }
0x2b: {  	s6 =	sld [smem:$0x3F9E]  }
0x2c: {  	s7 =	sld [smem:$0x3F9F]  }
0x2d: {  	s3 =	simm.s32 $0x108;
	s8 =	sld [smem:$0x3FA0]  }
0x2e: {  	s3 =	simm.s32 @!p0 $0x1082;
	s9 =	sld [smem:$0x3FA1]  }
0x2f: {  	lr =	sadd.s32 s0, s3;
	s0 =	sld [smem:$0x3F98]  }
0x30: {  	s3 =	sld [smem:$0x3F9B]  }
0x31: {  	[smem:$0x3FA4] =	sst s10  }
0x32: {  	s10 =	sld [smem:$0x3FA2];
	_ =	sdelay $0x3  }
0x33: {  	p0 =	seq.s32 s10, $0x1;
	s10 =	sld [smem:$0x3FA4];
	_ =	sdelay $0x3  }
0x34: {  	[smem:$0x3FA4] =	sst s10  }
0x35: {  	s10 =	sld [smem:$0x3FA3];
	_ =	sdelay $0x3  }
0x36: {  	p1 =	seq.s32 s10, $0x1;
	s10 =	sld [smem:$0x3FA4];
	_ =	sdelay $0x3  }
0x37: {  	[smem:$0x3FA4] =	sst s10  }
0x38: {  	s10 =	sld [smem:$0x3FA5]  }
0x39: {  	_ = 	snop;
	(pc) =	sbr.ind lr, $3  }
0x3a: {  	_ = 	snop  }
0x3b: {  	_ = 	snop  }
0x3c: {  	p2 =	seq.s32 s10, $0x1;
	s10 =	sld [smem:$0x3FA4]  }
0x3d: {  	_ =	shalt  }
0x3e: {  	_ =	shalt  }
0x3f: {  	_ =	shalt  }
0x40: {  	_ =	shalt  }
0x41: {  	_ =	shalt  }
0x42: {  	_ =	shalt  }
0x43: {  	_ =	shalt  }
0x44: {  	_ =	shalt  }
0x45: {  	_ =	shalt  }
0x46: {  	_ =	shalt  }
0x47: {  	_ =	shalt  }
0x48: {  	_ =	shalt  }
0x49: {  	_ =	shalt  }
0x4a: {  	_ =	shalt  }
0x4b: {  	_ =	shalt  }
0x4c: {  	_ =	shalt  }
0x4d: {  	_ =	shalt  }
0x4e: {  	_ =	shalt  }
0x4f: {  	_ =	shalt  }
0x50: {  	_ =	shalt  }
0x51: {  	_ =	shalt  }
0x52: {  	_ =	shalt  }
0x53: {  	_ =	shalt  }
0x54: {  	_ =	shalt  }
0x55: {  	_ =	shalt  }
0x56: {  	_ =	shalt  }
0x57: {  	_ =	shalt  }
0x58: {  	_ =	shalt  }
0x59: {  	_ =	shalt  }
0x5a: {  	_ =	shalt  }
0x5b: {  	_ =	shalt  }
0x5c: {  	_ =	shalt  }
0x5d: {  	_ =	shalt  }
0x5e: {  	_ =	shalt  }
0x5f: {  	_ =	shalt  }
0x60: {  	_ =	shalt  }
0x61: {  	_ =	shalt  }
0x62: {  	_ =	shalt  }
0x63: {  	_ =	shalt  }
0x64: {  	_ =	shalt  }
0x65: {  	_ =	shalt  }
0x66: {  	_ =	shalt  }
0x67: {  	_ =	shalt  }
0x68: {  	_ =	shalt  }
0x69: {  	_ =	shalt  }
0x6a: {  	_ =	shalt  }
0x6b: {  	_ =	shalt  }
0x6c: {  	_ =	shalt  }
0x6d: {  	_ =	shalt  }
0x6e: {  	_ =	shalt  }
0x6f: {  	_ =	shalt  }
0x70: {  	_ =	shalt  }
0x71: {  	_ =	shalt  }
0x72: {  	_ =	shalt  }
0x73: {  	_ =	shalt  }
0x74: {  	_ =	shalt  }
0x75: {  	_ =	shalt  }
0x76: {  	_ =	shalt  }
0x77: {  	_ =	shalt  }
0x78: {  	_ =	shalt  }
0x79: {  	_ =	shalt  }
0x7a: {  	_ =	shalt  }
0x7b: {  	_ =	shalt  }
0x7c: {  	_ =	shalt  }
0x7d: {  	_ =	shalt  }
0x7e: {  	_ =	shalt  }
0x7f: {  	_ =	shalt  }
0x80: {  	_ =	shalt  }
0x81: {  	_ =	shalt  }
0x82: {  	_ =	shalt  }
0x83: {  	_ =	shalt  }
0x84: {  	_ =	shalt  }
0x85: {  	_ =	shalt  }
0x86: {  	_ =	shalt  }
0x87: {  	_ =	shalt  }
.Lfunc_end0:
.L_simem_size_0:
called_computation_lowered:
.L_overlay_start_0:
0x88: {  	s2 =	sld [smem:$0x3FD9]  }
0x89: {  	s3 =	sld [smem:$0x3FFE];
	_ =	sdelay $0x1  }
0x8a: {  	s1 =	srdreg.scid  }
0x8b: {  	s0 =	sand.u32 $0x1, s1  }
0x8c: {  	s14 =	sshll.u32 s0, $0xA;
	s2 =	sadd.s32 s3, s2  }
0x8d: {  	s2 =	sadd.s32 s2, s14  }
0x8e: {  	[smem:$0x3FB0] =	sst s2  }
0x8f: {  	_ = 	snop  }
0x90: {  	s2 =	sld [smem:$0x3FD0];
	_ =	sdelay $0x2  }
0x91: {  	s4 =	simm.s32 $0xA;
	s5 =	simm.s32 $0x10;
	s15 =	sld [smem:$0x3FC8]  }
0x92: {  	[smem:s5], [sflag:s4] =	dma.local [hbm:s2], $0x1  }
0x93: {  	_ =	swait.eq [sflag:s4], $0x1  }
0x94: {  	[sflag:s4] =	ssyncset.done $0x0  }
0x95: {  	[sflag:s4] =	ssyncadd.s32 $0xFFFFFFFF  }
0x96: {  	s16 =	sld [smem:$0x12];
	(tm) =	ssettm $0x1  }
0x97: {  	s17 =	sld [smem:$0x3FFB];
	_ =	sdelay $0x3  }
0x98: {  	_ =	strace s17  }
0x99: {  	s4 =	sld [smem:$0x3FFC];
	_ =	sdelay $0x3  }
0x9a: {  	_ =	strace s4  }
0x9b: {  	s4 =	sld [smem:$0x3FFD];
	_ =	sdelay $0x3  }
0x9c: {  	_ =	strace s4  }
0x9d: {  	_ =	strace $0x8FFFFFFF  }
0x9e: {  	s18 =	sld [smem:$0x3FDB];
	_ =	sdelay $0x1  }
0x9f: {  	s19 =	simm.s32 $_scs_section_size  }
0xa0: {  	s6 =	simm.s32 $_size__tile_overlayer_lowered;
	s7 =	simm.s32 $_tile_overlayer_lowered  }
0xa1: {  	s22 =	simm.s32 $0x1BFF;
	s21 =	sshll.u32 s7, $0x1;
	s4 =	sadd.s32 s19, s18  }
0xa2: {  	s8 =	simm.s32 $0x0;
	s20 =	sshll.u32 s6, $0x1;
	s6 =	sadd.s32 s21, s4  }
0xa3: {  	[timem:s8], [sflag:s22] =	dma.local [hbm:s6], s20  }
0xa4: {  	_ =	swait.ge [sflag:s22], s20  }
0xa5: {  	s5 =	ssub.s32 $0x0, s20;
	[sflag:s22] =	ssyncset.done $0x0  }
0xa6: {  	[sflag:s22] =	ssyncadd.s32 s5;
	_ =	sdelay $0x1  }
0xa7: {  	s23 =	simm.s32 $0x1B8B  }
0xa8: {  	_ =	swait.ge [sflag:s23], $0x1  }
0xa9: {  	[sflag:s23] =	ssyncset.done $0x0  }
0xaa: {  	s25 =	simm.s32 $0x1B8E;
	s24 =	sld [smem:$0x3FFE];
	[sflag:s23] =	ssyncadd.s32 $0xFFFFFFFF  }
0xab: {  	s26 =	simm.s32 $execute0_lowered;
	[smem:$0x3FD2] =	sst s25  }
0xac: {  	s6 =	sshll.u32 s26, $0x1;
	_ =	strace $0x80000046;
	[dreg:$0x1] =	wrdreg $0xFFFFFFFF  }
0xad: {  	s28 =	simm.s32 $_size_execute0_lowered;
	s4 =	sadd.s32 s4, s6;
	[dreg:$0x0] =	wrdreg $0x0  }
0xae: {  	s6 =	sshll.u32 s28, $0x1;
	[dreg:$0x2] =	wrdreg s4  }
0xaf: {  	[dreg:$0x3] =	wrdreg s6  }
0xb0: {  	[dreg:$0x4] =	wrdreg $0xC0  }
0xb1: {  	_ =	task [dreg:s8], $0x5FFFF  }
0xb2: {  	[dreg:$0x1] =	wrdreg $0xFFFFFFFF  }
0xb3: {  	[dreg:$0x0] =	wrdreg $0x60  }
0xb4: {  	[dreg:$0x2] =	wrdreg s16  }
0xb5: {  	[dreg:$0x3] =	wrdreg s15  }
0xb6: {  	[dreg:$0x4] =	wrdreg s24  }
0xb7: {  	[dreg:$0x5] =	wrdreg $0x9  }
0xb8: {  	_ =	task.clear_ibuf [dreg:s8], $0x6FFFF;
	_ =	strace $0x90000046  }
0xb9: {  	s29 =	simm.s32 $0x9;
	_ =	strace $0x80000048  }
0xba: {  	_ =	swait.ge [sflag:s29], $0x1  }
0xbb: {  	[sflag:s29] =	ssyncadd.s32 $0xFFFFFFFF  }
0xbc: {  	_ =	strace $0x90000048  }
0xbd: {  	_ =	sfence  }
0xbe: {  	s30 =	sld [smem:$0x0];
	_ =	sdelay $0x2  }
0xbf: {  	s31 =	sshll.u32 s1, $0xD;
	s1 =	sshrl.u32 s1, $0x2  }
0xc0: {  	s3 =	sand.u32 $0x4000, s31;
	s1 =	sadd.s32 s1, s30  }
0xc1: {  	s0 =	sor.u32 s3, s0;
	s1 =	sshll.u32 s1, $0x11  }
0xc2: {  	s0 =	sor.u32 s1, s0  }
0xc3: {  	s0 =	sadd.s32 $0x8F2B, s0  }
0xc4: {  	[sflag:s0] =	ssyncadd.remote.s32 $0x1  }
0xc5: {  	_ =	sfence.sel $0xFFFF  }
0xc6: {  	[dreg:$0x0] =	wrdreg $0xFFFFFFFF;
	(pc) =	sbr.abs _section_cstart, $3  }
0xc7: {  	[dreg:$0x1] =	wrdreg $0xFFFFFFFF  }
0xc8: {  	_ =	task.clear_ibuf [dreg:s8], $0x2FFFF;
	_ =	strace $0x9FFFFFFF  }
0xc9: {  	(tm) =	ssettm $0x7FFFFFFF  }
tec
execute0_lowered:
.L_overlay_start_1:
0x0: {  	(tag) =	ssettag $0x1  }
0x1: {  	s0 =	stileid.u32  }
0x2: {  	v0 =	vlaneseq.u32;
	s1 =	sshll.u32 s0, $0x12  }
0x3: {  	v0 =	vmul.u32 $0x10, v0;
	s1 =	sand.u32 $0x300000, s1  }
0x4: {  	v1 =	vmov s1  }
0x5: {  	v63 =	vor.u32 $0x1, v0;
	[tilespmem:$0x1FC00] =	vst v1  }
0x6: {  	v4 =	vor.u32 $0x2, v0;
	[tilespmem:$0x1FC10] =	vst v63  }
0x7: {  	v5 =	vor.u32 $0x3, v0;
	[tilespmem:$0x1FC20] =	vst v4  }
0x8: {  	v6 =	vor.u32 $0x4, v0;
	[tilespmem:$0x1FC30] =	vst v5  }
0x9: {  	v7 =	vor.u32 $0x5, v0;
	[tilespmem:$0x1FC40] =	vst v6  }
0xa: {  	v8 =	vor.u32 $0x6, v0;
	[tilespmem:$0x1FC50] =	vst v7  }
0xb: {  	v9 =	vor.u32 $0x7, v0;
	[tilespmem:$0x1FC60] =	vst v8  }
0xc: {  	v10 =	vor.u32 $0x8, v0;
	[tilespmem:$0x1FC70] =	vst v9  }
0xd: {  	v11 =	vor.u32 $0x9, v0;
	[tilespmem:$0x1FC80] =	vst v10  }
0xe: {  	v12 =	vor.u32 $0xA, v0;
	[tilespmem:$0x1FC90] =	vst v11  }
0xf: {  	v13 =	vor.u32 $0xB, v0;
	[tilespmem:$0x1FCA0] =	vst v12  }
0x10: {  	v14 =	vor.u32 $0xC, v0;
	[tilespmem:$0x1FCB0] =	vst v13  }
0x11: {  	v15 =	vor.u32 $0xD, v0;
	[tilespmem:$0x1FCC0] =	vst v14  }
0x12: {  	v16 =	vor.u32 $0xE, v0;
	[tilespmem:$0x1FCD0] =	vst v15  }
0x13: {  	v17 =	vor.u32 $0xF, v0;
	[tilespmem:$0x1FCE0] =	vst v16  }
0x14: {  	v18 =	vor.u32 $0x100, v0;
	[tilespmem:$0x1FCF0] =	vst v17  }
0x15: {  	v19 =	vor.u32 $0x101, v0;
	[tilespmem:$0x1FD00] =	vst v18  }
0x16: {  	v20 =	vor.u32 $0x102, v0;
	[tilespmem:$0x1FD10] =	vst v19  }
0x17: {  	v21 =	vor.u32 $0x103, v0;
	[tilespmem:$0x1FD20] =	vst v20  }
0x18: {  	v22 =	vor.u32 $0x104, v0;
	[tilespmem:$0x1FD30] =	vst v21  }
0x19: {  	v23 =	vor.u32 $0x105, v0;
	[tilespmem:$0x1FD40] =	vst v22  }
0x1a: {  	v24 =	vor.u32 $0x106, v0;
	[tilespmem:$0x1FD50] =	vst v23  }
0x1b: {  	v25 =	vor.u32 $0x107, v0;
	[tilespmem:$0x1FD60] =	vst v24  }
0x1c: {  	v26 =	vor.u32 $0x108, v0;
	[tilespmem:$0x1FD70] =	vst v25  }
0x1d: {  	v27 =	vor.u32 $0x109, v0;
	[tilespmem:$0x1FD80] =	vst v26  }
0x1e: {  	v28 =	vor.u32 $0x10A, v0;
	[tilespmem:$0x1FD90] =	vst v27  }
0x1f: {  	v29 =	vor.u32 $0x10B, v0;
	[tilespmem:$0x1FDA0] =	vst v28  }
0x20: {  	v30 =	vor.u32 $0x10C, v0;
	[tilespmem:$0x1FDB0] =	vst v29  }
0x21: {  	v31 =	vor.u32 $0x10D, v0;
	[tilespmem:$0x1FDC0] =	vst v30  }
0x22: {  	v32 =	vor.u32 $0x10E, v0;
	[tilespmem:$0x1FDD0] =	vst v31  }
0x23: {  	v33 =	vor.u32 $0x10F, v0;
	[tilespmem:$0x1FDE0] =	vst v32  }
0x24: {  	v34 =	vor.u32 $0x200, v0;
	[tilespmem:$0x1FDF0] =	vst v33  }
0x25: {  	v35 =	vor.u32 $0x201, v0;
	[tilespmem:$0x1FE00] =	vst v34  }
0x26: {  	v36 =	vor.u32 $0x202, v0;
	[tilespmem:$0x1FE10] =	vst v35  }
0x27: {  	v37 =	vor.u32 $0x203, v0;
	[tilespmem:$0x1FE20] =	vst v36  }
0x28: {  	v38 =	vor.u32 $0x204, v0;
	[tilespmem:$0x1FE30] =	vst v37  }
0x29: {  	v39 =	vor.u32 $0x205, v0;
	[tilespmem:$0x1FE40] =	vst v38  }
0x2a: {  	v40 =	vor.u32 $0x206, v0;
	[tilespmem:$0x1FE50] =	vst v39  }
0x2b: {  	s4 =	rddreg [dreg:$0x0];
	v41 =	vor.u32 $0x207, v0;
	[tilespmem:$0x1FE60] =	vst v40  }
0x2c: {  	s5 =	rddreg [dreg:$0x2];
	v42 =	vor.u32 $0x208, v0;
	[tilespmem:$0x1FE70] =	vst v41  }
0x2d: {  	s2 =	rddreg [dreg:$0x3];
	s3 =	simm.s32 $0x0;
	v43 =	vor.u32 $0x209, v0;
	[tilespmem:$0x1FE80] =	vst v42  }
0x2e: {  	[smem:$0x7FF] =	sst s3;
	v44 =	vor.u32 $0x20A, v0;
	[tilespmem:$0x1FE90] =	vst v43  }
0x2f: {  	s1 =	rddreg [dreg:$0x1];
	v45 =	vor.u32 $0x20B, v0;
	_ =	strace $0x80000047;
	[tilespmem:$0x1FEA0] =	vst v44  }
0x30: {  	v46 =	vor.u32 $0x20C, v0;
	[tilespmem:$0x1FEB0] =	vst v45  }
0x31: {  	v47 =	vor.u32 $0x20D, v0;
	[tilespmem:$0x1FEC0] =	vst v46  }
0x32: {  	v48 =	vor.u32 $0x20E, v0;
	[tilespmem:$0x1FED0] =	vst v47  }
0x33: {  	v49 =	vor.u32 $0x20F, v0;
	[tilespmem:$0x1FEE0] =	vst v48  }
0x34: {  	v50 =	vor.u32 $0x300, v0;
	[tilespmem:$0x1FEF0] =	vst v49  }
0x35: {  	v51 =	vor.u32 $0x301, v0;
	[tilespmem:$0x1FF00] =	vst v50  }
0x36: {  	v52 =	vor.u32 $0x302, v0;
	[tilespmem:$0x1FF10] =	vst v51  }
0x37: {  	v53 =	vor.u32 $0x303, v0;
	[tilespmem:$0x1FF20] =	vst v52  }
0x38: {  	v54 =	vor.u32 $0x304, v0;
	[tilespmem:$0x1FF30] =	vst v53  }
0x39: {  	v55 =	vor.u32 $0x305, v0;
	[tilespmem:$0x1FF40] =	vst v54  }
0x3a: {  	v56 =	vor.u32 $0x306, v0;
	[tilespmem:$0x1FF50] =	vst v55  }
0x3b: {  	v57 =	vor.u32 $0x307, v0;
	[tilespmem:$0x1FF60] =	vst v56  }
0x3c: {  	v58 =	vor.u32 $0x308, v0;
	[tilespmem:$0x1FF70] =	vst v57  }
0x3d: {  	s6 =	srdreg.scid;
	s10 =	simm.s32 $0x100;
	s11 =	simm.s32 $0x500;
	v59 =	vor.u32 $0x309, v0;
	[tilespmem:$0x1FF80] =	vst v58  }
0x3e: {  	s12 =	simm.s32 $0x400;
	s13 =	simm.s32 $0x900;
	s14 =	simm.s32 $0xD00;
	v60 =	vor.u32 $0x30A, v0;
	[tilespmem:$0x1FF90] =	vst v59  }
0x3f: {  	s15 =	simm.s32 $0x1;
	s6 =	sand.u32 $0x1, s6;
	s7 =	sshll.u32 s0, $0x1;
	v61 =	vor.u32 $0x30B, v0;
	[tilespmem:$0x1FFA0] =	vst v60  }
0x40: {  	s16 =	simm.s32 $0x2;
	s17 =	simm.s32 $0x1100;
	s7 =	sor.u32 s6, s7;
	v62 =	vor.u32 $0x30C, v0;
	[tilespmem:$0x1FFB0] =	vst v61  }
0x41: {  	s6 =	ssub.s32 $0x2, s6;
	s8 =	sshll.u32 s7, $0x3;
	s7 =	sshll.u32 s7, $0x7;
	v63 =	vor.u32 $0x30D, v0;
	[tilespmem:$0x1FFC0] =	vst v62  }
0x42: {  	s9 =	sshrl.u32 s6, $0x1;
	s4 =	sadd.s32 s4, s8;
	s7 =	sadd.s32 s7, s5;
	[tilespmem:$0x1FFD0] =	vst v63  }
0x43: {  	s31 =	ssub.s32 s6, s9;
	s8 =	simm.s32 $0x3;
	s9 =	simm.s32 $0x80;
	[tilespmem:$0x1FFE0] =	vst v0;
	v0 =	vor.u32 $0x30E, v0  }
0x44: {  	s5 =	sadd.s32 $0x100, s4;
	s6 =	sadd.s32 $0x3800, s7;
	s7 =	smax.u32 s31, $0x1;
	[tilespmem:$0x1FFF0] =	vst v0  }
.LBB2_1:
0x45: {  	[tilespmem:s3], [sflag:$0x3] =	stream.linear.gather [hbm4b:s4+s3], $0x40, $0x38;
	[tilespmem:$0x1500] =	vst v63  }
0x46: {  	_ =	swait.ge [sflag:s8], $0x40  }
0x47: {  	[sflag:s8] =	ssyncset.done $0x0  }
0x48: {  	[sflag:s8] =	ssyncadd.s32 $0xFFFFFFC0  }
0x49: {  	[tilespmem:s9], [sflag:$0x3] =	stream.linear.gather [hbm4b:s5+s3], $0x40, $0x38;
	[tilespmem:$0x1500] =	vst v63  }
0x4a: {  	_ =	swait.ge [sflag:s8], $0x40  }
0x4b: {  	[sflag:s8] =	ssyncset.done $0x0  }
0x4c: {  	v1 =	vld [tilespmem:$0x1FC00];
	[sflag:s8] =	ssyncadd.s32 $0xFFFFFFC0  }
0x4d: {  	v2 =	vld [tilespmem:$0x0]  }
0x4e: {  	v3 =	vld [tilespmem:$0x80]  }
0x4f: {  	v0 =	vld [tilespmem:$0x1FFE0];
	_ =	sdelay $0x1  }
0x50: {  	v49 =	vld [tilespmem:$0x1FC10]  }
0x51: {  	v4 =	vshll.u32 v2, $0xC  }
0x52: {  	v52 =	vld [tilespmem:$0x1FC20];
	v5 =	vshll.u32 v3, $0x3;
	v6 =	vand.u32 $0x7F, v3;
	v47 =	vand.u32 $0x7F, v2  }
0x53: {  	v3 =	vshll.u32 v3, $0xC;
	v2 =	vshll.u32 v2, $0x3;
	v4 =	vadd.s32 v1, v4  }
0x54: {  	v55 =	vld [tilespmem:$0x1FC30];
	v5 =	vand.u32 $0xFFFFFC00, v5;
	v4 =	vor.u32 v6, v4;
	v6 =	vor.u32 v1, v47  }
0x55: {  	v2 =	vand.u32 $0xFFFFFC00, v2;
	v4 =	vadd.s32 v5, v4;
	v3 =	vadd.s32 v3, v6  }
0x56: {  	v58 =	vld [tilespmem:$0x1FC40];
	v2 =	vadd.s32 v2, v3;
	[tilespmem:v0+s10+$0x0] =	vst.idx.msk $0xffff, v4  }
0x57: {  	v48 =	vor.u32 $0x80, v4;
	[tilespmem:v0+s11+$0x0] =	vst.idx.msk $0xffff, v2  }
0x58: {  	v61 =	vld [tilespmem:$0x1FC50];
	v50 =	vor.u32 $0x80, v2;
	[tilespmem:v49+s10+$0x0] =	vst.idx.msk $0xffff, v48  }
0x59: {  	v51 =	vor.u32 $0x100, v4;
	[tilespmem:v49+s11+$0x0] =	vst.idx.msk $0xffff, v50  }
0x5a: {  	v8 =	vld [tilespmem:$0x1FC60];
	v53 =	vor.u32 $0x100, v2;
	[tilespmem:v52+s10+$0x0] =	vst.idx.msk $0xffff, v51  }
0x5b: {  	v54 =	vor.u32 $0x180, v4;
	[tilespmem:v52+s11+$0x0] =	vst.idx.msk $0xffff, v53  }
0x5c: {  	v11 =	vld [tilespmem:$0x1FC70];
	v56 =	vor.u32 $0x180, v2;
	[tilespmem:v55+s10+$0x0] =	vst.idx.msk $0xffff, v54  }
0x5d: {  	v57 =	vor.u32 $0x200, v4;
	[tilespmem:v55+s11+$0x0] =	vst.idx.msk $0xffff, v56  }
0x5e: {  	v14 =	vld [tilespmem:$0x1FC80];
	v59 =	vor.u32 $0x200, v2;
	[tilespmem:v58+s10+$0x0] =	vst.idx.msk $0xffff, v57  }
0x5f: {  	v60 =	vor.u32 $0x280, v4;
	[tilespmem:v58+s11+$0x0] =	vst.idx.msk $0xffff, v59  }
0x60: {  	v17 =	vld [tilespmem:$0x1FC90];
	v62 =	vor.u32 $0x280, v2;
	[tilespmem:v61+s10+$0x0] =	vst.idx.msk $0xffff, v60  }
0x61: {  	v63 =	vor.u32 $0x300, v4;
	[tilespmem:v61+s11+$0x0] =	vst.idx.msk $0xffff, v62  }
0x62: {  	v20 =	vld [tilespmem:$0x1FCA0];
	v9 =	vor.u32 $0x300, v2;
	[tilespmem:v8+s10+$0x0] =	vst.idx.msk $0xffff, v63  }
0x63: {  	v10 =	vor.u32 $0x380, v4;
	[tilespmem:v8+s11+$0x0] =	vst.idx.msk $0xffff, v9  }
0x64: {  	v23 =	vld [tilespmem:$0x1FCB0];
	v12 =	vor.u32 $0x380, v2;
	[tilespmem:v11+s10+$0x0] =	vst.idx.msk $0xffff, v10  }
0x65: {  	v13 =	vadd.s32 $0x800, v4;
	[tilespmem:v11+s11+$0x0] =	vst.idx.msk $0xffff, v12  }
0x66: {  	v26 =	vld [tilespmem:$0x1FCC0];
	v15 =	vadd.s32 $0x800, v2;
	[tilespmem:v14+s10+$0x0] =	vst.idx.msk $0xffff, v13  }
0x67: {  	v16 =	vadd.s32 $0x880, v4;
	[tilespmem:v14+s11+$0x0] =	vst.idx.msk $0xffff, v15  }
0x68: {  	v29 =	vld [tilespmem:$0x1FCD0];
	v18 =	vadd.s32 $0x880, v2;
	[tilespmem:v17+s10+$0x0] =	vst.idx.msk $0xffff, v16  }
0x69: {  	v19 =	vadd.s32 $0x900, v4;
	[tilespmem:v17+s11+$0x0] =	vst.idx.msk $0xffff, v18  }
0x6a: {  	v32 =	vld [tilespmem:$0x1FCE0];
	v21 =	vadd.s32 $0x900, v2;
	[tilespmem:v20+s10+$0x0] =	vst.idx.msk $0xffff, v19  }
0x6b: {  	v22 =	vadd.s32 $0x980, v4;
	[tilespmem:v20+s11+$0x0] =	vst.idx.msk $0xffff, v21  }
0x6c: {  	v35 =	vld [tilespmem:$0x1FCF0];
	v24 =	vadd.s32 $0x980, v2;
	[tilespmem:v23+s10+$0x0] =	vst.idx.msk $0xffff, v22  }
0x6d: {  	v25 =	vadd.s32 $0xA00, v4;
	[tilespmem:v23+s11+$0x0] =	vst.idx.msk $0xffff, v24  }
0x6e: {  	v27 =	vadd.s32 $0xA00, v2;
	[tilespmem:v26+s10+$0x0] =	vst.idx.msk $0xffff, v25  }
0x6f: {  	v28 =	vadd.s32 $0xA80, v4;
	[tilespmem:v26+s11+$0x0] =	vst.idx.msk $0xffff, v27  }
0x70: {  	v30 =	vadd.s32 $0xA80, v2;
	[tilespmem:v29+s10+$0x0] =	vst.idx.msk $0xffff, v28  }
0x71: {  	v31 =	vadd.s32 $0xB00, v4;
	[tilespmem:v29+s11+$0x0] =	vst.idx.msk $0xffff, v30  }
0x72: {  	v33 =	vadd.s32 $0xB00, v2;
	[tilespmem:v32+s10+$0x0] =	vst.idx.msk $0xffff, v31  }
0x73: {  	v34 =	vadd.s32 $0xB80, v4;
	[tilespmem:v32+s11+$0x0] =	vst.idx.msk $0xffff, v33  }
0x74: {  	v2 =	vadd.s32 $0xB80, v2;
	[tilespmem:v35+s10+$0x0] =	vst.idx.msk $0xffff, v34  }
0x75: {  	[tilespmem:v35+s11+$0x0] =	vst.idx.msk $0xffff, v2  }
0x76: {  	v2 =	vld [tilespmem:$0x10]  }
0x77: {  	v3 =	vld [tilespmem:$0x90]  }
0x78: {  	v40 =	vld [tilespmem:$0x1FD00];
	_ =	sdelay $0x1  }
0x79: {  	v42 =	vld [tilespmem:$0x1FD10]  }
0x7a: {  	v36 =	vshll.u32 v2, $0xC  }
0x7b: {  	v45 =	vld [tilespmem:$0x1FD20];
	v37 =	vshll.u32 v3, $0x3;
	v38 =	vand.u32 $0x7F, v3;
	v39 =	vand.u32 $0x7F, v2  }
0x7c: {  	v3 =	vshll.u32 v3, $0xC;
	v2 =	vshll.u32 v2, $0x3;
	v4 =	vadd.s32 v1, v36  }
0x7d: {  	v48 =	vld [tilespmem:$0x1FD30];
	v5 =	vand.u32 $0xFFFFFC00, v37;
	v6 =	vor.u32 v1, v39;
	v4 =	vor.u32 v38, v4  }
0x7e: {  	v2 =	vand.u32 $0xFFFFFC00, v2;
	v3 =	vadd.s32 v3, v6;
	v4 =	vadd.s32 v5, v4  }
0x7f: {  	v51 =	vld [tilespmem:$0x1FD40];
	v2 =	vadd.s32 v2, v3;
	[tilespmem:v40+s10+$0x0] =	vst.idx.msk $0xffff, v4  }
0x80: {  	v41 =	vor.u32 $0x80, v4;
	[tilespmem:v40+s11+$0x0] =	vst.idx.msk $0xffff, v2  }
0x81: {  	v54 =	vld [tilespmem:$0x1FD50];
	v43 =	vor.u32 $0x80, v2;
	[tilespmem:v42+s10+$0x0] =	vst.idx.msk $0xffff, v41  }
0x82: {  	v44 =	vor.u32 $0x100, v4;
	[tilespmem:v42+s11+$0x0] =	vst.idx.msk $0xffff, v43  }
0x83: {  	v57 =	vld [tilespmem:$0x1FD60];
	v46 =	vor.u32 $0x100, v2;
	[tilespmem:v45+s10+$0x0] =	vst.idx.msk $0xffff, v44  }
0x84: {  	v47 =	vor.u32 $0x180, v4;
	[tilespmem:v45+s11+$0x0] =	vst.idx.msk $0xffff, v46  }
0x85: {  	v60 =	vld [tilespmem:$0x1FD70];
	v49 =	vor.u32 $0x180, v2;
	[tilespmem:v48+s10+$0x0] =	vst.idx.msk $0xffff, v47  }
0x86: {  	v50 =	vor.u32 $0x200, v4;
	[tilespmem:v48+s11+$0x0] =	vst.idx.msk $0xffff, v49  }
0x87: {  	v63 =	vld [tilespmem:$0x1FD80];
	v52 =	vor.u32 $0x200, v2;
	[tilespmem:v51+s10+$0x0] =	vst.idx.msk $0xffff, v50  }
0x88: {  	v53 =	vor.u32 $0x280, v4;
	[tilespmem:v51+s11+$0x0] =	vst.idx.msk $0xffff, v52  }
0x89: {  	v9 =	vld [tilespmem:$0x1FD90];
	v55 =	vor.u32 $0x280, v2;
	[tilespmem:v54+s10+$0x0] =	vst.idx.msk $0xffff, v53  }
0x8a: {  	v56 =	vor.u32 $0x300, v4;
	[tilespmem:v54+s11+$0x0] =	vst.idx.msk $0xffff, v55  }
0x8b: {  	v12 =	vld [tilespmem:$0x1FDA0];
	v58 =	vor.u32 $0x300, v2;
	[tilespmem:v57+s10+$0x0] =	vst.idx.msk $0xffff, v56  }
0x8c: {  	v59 =	vor.u32 $0x380, v4;
	[tilespmem:v57+s11+$0x0] =	vst.idx.msk $0xffff, v58  }
0x8d: {  	v15 =	vld [tilespmem:$0x1FDB0];
	v61 =	vor.u32 $0x380, v2;
	[tilespmem:v60+s10+$0x0] =	vst.idx.msk $0xffff, v59  }
0x8e: {  	v62 =	vadd.s32 $0x800, v4;
	[tilespmem:v60+s11+$0x0] =	vst.idx.msk $0xffff, v61  }
0x8f: {  	v18 =	vld [tilespmem:$0x1FDC0];
	v7 =	vadd.s32 $0x800, v2;
	[tilespmem:v63+s10+$0x0] =	vst.idx.msk $0xffff, v62  }
0x90: {  	v8 =	vadd.s32 $0x880, v4;
	[tilespmem:v63+s11+$0x0] =	vst.idx.msk $0xffff, v7  }
0x91: {  	v21 =	vld [tilespmem:$0x1FDD0];
	v10 =	vadd.s32 $0x880, v2;
	[tilespmem:v9+s10+$0x0] =	vst.idx.msk $0xffff, v8  }
0x92: {  	v11 =	vadd.s32 $0x900, v4;
	[tilespmem:v9+s11+$0x0] =	vst.idx.msk $0xffff, v10  }
0x93: {  	v24 =	vld [tilespmem:$0x1FDE0];
	v13 =	vadd.s32 $0x900, v2;
	[tilespmem:v12+s10+$0x0] =	vst.idx.msk $0xffff, v11  }
0x94: {  	v14 =	vadd.s32 $0x980, v4;
	[tilespmem:v12+s11+$0x0] =	vst.idx.msk $0xffff, v13  }
0x95: {  	v27 =	vld [tilespmem:$0x1FDF0];
	v16 =	vadd.s32 $0x980, v2;
	[tilespmem:v15+s10+$0x0] =	vst.idx.msk $0xffff, v14  }
0x96: {  	v17 =	vadd.s32 $0xA00, v4;
	[tilespmem:v15+s11+$0x0] =	vst.idx.msk $0xffff, v16  }
0x97: {  	v19 =	vadd.s32 $0xA00, v2;
	[tilespmem:v18+s10+$0x0] =	vst.idx.msk $0xffff, v17  }
0x98: {  	v20 =	vadd.s32 $0xA80, v4;
	[tilespmem:v18+s11+$0x0] =	vst.idx.msk $0xffff, v19  }
0x99: {  	v22 =	vadd.s32 $0xA80, v2;
	[tilespmem:v21+s10+$0x0] =	vst.idx.msk $0xffff, v20  }
0x9a: {  	v23 =	vadd.s32 $0xB00, v4;
	[tilespmem:v21+s11+$0x0] =	vst.idx.msk $0xffff, v22  }
0x9b: {  	v25 =	vadd.s32 $0xB00, v2;
	[tilespmem:v24+s10+$0x0] =	vst.idx.msk $0xffff, v23  }
0x9c: {  	v26 =	vadd.s32 $0xB80, v4;
	[tilespmem:v24+s11+$0x0] =	vst.idx.msk $0xffff, v25  }
0x9d: {  	v2 =	vadd.s32 $0xB80, v2;
	[tilespmem:v27+s10+$0x0] =	vst.idx.msk $0xffff, v26  }
0x9e: {  	[tilespmem:v27+s11+$0x0] =	vst.idx.msk $0xffff, v2  }
0x9f: {  	v2 =	vld [tilespmem:$0x20]  }
0xa0: {  	v3 =	vld [tilespmem:$0xA0]  }
0xa1: {  	v32 =	vld [tilespmem:$0x1FE00];
	_ =	sdelay $0x1  }
0xa2: {  	v34 =	vld [tilespmem:$0x1FE10]  }
0xa3: {  	v28 =	vshll.u32 v2, $0xC  }
0xa4: {  	v37 =	vld [tilespmem:$0x1FE20];
	v29 =	vshll.u32 v3, $0x3;
	v30 =	vand.u32 $0x7F, v3;
	v31 =	vand.u32 $0x7F, v2  }
0xa5: {  	v3 =	vshll.u32 v3, $0xC;
	v2 =	vshll.u32 v2, $0x3;
	v4 =	vadd.s32 v1, v28  }
0xa6: {  	v40 =	vld [tilespmem:$0x1FE30];
	v5 =	vand.u32 $0xFFFFFC00, v29;
	v6 =	vor.u32 v1, v31;
	v4 =	vor.u32 v30, v4  }
0xa7: {  	v2 =	vand.u32 $0xFFFFFC00, v2;
	v3 =	vadd.s32 v3, v6;
	v4 =	vadd.s32 v5, v4  }
0xa8: {  	v43 =	vld [tilespmem:$0x1FE40];
	v2 =	vadd.s32 v2, v3;
	[tilespmem:v32+s10+$0x0] =	vst.idx.msk $0xffff, v4  }
0xa9: {  	v33 =	vor.u32 $0x80, v4;
	[tilespmem:v32+s11+$0x0] =	vst.idx.msk $0xffff, v2  }
0xaa: {  	v46 =	vld [tilespmem:$0x1FE50];
	v35 =	vor.u32 $0x80, v2;
	[tilespmem:v34+s10+$0x0] =	vst.idx.msk $0xffff, v33  }
0xab: {  	v36 =	vor.u32 $0x100, v4;
	[tilespmem:v34+s11+$0x0] =	vst.idx.msk $0xffff, v35  }
0xac: {  	v49 =	vld [tilespmem:$0x1FE60];
	v38 =	vor.u32 $0x100, v2;
	[tilespmem:v37+s10+$0x0] =	vst.idx.msk $0xffff, v36  }
0xad: {  	v39 =	vor.u32 $0x180, v4;
	[tilespmem:v37+s11+$0x0] =	vst.idx.msk $0xffff, v38  }
0xae: {  	v52 =	vld [tilespmem:$0x1FE70];
	v41 =	vor.u32 $0x180, v2;
	[tilespmem:v40+s10+$0x0] =	vst.idx.msk $0xffff, v39  }
0xaf: {  	v42 =	vor.u32 $0x200, v4;
	[tilespmem:v40+s11+$0x0] =	vst.idx.msk $0xffff, v41  }
0xb0: {  	v55 =	vld [tilespmem:$0x1FE80];
	v44 =	vor.u32 $0x200, v2;
	[tilespmem:v43+s10+$0x0] =	vst.idx.msk $0xffff, v42  }
0xb1: {  	v45 =	vor.u32 $0x280, v4;
	[tilespmem:v43+s11+$0x0] =	vst.idx.msk $0xffff, v44  }
0xb2: {  	v58 =	vld [tilespmem:$0x1FE90];
	v47 =	vor.u32 $0x280, v2;
	[tilespmem:v46+s10+$0x0] =	vst.idx.msk $0xffff, v45  }
0xb3: {  	v48 =	vor.u32 $0x300, v4;
	[tilespmem:v46+s11+$0x0] =	vst.idx.msk $0xffff, v47  }
0xb4: {  	v61 =	vld [tilespmem:$0x1FEA0];
	v50 =	vor.u32 $0x300, v2;
	[tilespmem:v49+s10+$0x0] =	vst.idx.msk $0xffff, v48  }
0xb5: {  	v51 =	vor.u32 $0x380, v4;
	[tilespmem:v49+s11+$0x0] =	vst.idx.msk $0xffff, v50  }
0xb6: {  	v8 =	vld [tilespmem:$0x1FEB0];
	v53 =	vor.u32 $0x380, v2;
	[tilespmem:v52+s10+$0x0] =	vst.idx.msk $0xffff, v51  }
0xb7: {  	v54 =	vadd.s32 $0x800, v4;
	[tilespmem:v52+s11+$0x0] =	vst.idx.msk $0xffff, v53  }
0xb8: {  	v11 =	vld [tilespmem:$0x1FEC0];
	v56 =	vadd.s32 $0x800, v2;
	[tilespmem:v55+s10+$0x0] =	vst.idx.msk $0xffff, v54  }
0xb9: {  	v57 =	vadd.s32 $0x880, v4;
	[tilespmem:v55+s11+$0x0] =	vst.idx.msk $0xffff, v56  }
0xba: {  	v14 =	vld [tilespmem:$0x1FED0];
	v59 =	vadd.s32 $0x880, v2;
	[tilespmem:v58+s10+$0x0] =	vst.idx.msk $0xffff, v57  }
0xbb: {  	v60 =	vadd.s32 $0x900, v4;
	[tilespmem:v58+s11+$0x0] =	vst.idx.msk $0xffff, v59  }
0xbc: {  	v17 =	vld [tilespmem:$0x1FEE0];
	v62 =	vadd.s32 $0x900, v2;
	[tilespmem:v61+s10+$0x0] =	vst.idx.msk $0xffff, v60  }
0xbd: {  	v63 =	vadd.s32 $0x980, v4;
	[tilespmem:v61+s11+$0x0] =	vst.idx.msk $0xffff, v62  }
0xbe: {  	v20 =	vld [tilespmem:$0x1FEF0];
	v9 =	vadd.s32 $0x980, v2;
	[tilespmem:v8+s10+$0x0] =	vst.idx.msk $0xffff, v63  }
0xbf: {  	v10 =	vadd.s32 $0xA00, v4;
	[tilespmem:v8+s11+$0x0] =	vst.idx.msk $0xffff, v9  }
0xc0: {  	v12 =	vadd.s32 $0xA00, v2;
	[tilespmem:v11+s10+$0x0] =	vst.idx.msk $0xffff, v10  }
0xc1: {  	v13 =	vadd.s32 $0xA80, v4;
	[tilespmem:v11+s11+$0x0] =	vst.idx.msk $0xffff, v12  }
0xc2: {  	v15 =	vadd.s32 $0xA80, v2;
	[tilespmem:v14+s10+$0x0] =	vst.idx.msk $0xffff, v13  }
0xc3: {  	v16 =	vadd.s32 $0xB00, v4;
	[tilespmem:v14+s11+$0x0] =	vst.idx.msk $0xffff, v15  }
0xc4: {  	v18 =	vadd.s32 $0xB00, v2;
	[tilespmem:v17+s10+$0x0] =	vst.idx.msk $0xffff, v16  }
0xc5: {  	v19 =	vadd.s32 $0xB80, v4;
	[tilespmem:v17+s11+$0x0] =	vst.idx.msk $0xffff, v18  }
0xc6: {  	v2 =	vadd.s32 $0xB80, v2;
	[tilespmem:v20+s10+$0x0] =	vst.idx.msk $0xffff, v19  }
0xc7: {  	[tilespmem:v20+s11+$0x0] =	vst.idx.msk $0xffff, v2  }
0xc8: {  	v2 =	vld [tilespmem:$0x30]  }
0xc9: {  	v3 =	vld [tilespmem:$0xB0]  }
0xca: {  	v25 =	vld [tilespmem:$0x1FF00];
	_ =	sdelay $0x1  }
0xcb: {  	v27 =	vld [tilespmem:$0x1FF10]  }
0xcc: {  	v21 =	vshll.u32 v2, $0xC  }
0xcd: {  	v30 =	vld [tilespmem:$0x1FF20];
	v22 =	vshll.u32 v3, $0x3;
	v23 =	vand.u32 $0x7F, v3;
	v24 =	vand.u32 $0x7F, v2  }
0xce: {  	v3 =	vshll.u32 v3, $0xC;
	v2 =	vshll.u32 v2, $0x3;
	v4 =	vadd.s32 v1, v21  }
0xcf: {  	v33 =	vld [tilespmem:$0x1FF30];
	v5 =	vand.u32 $0xFFFFFC00, v22;
	v6 =	vor.u32 v1, v24;
	v4 =	vor.u32 v23, v4  }
0xd0: {  	v2 =	vand.u32 $0xFFFFFC00, v2;
	v3 =	vadd.s32 v3, v6;
	v4 =	vadd.s32 v5, v4  }
0xd1: {  	v36 =	vld [tilespmem:$0x1FF40];
	v2 =	vadd.s32 v2, v3;
	[tilespmem:v25+s10+$0x0] =	vst.idx.msk $0xffff, v4  }
0xd2: {  	v26 =	vor.u32 $0x80, v4;
	[tilespmem:v25+s11+$0x0] =	vst.idx.msk $0xffff, v2  }
0xd3: {  	v39 =	vld [tilespmem:$0x1FF50];
	v28 =	vor.u32 $0x80, v2;
	[tilespmem:v27+s10+$0x0] =	vst.idx.msk $0xffff, v26  }
0xd4: {  	v29 =	vor.u32 $0x100, v4;
	[tilespmem:v27+s11+$0x0] =	vst.idx.msk $0xffff, v28  }
0xd5: {  	v42 =	vld [tilespmem:$0x1FF60];
	v31 =	vor.u32 $0x100, v2;
	[tilespmem:v30+s10+$0x0] =	vst.idx.msk $0xffff, v29  }
0xd6: {  	v32 =	vor.u32 $0x180, v4;
	[tilespmem:v30+s11+$0x0] =	vst.idx.msk $0xffff, v31  }
0xd7: {  	v45 =	vld [tilespmem:$0x1FF70];
	v34 =	vor.u32 $0x180, v2;
	[tilespmem:v33+s10+$0x0] =	vst.idx.msk $0xffff, v32  }
0xd8: {  	v35 =	vor.u32 $0x200, v4;
	[tilespmem:v33+s11+$0x0] =	vst.idx.msk $0xffff, v34  }
0xd9: {  	v48 =	vld [tilespmem:$0x1FF80];
	v37 =	vor.u32 $0x200, v2;
	[tilespmem:v36+s10+$0x0] =	vst.idx.msk $0xffff, v35  }
0xda: {  	v38 =	vor.u32 $0x280, v4;
	[tilespmem:v36+s11+$0x0] =	vst.idx.msk $0xffff, v37  }
0xdb: {  	v51 =	vld [tilespmem:$0x1FF90];
	v40 =	vor.u32 $0x280, v2;
	[tilespmem:v39+s10+$0x0] =	vst.idx.msk $0xffff, v38  }
0xdc: {  	v41 =	vor.u32 $0x300, v4;
	[tilespmem:v39+s11+$0x0] =	vst.idx.msk $0xffff, v40  }
0xdd: {  	v54 =	vld [tilespmem:$0x1FFA0];
	v43 =	vor.u32 $0x300, v2;
	[tilespmem:v42+s10+$0x0] =	vst.idx.msk $0xffff, v41  }
0xde: {  	v44 =	vor.u32 $0x380, v4;
	[tilespmem:v42+s11+$0x0] =	vst.idx.msk $0xffff, v43  }
0xdf: {  	v57 =	vld [tilespmem:$0x1FFB0];
	v46 =	vor.u32 $0x380, v2;
	[tilespmem:v45+s10+$0x0] =	vst.idx.msk $0xffff, v44  }
0xe0: {  	v47 =	vadd.s32 $0x800, v4;
	[tilespmem:v45+s11+$0x0] =	vst.idx.msk $0xffff, v46  }
0xe1: {  	v60 =	vld [tilespmem:$0x1FFC0];
	v49 =	vadd.s32 $0x800, v2;
	[tilespmem:v48+s10+$0x0] =	vst.idx.msk $0xffff, v47  }
0xe2: {  	v50 =	vadd.s32 $0x880, v4;
	[tilespmem:v48+s11+$0x0] =	vst.idx.msk $0xffff, v49  }
0xe3: {  	v7 =	vld [tilespmem:$0x1FFD0];
	v52 =	vadd.s32 $0x880, v2;
	[tilespmem:v51+s10+$0x0] =	vst.idx.msk $0xffff, v50  }
0xe4: {  	v53 =	vadd.s32 $0x900, v4;
	[tilespmem:v51+s11+$0x0] =	vst.idx.msk $0xffff, v52  }
0xe5: {  	v10 =	vld [tilespmem:$0x1FFF0];
	v55 =	vadd.s32 $0x900, v2;
	[tilespmem:v54+s10+$0x0] =	vst.idx.msk $0xffff, v53  }
0xe6: {  	v56 =	vadd.s32 $0x980, v4;
	[tilespmem:v54+s11+$0x0] =	vst.idx.msk $0xffff, v55  }
0xe7: {  	v58 =	vadd.s32 $0x980, v2;
	[tilespmem:v57+s10+$0x0] =	vst.idx.msk $0xffff, v56  }
0xe8: {  	v59 =	vadd.s32 $0xA00, v4;
	[tilespmem:v57+s11+$0x0] =	vst.idx.msk $0xffff, v58  }
0xe9: {  	v61 =	vadd.s32 $0xA00, v2;
	[tilespmem:v60+s10+$0x0] =	vst.idx.msk $0xffff, v59  }
0xea: {  	v63 =	vor.u32 $0x30F, v0;
	v62 =	vadd.s32 $0xA80, v4;
	[tilespmem:v60+s11+$0x0] =	vst.idx.msk $0xffff, v61  }
0xeb: {  	v8 =	vadd.s32 $0xA80, v2;
	[tilespmem:v7+s10+$0x0] =	vst.idx.msk $0xffff, v62  }
0xec: {  	v9 =	vadd.s32 $0xB00, v4;
	[tilespmem:v7+s11+$0x0] =	vst.idx.msk $0xffff, v8  }
0xed: {  	v11 =	vadd.s32 $0xB00, v2;
	[tilespmem:v10+s10+$0x0] =	vst.idx.msk $0xffff, v9  }
0xee: {  	v12 =	vadd.s32 $0xB80, v4;
	[tilespmem:v10+s11+$0x0] =	vst.idx.msk $0xffff, v11  }
0xef: {  	v2 =	vadd.s32 $0xB80, v2;
	[tilespmem:v63+s10+$0x0] =	vst.idx.msk $0xffff, v12  }
0xf0: {  	[tilespmem:v63+s11+$0x0] =	vst.idx.msk $0xffff, v2  }
0xf1: {  	[tilespmem:s13], [sflag:$0x1] =	stream.indirect.gather [hbm4b:s1+s12], $0x1, s10, s12, $0xb8;
	[tilespmem:$0x1500] =	vst v63  }
0xf2: {  	_ = 	snop  }
0xf3: {  	[tilespmem:s14], [sflag:$0x2] =	stream.indirect.gather [hbm4b:s1+s12], $0x1, s11, s12, $0xb8;
	[tilespmem:$0x1500] =	vst v63  }
0xf4: {  	_ =	swait.ge [sflag:s15], $0x400  }
0xf5: {  	[sflag:s15] =	ssyncset.done $0x0  }
0xf6: {  	[sflag:s15] =	ssyncadd.s32 $0xFFFFFC00  }
0xf7: {  	_ =	swait.ge [sflag:s16], $0x400  }
0xf8: {  	[sflag:s16] =	ssyncset.done $0x0  }
0xf9: {  	[sflag:s16] =	ssyncadd.s32 $0xFFFFFC00  }
0xfa: {  	v2 =	vld [tilespmem:$0x900]  }
0xfb: {  	v3 =	vld [tilespmem:$0xD00]  }
0xfc: {  	v4 =	vld [tilespmem:$0x910]  }
0xfd: {  	v5 =	vld [tilespmem:$0xD10]  }
0xfe: {  	v6 =	vld [tilespmem:$0x920]  }
0xff: {  	v7 =	vld [tilespmem:$0xD20]  }
0x100: {  	v8 =	vld [tilespmem:$0x930]  }
0x101: {  	v9 =	vld [tilespmem:$0xD30]  }
0x102: {  	v10 =	vld [tilespmem:$0x940]  }
0x103: {  	v11 =	vld [tilespmem:$0xD40]  }
0x104: {  	v12 =	vld [tilespmem:$0x950]  }
0x105: {  	v13 =	vld [tilespmem:$0xD50]  }
0x106: {  	v14 =	vld [tilespmem:$0x960]  }
0x107: {  	v15 =	vld [tilespmem:$0xD60]  }
0x108: {  	v16 =	vld [tilespmem:$0x970]  }
0x109: {  	v17 =	vld [tilespmem:$0xD70]  }
0x10a: {  	v18 =	vld [tilespmem:$0x980]  }
0x10b: {  	v19 =	vld [tilespmem:$0xD80]  }
0x10c: {  	v20 =	vld [tilespmem:$0x990]  }
0x10d: {  	v21 =	vld [tilespmem:$0xD90]  }
0x10e: {  	v22 =	vld [tilespmem:$0x9A0]  }
0x10f: {  	v23 =	vld [tilespmem:$0xDA0]  }
0x110: {  	v24 =	vld [tilespmem:$0x9B0]  }
0x111: {  	v25 =	vld [tilespmem:$0xDB0]  }
0x112: {  	v26 =	vld [tilespmem:$0x9C0]  }
0x113: {  	v27 =	vld [tilespmem:$0xDC0]  }
0x114: {  	v28 =	vld [tilespmem:$0x9D0]  }
0x115: {  	v29 =	vld [tilespmem:$0xDD0]  }
0x116: {  	v30 =	vld [tilespmem:$0x9E0]  }
0x117: {  	v31 =	vld [tilespmem:$0xDE0]  }
0x118: {  	v32 =	vld [tilespmem:$0x9F0]  }
0x119: {  	v33 =	vld [tilespmem:$0xDF0]  }
0x11a: {  	v34 =	vld [tilespmem:$0xA00]  }
0x11b: {  	v35 =	vld [tilespmem:$0xE00]  }
0x11c: {  	v36 =	vld [tilespmem:$0xA10]  }
0x11d: {  	v37 =	vld [tilespmem:$0xE10]  }
0x11e: {  	v38 =	vld [tilespmem:$0xA20]  }
0x11f: {  	v39 =	vld [tilespmem:$0xE20]  }
0x120: {  	v40 =	vld [tilespmem:$0xA30]  }
0x121: {  	v41 =	vld [tilespmem:$0xE30]  }
0x122: {  	v42 =	vld [tilespmem:$0xA40]  }
0x123: {  	v43 =	vld [tilespmem:$0xE40]  }
0x124: {  	v44 =	vld [tilespmem:$0xA50]  }
0x125: {  	v45 =	vld [tilespmem:$0xE50]  }
0x126: {  	v46 =	vld [tilespmem:$0xA60]  }
0x127: {  	v47 =	vld [tilespmem:$0xE60]  }
0x128: {  	v48 =	vld [tilespmem:$0xA70]  }
0x129: {  	v49 =	vld [tilespmem:$0xE70]  }
0x12a: {  	v50 =	vld [tilespmem:$0xA80]  }
0x12b: {  	v51 =	vld [tilespmem:$0xE80]  }
0x12c: {  	v52 =	vld [tilespmem:$0xA90]  }
0x12d: {  	v53 =	vld [tilespmem:$0xE90]  }
0x12e: {  	v54 =	vld [tilespmem:$0xAA0]  }
0x12f: {  	v55 =	vld [tilespmem:$0xEA0]  }
0x130: {  	v56 =	vld [tilespmem:$0xAB0]  }
0x131: {  	v57 =	vld [tilespmem:$0xEB0]  }
0x132: {  	v58 =	vld [tilespmem:$0xAC0]  }
0x133: {  	v59 =	vld [tilespmem:$0xEC0]  }
0x134: {  	v60 =	vld [tilespmem:$0xAD0]  }
0x135: {  	v0 =	vld [tilespmem:$0xAF0]  }
0x136: {  	v61 =	vld [tilespmem:$0xED0]  }
0x137: {  	v62 =	vld [tilespmem:$0xAE0]  }
0x138: {  	v63 =	vld [tilespmem:$0xEE0]  }
0x139: {  	v1 =	vld [tilespmem:$0xEF0]  }
0x13a: {  	[tilespmem:$0x1FBA0] =	vst v0;
	v0 =	vld [tilespmem:$0xB00]  }
0x13b: {  	v2 =	vadd.f32 v3, v2;
	v3 =	vld [tilespmem:$0xF20]  }
0x13c: {  	v4 =	vadd.f32 v5, v4;
	v5 =	vld [tilespmem:$0xB30]  }
0x13d: {  	v13 =	vadd.f32 v13, v12;
	v12 =	vld [tilespmem:$0xF60]  }
0x13e: {  	v15 =	vadd.f32 v15, v14;
	v14 =	vld [tilespmem:$0xF70]  }
0x13f: {  	v17 =	vadd.f32 v17, v16;
	v16 =	vld [tilespmem:$0xF80]  }
0x140: {  	v19 =	vadd.f32 v19, v18;
	v18 =	vld [tilespmem:$0xF90]  }
0x141: {  	v21 =	vadd.f32 v21, v20;
	v20 =	vld [tilespmem:$0xFA0]  }
0x142: {  	v23 =	vadd.f32 v23, v22;
	v22 =	vld [tilespmem:$0xFB0];
	[tilespmem:$0x1100] =	vst v2  }
0x143: {  	v25 =	vadd.f32 v25, v24;
	v24 =	vld [tilespmem:$0xFC0];
	[tilespmem:$0x1110] =	vst v4  }
0x144: {  	v27 =	vadd.f32 v27, v26;
	v26 =	vld [tilespmem:$0xFD0];
	[tilespmem:$0x1150] =	vst v13  }
0x145: {  	v29 =	vadd.f32 v29, v28;
	v28 =	vld [tilespmem:$0xFE0];
	[tilespmem:$0x1160] =	vst v15  }
0x146: {  	v31 =	vadd.f32 v31, v30;
	v30 =	vld [tilespmem:$0xFF0];
	[tilespmem:$0x1170] =	vst v17  }
0x147: {  	v33 =	vadd.f32 v33, v32;
	v32 =	vld [tilespmem:$0x1000];
	[tilespmem:$0x1180] =	vst v19  }
0x148: {  	v35 =	vadd.f32 v35, v34;
	v34 =	vld [tilespmem:$0x1010];
	[tilespmem:$0x1190] =	vst v21  }
0x149: {  	v43 =	vadd.f32 v43, v42;
	v42 =	vld [tilespmem:$0x1020];
	[tilespmem:$0x11A0] =	vst v23  }
0x14a: {  	v37 =	vadd.f32 v37, v36;
	v36 =	vadd.f32 v59, v58;
	v59 =	vld [tilespmem:$0x1060];
	[tilespmem:$0x11B0] =	vst v25  }
0x14b: {  	v39 =	vadd.f32 v39, v38;
	v38 =	vadd.f32 v63, v62;
	v63 =	vld [tilespmem:$0x1070];
	[tilespmem:$0x11C0] =	vst v27  }
0x14c: {  	v2 =	vadd.f32 v7, v6;
	v6 =	vld [tilespmem:$0xF30];
	[tilespmem:$0x11D0] =	vst v29  }
0x14d: {  	v7 =	vld [tilespmem:$0xB40];
	[tilespmem:$0x11E0] =	vst v31  }
0x14e: {  	v4 =	vadd.f32 v9, v8;
	v8 =	vld [tilespmem:$0xF40];
	[tilespmem:$0x11F0] =	vst v33  }
0x14f: {  	v9 =	vld [tilespmem:$0xB50];
	[tilespmem:$0x1200] =	vst v35  }
0x150: {  	v41 =	vadd.f32 v41, v40;
	v13 =	vld [tilespmem:$0xB70];
	[tilespmem:$0x1210] =	vst v37  }
0x151: {  	v15 =	vld [tilespmem:$0xB80];
	[tilespmem:$0x1220] =	vst v39  }
0x152: {  	v45 =	vadd.f32 v45, v44;
	v17 =	vld [tilespmem:$0xB90];
	[tilespmem:$0x1230] =	vst v41  }
0x153: {  	v47 =	vadd.f32 v47, v46;
	v19 =	vld [tilespmem:$0xBA0];
	[tilespmem:$0x1240] =	vst v43  }
0x154: {  	v49 =	vadd.f32 v49, v48;
	v21 =	vld [tilespmem:$0xBB0];
	[tilespmem:$0x1250] =	vst v45  }
0x155: {  	v51 =	vadd.f32 v51, v50;
	v23 =	vld [tilespmem:$0xBC0];
	[tilespmem:$0x1260] =	vst v47  }
0x156: {  	v53 =	vadd.f32 v53, v52;
	v25 =	vld [tilespmem:$0xBD0];
	[tilespmem:$0x1270] =	vst v49  }
0x157: {  	v55 =	vadd.f32 v55, v54;
	v27 =	vld [tilespmem:$0xBE0];
	[tilespmem:$0x1280] =	vst v51  }
0x158: {  	v57 =	vadd.f32 v57, v56;
	v29 =	vld [tilespmem:$0xBF0];
	[tilespmem:$0x1290] =	vst v53  }
0x159: {  	v31 =	vld [tilespmem:$0xC00];
	[tilespmem:$0x12A0] =	vst v55  }
0x15a: {  	[tilespmem:$0x12B0] =	vst v57;
	v33 =	vld [tilespmem:$0xC10]  }
0x15b: {  	[tilespmem:$0x12C0] =	vst v36;
	v39 =	vld [tilespmem:$0x1FBA0]  }
0x15c: {  	[tilespmem:$0x12E0] =	vst v38;
	v45 =	vld [tilespmem:$0xC30]  }
0x15d: {  	v37 =	vadd.f32 v61, v60;
	v47 =	vld [tilespmem:$0x1030];
	[tilespmem:$0x1120] =	vst v2  }
0x15e: {  	v49 =	vld [tilespmem:$0xC40];
	[tilespmem:$0x1130] =	vst v4  }
0x15f: {  	v51 =	vld [tilespmem:$0x1040];
	v2 =	vadd.f32 v11, v10;
	[tilespmem:$0x12D0] =	vst v37  }
0x160: {  	[tilespmem:$0x1FBB0] =	vst v0;
	v0 =	vld [tilespmem:$0xF00];
	v48 =	vadd.f32 v6, v5  }
0x161: {  	v53 =	vld [tilespmem:$0xC50];
	[tilespmem:$0x1140] =	vst v2;
	v50 =	vadd.f32 v8, v7  }
0x162: {  	v55 =	vld [tilespmem:$0x1050];
	v56 =	vadd.f32 v14, v13;
	[tilespmem:$0x1330] =	vst v48  }
0x163: {  	v57 =	vld [tilespmem:$0xC60];
	[tilespmem:$0x1340] =	vst v50  }
0x164: {  	v61 =	vld [tilespmem:$0xC70];
	v58 =	vadd.f32 v16, v15;
	[tilespmem:$0x1370] =	vst v56  }
0x165: {  	v60 =	vadd.f32 v18, v17;
	[tilespmem:$0x1FBC0] =	vst v0;
	v0 =	vld [tilespmem:$0xB10]  }
0x166: {  	v10 =	vld [tilespmem:$0xF50];
	v62 =	vadd.f32 v20, v19;
	[tilespmem:$0x1380] =	vst v58  }
0x167: {  	v11 =	vld [tilespmem:$0xB60];
	v21 =	vadd.f32 v22, v21;
	[tilespmem:$0x1390] =	vst v60  }
0x168: {  	v37 =	vld [tilespmem:$0xCA0];
	[tilespmem:$0x13A0] =	vst v62  }
0x169: {  	v40 =	vld [tilespmem:$0x1FBB0];
	v23 =	vadd.f32 v24, v23;
	[tilespmem:$0x13B0] =	vst v21  }
0x16a: {  	v25 =	vadd.f32 v26, v25;
	[tilespmem:$0x1FBD0] =	vst v0;
	v0 =	vld [tilespmem:$0xF10]  }
0x16b: {  	v22 =	vld [tilespmem:$0xC80];
	v52 =	vadd.f32 v10, v9;
	[tilespmem:$0x13C0] =	vst v23  }
0x16c: {  	v54 =	vadd.f32 v12, v11;
	[tilespmem:$0x13D0] =	vst v25;
	v41 =	vld [tilespmem:$0x1FBC0]  }
0x16d: {  	[tilespmem:$0x1350] =	vst v52;
	v52 =	vld [tilespmem:$0xCE0]  }
0x16e: {  	v27 =	vadd.f32 v28, v27;
	[tilespmem:$0x1360] =	vst v54;
	v54 =	vld [tilespmem:$0x10E0]  }
0x16f: {  	v36 =	vadd.f32 v30, v29;
	[tilespmem:$0x1FBE0] =	vst v0;
	v0 =	vld [tilespmem:$0xB20]  }
0x170: {  	v38 =	vadd.f32 v32, v31;
	[tilespmem:$0x13E0] =	vst v27;
	v43 =	vld [tilespmem:$0x1FBD0]  }
0x171: {  	[tilespmem:$0x13F0] =	vst v36;
	v2 =	vadd.f32 v41, v40;
	v44 =	vld [tilespmem:$0x1FBE0]  }
0x172: {  	v24 =	vld [tilespmem:$0x1080];
	[tilespmem:$0x1400] =	vst v38  }
0x173: {  	v26 =	vld [tilespmem:$0xC90];
	v40 =	vadd.f32 v34, v33;
	[tilespmem:$0x1300] =	vst v2  }
0x174: {  	v28 =	vld [tilespmem:$0x1090];
	[tilespmem:$0x1FBF0] =	vst v0;
	v0 =	vadd.f32 v1, v39  }
0x175: {  	v48 =	vld [tilespmem:$0xCD0];
	v62 =	vadd.f32 v54, v52;
	[tilespmem:$0x1410] =	vst v40  }
0x176: {  	v50 =	vld [tilespmem:$0x10D0];
	[tilespmem:$0x12F0] =	vst v0;
	v0 =	vadd.f32 v44, v43  }
0x177: {  	v56 =	vld [tilespmem:$0xCF0];
	[tilespmem:$0x14E0] =	vst v62;
	v43 =	vadd.f32 v47, v45  }
0x178: {  	v58 =	vld [tilespmem:$0x10F0];
	v45 =	vadd.f32 v51, v49;
	[tilespmem:$0x1310] =	vst v0  }
0x179: {  	v1 =	vld [tilespmem:$0xC20];
	v47 =	vadd.f32 v55, v53;
	[tilespmem:$0x1430] =	vst v43  }
0x17a: {  	v46 =	vld [tilespmem:$0x1FBF0];
	v49 =	vadd.f32 v59, v57;
	[tilespmem:$0x1440] =	vst v45  }
0x17b: {  	v41 =	vld [tilespmem:$0xCB0];
	v51 =	vadd.f32 v63, v61;
	[tilespmem:$0x1450] =	vst v47  }
0x17c: {  	v39 =	vld [tilespmem:$0x10A0];
	v53 =	vadd.f32 v24, v22;
	[tilespmem:$0x1460] =	vst v49  }
0x17d: {  	v44 =	vld [tilespmem:$0xCC0];
	v55 =	vadd.f32 v28, v26;
	[tilespmem:$0x1470] =	vst v51  }
0x17e: {  	v61 =	vadd.f32 v50, v48;
	[tilespmem:$0x1480] =	vst v53;
	v1 =	vadd.f32 v42, v1;
	v42 =	vld [tilespmem:$0x10B0]  }
0x17f: {  	v63 =	vadd.f32 v58, v56;
	[tilespmem:$0x1490] =	vst v55;
	v2 =	vadd.f32 v3, v46;
	v46 =	vld [tilespmem:$0x10C0]  }
0x180: {  	[tilespmem:$0x14D0] =	vst v61  }
0x181: {  	[tilespmem:$0x14F0] =	vst v63;
	v57 =	vadd.f32 v39, v37  }
0x182: {  	[tilespmem:$0x1420] =	vst v1  }
0x183: {  	[tilespmem:$0x14A0] =	vst v57;
	v59 =	vadd.f32 v42, v41  }
0x184: {  	[tilespmem:$0x1320] =	vst v2;
	v60 =	vadd.f32 v46, v44  }
0x185: {  	p0 =	sne.s32 s7, $0x1;
	[tilespmem:$0x14B0] =	vst v59  }
.Ltmp0:
0x186: {  	[tilespmem:$0x14C0] =	vst v60;
	(pc) =	sbr.rel @p0 .LBB2_1-.Ltmp0, $4  }
0x187: {  	[hbm4b:s6+s3] =	stream.linear.scatter [tilespmem:s17], [sflag:$0x3], $0x400, $0x38;
	[tilespmem:$0x1500] =	vst v63  }
0x188: {  	_ =	swait.ge [sflag:s8], $0x400  }
0x189: {  	[sflag:s8] =	ssyncset.done $0x0  }
0x18a: {  	s7 =	sadd.s32 $0xFFFFFFFF, s7;
	[sflag:s8] =	ssyncadd.s32 $0xFFFFFC00  }
0x18b: {  	_ =	sfence.sel $0x180000  }
0x18c: {  	[bflag:$0x0] =	sbarrier.arrive $0xFFFF  }
0x18d: {  	p0 =	sne.s32 s0, $0x0;
	_ =	strace $0x90000047  }
0x18e: {  	s0 =	sadd.s32 @!p0 $0x100000, s2;
	[bflag:$0x2] =	sbarrier.arrive $0xFFFF  }
0x18f: {  	[sflag:s0] =	ssyncadd.tile.s32 @!p0 $0x1;
	_ =	shalt  }
.Lfunc_end2:
_tile_overlayer_lowered:
.L_overlay_start_2:
0x190: {  	(tag) =	ssettag $0x2  }
0x191: {  	s0 =	rddreg [dreg:$0x0];
	s2 =	stileid.u32  }
0x192: {  	s1 =	rddreg [dreg:$0x1];
	p0 =	sne.s32 s2, $0x0  }
0x193: {  	s3 =	rddreg [dreg:$0x2];
	[bflag:$0x3] =	sbarrier.arrive $0xFFFF;
	s2 =	simm.s32 @!p0 $0x1C03  }
0x194: {  	[timem:s3], [sflag:s2] =	dma.local @!p0 [hbm:s0], s1  }
0x195: {  	s0 =	simm.s32 @!p0 $0x3  }
0x196: {  	_ =	swait.ge @!p0 [sflag:s0], s1  }
0x197: {  	s1 =	ssub.s32 @!p0 $0x0, s1;
	[sflag:s0] =	ssyncset.done @!p0 $0x0  }
0x198: {  	[sflag:s0] =	ssyncadd.s32 @!p0 s1  }
0x199: {  	[bflag:$0x3] =	sbarrier.arrive $0xFFFF  }
0x19a: {  	_ =	shalt  }

</sc_bundles>
